<compile_context>
chip_gen: v7x
topology: tpu7x:2x2x1
jax: 0.10.2.dev20260603
libtpu: 0.0.44.dev20260713+nightly
codegen_flags: <defaults>
</compile_context>

<pallas_src>
import functools

import jax
import jax.numpy as jnp
import numpy as np
from jax import lax
from jax.experimental import pallas as pl
from jax.experimental.pallas import tpu as pltpu
from jax.experimental.pallas import tpu_sc as plsc

INPUT_DIM_ = 1024
N_HDIM_ = 512
QDIM_ = 4096
BATCH_ = 4096

_BM = 256
_GRID = BATCH_ // _BM
_PREC = lax.Precision.DEFAULT

_NC = 2
_NS = 16
_NW = _NC * _NS
_RPW = BATCH_ // _NW
_L = 16
_NCH = QDIM_ // _L
_SIGN = np.int32(-(2**31))



def _dot(a, b):
    return lax.dot_general(a, b, (((1,), (0,)), ((), ())),
                           precision=_PREC,
                           preferred_element_type=jnp.float32)


def _tc_body(x_ref, w1_ref, b1_ref, w2_ref, b2_ref, kpw1_ref, kpb1_ref,
             kpw2_ref, kpb2_ref, kpw3_ref, kpb3_ref, ksc_ref,
             logits_ref, k_ref, n_ref):
    x = x_ref[...]
    h = jnp.maximum(_dot(x, w1_ref[...]) + b1_ref[...][None, :], 0.0)
    logits = _dot(h, w2_ref[...]) + b2_ref[...][None, :]
    logits_ref[...] = logits
    inp = jnp.concatenate([x, logits], axis=1)
    h1 = jnp.maximum(_dot(inp, kpw1_ref[...]) + kpb1_ref[...][None, :], 0.0)
    h2 = jnp.maximum(_dot(h1, kpw2_ref[...]) + kpb2_ref[...][None, :], 0.0)
    z = _dot(h2, kpw3_ref[...])[:, 0:1] + kpb3_ref[...]
    k = jax.nn.sigmoid(z) * float(QDIM_)
    k = jnp.clip(k * jax.nn.sigmoid(ksc_ref[...]) * 2.0, 1.0, float(QDIM_))
    k_ref[...] = k[:, 0]
    n_ref[...] = jnp.ceil(k[:, 0]).astype(jnp.int32)


def _tc_call(x, enc_w1, enc_b1, enc_w2, enc_b2, kp_w1, kp_b1, kp_w2, kp_b2,
             kp_w3_row, kp_b3s, k_scales):
    return pl.pallas_call(
        _tc_body,
        grid=(_GRID,),
        in_specs=[
            pl.BlockSpec((_BM, INPUT_DIM_), lambda i: (i, 0)),
            pl.BlockSpec((INPUT_DIM_, N_HDIM_), lambda i: (0, 0)),
            pl.BlockSpec((N_HDIM_,), lambda i: (0,)),
            pl.BlockSpec((N_HDIM_, QDIM_), lambda i: (0, 0)),
            pl.BlockSpec((QDIM_,), lambda i: (0,)),
            pl.BlockSpec((INPUT_DIM_ + QDIM_, N_HDIM_), lambda i: (0, 0)),
            pl.BlockSpec((N_HDIM_,), lambda i: (0,)),
            pl.BlockSpec((N_HDIM_, N_HDIM_), lambda i: (0, 0)),
            pl.BlockSpec((N_HDIM_,), lambda i: (0,)),
            pl.BlockSpec((N_HDIM_, 128), lambda i: (0, 0)),
            pl.BlockSpec((1, 1), lambda i: (0, 0)),
            pl.BlockSpec((1, 1), lambda i: (0, 0)),
        ],
        out_specs=[
            pl.BlockSpec((_BM, QDIM_), lambda i: (i, 0)),
            pl.BlockSpec((_BM,), lambda i: (i,)),
            pl.BlockSpec((_BM,), lambda i: (i,)),
        ],
        out_shape=[
            jax.ShapeDtypeStruct((BATCH_, QDIM_), jnp.float32),
            jax.ShapeDtypeStruct((BATCH_,), jnp.float32),
            jax.ShapeDtypeStruct((BATCH_,), jnp.int32),
        ],
    )(x, enc_w1, enc_b1, enc_w2, enc_b2, kp_w1, kp_b1, kp_w2, kp_b2,
      kp_w3_row, kp_b3s, k_scales)



def _sc_body(logits_hbm, n_hbm, out_hbm, row_v, s_v, out_v, n_v,
             hist_v, totals_v, cand_v, cand2_v, sem_in, sem_out):
    cid = lax.axis_index("c")
    sid = lax.axis_index("s")
    wid = sid * _NC + cid
    base = wid * _RPW
    pltpu.sync_copy(n_hbm.at[pl.ds(base, _RPW)], n_v)
    pltpu.async_copy(logits_hbm.at[base], row_v.at[pl.ds(0, QDIM_)], sem_in)

    lane = lax.broadcasted_iota(jnp.int32, (_L,), 0)
    laneoff = lane << 8
    zero_v = jnp.zeros((_L,), jnp.int32)
    ones_v = jnp.full((_L,), 1, jnp.int32)
    pad_v = jnp.full((_L,), _SIGN, jnp.int32)

    def zero_hist():
        @plsc.parallel_loop(0, 256, unroll=8)
        def _(ci):
            hist_v[pl.ds(ci * _L, _L)] = zero_v

    def merge_hist():
        @plsc.parallel_loop(0, 16, unroll=2)
        def _(j):
            tot = hist_v[pl.ds(j * _L, _L)]
            for reg in range(1, 16):
                tot = tot + hist_v[pl.ds(reg * 256 + j * _L, _L)]
            totals_v[pl.ds(j * _L, _L)] = tot

    def find_boundary(rem):
        @plsc.parallel_loop(0, 16, unroll=4,
                            carry=(jnp.int32(0), jnp.int32(0)))
        def fdres(j, st):
            carry, dcount = st
            tot = totals_v[pl.ds(j * _L, _L)]
            incl = plsc.cumsum(tot)
            excl = incl - tot
            cond = (excl + carry) <= rem
            dcount = dcount + plsc.all_reduce_population_count(cond)[0]
            carry = carry + incl[15]
            return carry, dcount
        D = fdres[1] - 1

        @plsc.parallel_loop(0, 16, unroll=4, carry=(zero_v, zero_v))
        def accs(j, st):
            accA, accC = st
            tot = totals_v[pl.ds(j * _L, _L)]
            dig = lane + j * _L
            accA = accA + jnp.where(dig <= D, tot, 0)
            accC = accC + jnp.where(dig == D, tot, 0)
            return accA, accC
        return D, jnp.sum(accs[0]), jnp.sum(accs[1])

    def do_row(r, carry):
        row = base + r
        ro = (r % 2) * QDIM_
        oo = (r % 2) * QDIM_
        rb = row_v.at[pl.ds(ro, QDIM_)]
        ob = out_v.at[pl.ds(oo, QDIM_)]
        pltpu.make_async_copy(logits_hbm.at[row], rb, sem_in).wait()

        @pl.when(r + 1 < _RPW)
        def _():
            pltpu.async_copy(logits_hbm.at[row + 1],
                             row_v.at[pl.ds(((r + 1) % 2) * QDIM_, QDIM_)],
                             sem_in)
        nchunk = n_v[pl.ds((r // _L) * _L, _L)]
        n = jnp.sum(jnp.where(lane == r % _L, nchunk, 0))

        zero_hist()

        @plsc.parallel_loop(0, _NCH, unroll=8)
        def _(ci):
            f = rb[pl.ds(ci * _L, _L)]
            b = plsc.bitcast(f, jnp.int32)
            sv = jnp.where(b < 0, -(b & jnp.int32(0x7FFFFFFF)), b)
            s_v[pl.ds(ci * _L, _L)] = sv
            d = lax.shift_right_logical(sv, 24) ^ 0x80
            plsc.addupdate_scatter(hist_v, [laneoff | d], ones_v)

        merge_hist()
        D, pinc, c_cand = find_boundary(QDIM_ - n)
        c_gt_b = QDIM_ - pinc
        np1 = n - c_gt_b

        @plsc.parallel_loop(0, _NCH, unroll=8, carry=jnp.int32(0))
        def off(ci, off_c):
            sv = s_v[pl.ds(ci * _L, _L)]
            d = lax.shift_right_logical(sv, 24) ^ 0x80
            m = d == D
            plsc.store_compressed(cand_v.at[pl.ds(off_c, _L)], sv, mask=m)
            return off_c + plsc.all_reduce_population_count(m)[0]
        cand_v[pl.ds(off, _L)] = pad_v
        nch2 = (c_cand + (_L - 1)) // _L
        ntot2 = nch2 * _L

        zero_hist()

        @plsc.parallel_loop(0, nch2, unroll=2)
        def _(ci):
            sv = cand_v[pl.ds(ci * _L, _L)]
            d2 = lax.shift_right_logical(sv, 16) & 0xFF
            plsc.addupdate_scatter(hist_v, [laneoff | d2], ones_v)

        merge_hist()
        D2, pinc2, _ = find_boundary(ntot2 - np1)
        c_gt_b2 = ntot2 - pinc2
        np2 = np1 - c_gt_b2

        @plsc.parallel_loop(0, nch2, unroll=2, carry=jnp.int32(0))
        def off2(ci, off_c):
            sv = cand_v[pl.ds(ci * _L, _L)]
            d2 = lax.shift_right_logical(sv, 16) & 0xFF
            m = d2 == D2
            plsc.store_compressed(cand2_v.at[pl.ds(off_c, _L)], sv, mask=m)
            return off_c + plsc.all_reduce_population_count(m)[0]
        cand2_v[pl.ds(off2, _L)] = pad_v
        nch3 = (off2 + (_L - 1)) // _L

        t0 = (D << 24) | (D2 << 16)

        def bit_step(i, t_u):
            bit = 15 - i
            t2 = t_u | (jnp.int32(1) << bit)
            thr_s = t2 ^ _SIGN

            def cc(ci, acc):
                sv = cand2_v[pl.ds(ci * _L, _L)]
                return acc + jnp.where(sv >= thr_s, 1, 0)
            cnt = jnp.sum(lax.fori_loop(0, nch3, cc, zero_v))
            return jnp.where(cnt >= np2, t2, t_u)
        t_u = lax.fori_loop(0, 16, bit_step, t0)
        thr = t_u ^ _SIGN

        def cnt_in(ci, st):
            g, e = st
            sv = cand2_v[pl.ds(ci * _L, _L)]
            g = g + jnp.where(sv > thr, 1, 0)
            e = e + jnp.where(sv == thr, 1, 0)
            return g, e
        gacc, eacc = lax.fori_loop(0, nch3, cnt_in, (zero_v, zero_v))
        c_gt = c_gt_b + c_gt_b2 + jnp.sum(gacc)
        c_eq = jnp.sum(eacc)
        rneed = n - c_gt

        @pl.when(r >= 1)
        def _():
            pltpu.make_async_copy(
                out_v.at[pl.ds(((r - 1) % 2) * QDIM_, QDIM_)],
                out_hbm.at[row - 1], sem_out).wait()

        @plsc.parallel_loop(0, _NCH, unroll=8)
        def _(ci):
            sv = s_v[pl.ds(ci * _L, _L)]
            ob[pl.ds(ci * _L, _L)] = jnp.where(sv >= thr, 1.0, 0.0)

        def fix_cond(st):
            return st[1] > 0

        def fix_body(st):
            ci, extra = st
            sv = s_v[pl.ds(ci * _L, _L)]
            m_eq = sv == thr
            eq = jnp.where(m_eq, 1, 0).astype(jnp.int32)
            ec = plsc.all_reduce_population_count(m_eq)[0]
            pref = plsc.cumsum(eq)
            clear = m_eq & (pref > (ec - extra))
            cur = ob[pl.ds(ci * _L, _L)]
            ob[pl.ds(ci * _L, _L)] = jnp.where(clear, 0.0, cur)
            return ci - 1, extra - jnp.minimum(ec, extra)
        lax.while_loop(fix_cond, fix_body,
                       (jnp.int32(_NCH - 1), c_eq - rneed))

        pltpu.async_copy(ob, out_hbm.at[row], sem_out)
        return carry
    lax.fori_loop(0, _RPW, do_row, 0)
    pltpu.make_async_copy(out_v.at[pl.ds(((_RPW - 1) % 2) * QDIM_, QDIM_)],
                          out_hbm.at[base + _RPW - 1], sem_out).wait()


@functools.cache
def _sc_mask_call():
    return pl.kernel(
        _sc_body,
        out_type=jax.ShapeDtypeStruct((BATCH_, QDIM_), jnp.float32),
        mesh=plsc.VectorSubcoreMesh(core_axis_name="c", subcore_axis_name="s",
                                    num_cores=_NC, num_subcores=_NS),
        compiler_params=pltpu.CompilerParams(needs_layout_passes=False),
        scratch_types=[
            pltpu.VMEM((2 * QDIM_,), jnp.float32),
            pltpu.VMEM((QDIM_,), jnp.int32),
            pltpu.VMEM((2 * QDIM_,), jnp.float32),
            pltpu.VMEM((_RPW,), jnp.int32),
            pltpu.VMEM((4096,), jnp.int32),
            pltpu.VMEM((256,), jnp.int32),
            pltpu.VMEM((QDIM_ + _L,), jnp.int32),
            pltpu.VMEM((QDIM_ + _L,), jnp.int32),
            pltpu.SemaphoreType.DMA,
            pltpu.SemaphoreType.DMA,
        ],
    )


def kernel(x, enc_w1, enc_b1, enc_w2, enc_b2, kp_w1, kp_b1, kp_w2, kp_b2,
           kp_w3, kp_b3, k_scale):
    w3pad = jnp.pad(kp_w3, ((0, 0), (0, 127)))
    logits, kvec, nvec = _tc_call(
        x, enc_w1, enc_b1, enc_w2, enc_b2, kp_w1, kp_b1, kp_w2, kp_b2,
        w3pad, kp_b3.reshape(1, 1), k_scale.reshape(1, 1))
    khot = _sc_mask_call()(logits, nvec)
    return khot, kvec.reshape(BATCH_, 1)

# --- scband reference (transcript-rebuilt; emitter-appended) ---
"""Pipeline reference for scband-dyn-fkhot-33389075759176 (READ-ONLY COPY).

The authoritative reference and input builder live on the scoring server;
editing this copy changes nothing except your own understanding.
"""

import jax, jax.numpy as jnp
import numpy as np

INPUT_DIM = 1024
N_HDIM = 512
QDIM = 4096
BATCH = 4096


def dyn_fkhot_forward(x, k):
    qdim = x.shape[-1]
    kc = jnp.clip(k, 1.0, float(qdim))
    sorted_indices = jnp.argsort(-x, axis=-1)  # descending
    inv = jnp.argsort(sorted_indices, axis=-1)
    k_range = jnp.arange(qdim)[None, :].astype(kc.dtype)
    k_hot_mask = (k_range < kc).astype(jnp.float32)
    k_hot = jnp.take_along_axis(k_hot_mask, inv, axis=-1)
    return k_hot


def setup_inputs(seed: int = 0) -> dict:
    key = jax.random.key(seed)
    ks = jax.random.split(key, 16)
    x = jax.random.normal(ks[0], (BATCH, INPUT_DIM), dtype=jnp.float32)
    s = 0.02
    params = {
        'enc_w1': jax.random.normal(ks[1], (INPUT_DIM, N_HDIM), dtype=jnp.float32) * s,
        'enc_b1': jnp.zeros((N_HDIM,), dtype=jnp.float32),
        'enc_w2': jax.random.normal(ks[2], (N_HDIM, QDIM), dtype=jnp.float32) * s,
        'enc_b2': jnp.zeros((QDIM,), dtype=jnp.float32),
        'kp_w1': jax.random.normal(ks[3], (INPUT_DIM + QDIM, N_HDIM), dtype=jnp.float32) * s,
        'kp_b1': jnp.zeros((N_HDIM,), dtype=jnp.float32),
        'kp_w2': jax.random.normal(ks[4], (N_HDIM, N_HDIM), dtype=jnp.float32) * s,
        'kp_b2': jnp.zeros((N_HDIM,), dtype=jnp.float32),
        'kp_w3': jax.random.normal(ks[5], (N_HDIM, 1), dtype=jnp.float32) * s,
        'kp_b3': jnp.zeros((1,), dtype=jnp.float32),
        'k_scale': jnp.ones((1,), dtype=jnp.float32),
    }
    out = {'x': x}
    out.update(params)
    return out


def reference(x, enc_w1, enc_b1, enc_w2, enc_b2, kp_w1, kp_b1, kp_w2, kp_b2, kp_w3, kp_b3, k_scale):
    qdim = enc_w2.shape[1]
    h = jax.nn.relu(x @ enc_w1 + enc_b1)
    logits = h @ enc_w2 + enc_b2
    inp = jnp.concatenate([x, jax.lax.stop_gradient(logits)], axis=-1)
    h1 = jax.nn.relu(inp @ kp_w1 + kp_b1)
    h2 = jax.nn.relu(h1 @ kp_w2 + kp_b2)
    k = jax.nn.sigmoid(h2 @ kp_w3 + kp_b3) * float(qdim)
    k = jnp.clip(k * jax.nn.sigmoid(k_scale) * 2.0, 1.0, float(qdim))
    khot = dyn_fkhot_forward(logits, k)
    return khot, k

if __name__ == "__main__":
    import jax
    _d = setup_inputs()
    print(jax.jit(kernel)(*tuple(_d.values())))

</pallas_src>

<mosaic_0001>
#map = affine_map<(d0, d1) -> (0, 0)>
#map1 = affine_map<(d0, d1) -> (0)>
module attributes {stable_mosaic.version = 14 : i64} {
  func.func @_sc_body(%arg0: i32, %arg1: i32, %arg2: memref<4096x4096xf32, #tpu.memory_space<hbm>>, %arg3: memref<4096xi32, #tpu.memory_space<hbm>>, %arg4: memref<4096x4096xf32, #tpu.memory_space<hbm>>, %arg5: memref<8192xf32, #tpu.memory_space<vmem>>, %arg6: memref<4096xi32, #tpu.memory_space<vmem>>, %arg7: memref<8192xf32, #tpu.memory_space<vmem>>, %arg8: memref<128xi32, #tpu.memory_space<vmem>>, %arg9: memref<4096xi32, #tpu.memory_space<vmem>>, %arg10: memref<256xi32, #tpu.memory_space<vmem>>, %arg11: memref<4112xi32, #tpu.memory_space<vmem>>, %arg12: memref<4112xi32, #tpu.memory_space<vmem>>, %arg13: memref<!tpu.dma_semaphore, #tpu.memory_space<semaphore_mem>>, %arg14: memref<!tpu.dma_semaphore, #tpu.memory_space<semaphore_mem>>) attributes {dimension_semantics = [#tpu.dimension_semantics<core_parallel>, #tpu.dimension_semantics<subcore_parallel>], iteration_bounds = array<i64: 2, 16>, scalar_prefetch = 0 : i64, scratch_operands = 10 : i64, tpu.core_type = #tpu.core_type<sc_vector_subcore>, window_params = [{transform_indices = #map}, {transform_indices = #map1}, {transform_indices = #map}]} {
    %mul3A = arith.constant 2 : i32
    %mul3A_0 = arith.muli %arg1, %mul3A : i32
    %add3A = arith.addi %mul3A_0, %arg0 : i32
    %mul3A_1 = arith.constant 128 : i32
    %mul3A_2 = arith.muli %add3A, %mul3A_1 : i32
    "tpu.region"() ({
      %run_scoped3A = tpu.sem_alloc : memref<!tpu.dma_semaphore, #tpu.memory_space<semaphore_mem>>
      %dma_start3A_36 = tpu.memref_slice %arg3[%mul3A_2] : memref<4096xi32, #tpu.memory_space<hbm>> -> memref<128xi32, #tpu.memory_space<hbm>>
      %dma_start3A_37 = tpu.memref_slice %arg3[%mul3A_2] : memref<4096xi32, #tpu.memory_space<hbm>> -> memref<128xi32, #tpu.memory_space<hbm>>
      tpu.enqueue_dma source(%dma_start3A_37 : memref<128xi32, #tpu.memory_space<hbm>>) target(%arg8 : memref<128xi32, #tpu.memory_space<vmem>>) target_semaphore(%run_scoped3A : memref<!tpu.dma_semaphore, #tpu.memory_space<semaphore_mem>>)
      %dma_wait3A_38 = tpu.memref_slice %arg3[%mul3A_2] : memref<4096xi32, #tpu.memory_space<hbm>> -> memref<128xi32, #tpu.memory_space<hbm>>
      %dma_wait3A_39 = tpu.memref_slice %arg3[%mul3A_2] : memref<4096xi32, #tpu.memory_space<hbm>> -> memref<128xi32, #tpu.memory_space<hbm>>
      tpu.wait_dma2 semaphore(%run_scoped3A : memref<!tpu.dma_semaphore, #tpu.memory_space<semaphore_mem>>) src(%dma_wait3A_39 : memref<128xi32, #tpu.memory_space<hbm>>) dst(%arg8 : memref<128xi32, #tpu.memory_space<vmem>>)
      tpu.yield
    }) : () -> ()
    %dma_start3A = arith.constant 0 : i32
    %dma_start3A_3 = tpu.memref_slice %arg5[%dma_start3A] : memref<8192xf32, #tpu.memory_space<vmem>> -> memref<4096xf32, #tpu.memory_space<vmem>>
    %dma_start3A_4 = arith.constant 0 : i32
    %dma_start3A_5 = tpu.memref_slice %arg2[%mul3A_2, %dma_start3A_4] : memref<4096x4096xf32, #tpu.memory_space<hbm>> -> memref<1x4096xf32, #tpu.memory_space<hbm>>
    %dma_start3A_6 = tpu.memref_squeeze %dma_start3A_5 : memref<1x4096xf32, #tpu.memory_space<hbm>> -> memref<4096xf32, #tpu.memory_space<hbm>>
    %dma_start3A_7 = arith.constant 0 : i32
    %dma_start3A_8 = tpu.memref_slice %arg5[%dma_start3A_7] : memref<8192xf32, #tpu.memory_space<vmem>> -> memref<4096xf32, #tpu.memory_space<vmem>>
    %dma_start3A_9 = arith.constant 0 : i32
    %dma_start3A_10 = tpu.memref_slice %arg2[%mul3A_2, %dma_start3A_9] : memref<4096x4096xf32, #tpu.memory_space<hbm>> -> memref<1x4096xf32, #tpu.memory_space<hbm>>
    %dma_start3A_11 = tpu.memref_squeeze %dma_start3A_10 : memref<1x4096xf32, #tpu.memory_space<hbm>> -> memref<4096xf32, #tpu.memory_space<hbm>>
    tpu.enqueue_dma source(%dma_start3A_11 : memref<4096xf32, #tpu.memory_space<hbm>>) target(%dma_start3A_8 : memref<4096xf32, #tpu.memory_space<vmem>>) target_semaphore(%arg13 : memref<!tpu.dma_semaphore, #tpu.memory_space<semaphore_mem>>)
    %iota3A = tpu.iota {dimensions = array<i32: 0>} : vector<16xi32>
    %shift_left3A = arith.constant 8 : i32
    %shift_left3A_12 = vector.broadcast %shift_left3A : i32 to vector<16xi32>
    %shift_left3A_13 = arith.shli %iota3A, %shift_left3A_12 : vector<16xi32>
    %broadcast_in_dim3A = arith.constant 0 : i32
    %broadcast_in_dim3A_14 = vector.broadcast %broadcast_in_dim3A : i32 to vector<16xi32>
    %broadcast_in_dim3A_15 = arith.constant 1 : i32
    %broadcast_in_dim3A_16 = vector.broadcast %broadcast_in_dim3A_15 : i32 to vector<16xi32>
    %broadcast_in_dim3A_17 = arith.constant -2147483648 : i32
    %broadcast_in_dim3A_18 = vector.broadcast %broadcast_in_dim3A_17 : i32 to vector<16xi32>
    %scan3A = arith.constant 0 : i32
    %scan3A_19 = arith.constant 0 : i32
    %scan3A_20 = arith.constant 128 : i32
    %scan3A_21 = arith.addi %scan3A_19, %scan3A_20 : i32
    %scan3A_22 = arith.constant 1 : i32
    scf.for %scan3A_36 = %scan3A_19 to %scan3A_21 step %scan3A_22  : i32 {
      %add3A_37 = arith.addi %mul3A_2, %scan3A_36 : i32
      %jit3A = arith.constant 2 : i32
      %eq3A = arith.constant 0 : i32
      %eq3A_38 = arith.cmpi eq, %jit3A, %eq3A : i32
      %jit3A_39 = arith.constant 1 : i32
      %select_n3A = arith.select %eq3A_38, %jit3A_39, %jit3A : i32
      %rem3A = arith.remsi %scan3A_36, %select_n3A : i32
      %ne3A = arith.constant 0 : i32
      %ne3A_40 = arith.cmpi ne, %rem3A, %ne3A : i32
      %lt3A = arith.constant 0 : i32
      %lt3A_41 = arith.cmpi slt, %rem3A, %lt3A : i32
      %lt3A_42 = arith.constant 0 : i32
      %lt3A_43 = arith.cmpi slt, %select_n3A, %lt3A_42 : i32
      %ne3A_44 = arith.xori %lt3A_41, %lt3A_43 : i1
      %and3A = arith.andi %ne3A_44, %ne3A_40 : i1
      %add3A_45 = arith.addi %rem3A, %select_n3A : i32
      %select_n3A_46 = arith.select %and3A, %add3A_45, %rem3A : i32
      %mul3A_47 = arith.constant 4096 : i32
      %mul3A_48 = arith.muli %select_n3A_46, %mul3A_47 : i32
      %jit3A_49 = arith.constant 2 : i32
      %eq3A_50 = arith.constant 0 : i32
      %eq3A_51 = arith.cmpi eq, %jit3A_49, %eq3A_50 : i32
      %jit3A_52 = arith.constant 1 : i32
      %select_n3A_53 = arith.select %eq3A_51, %jit3A_52, %jit3A_49 : i32
      %rem3A_54 = arith.remsi %scan3A_36, %select_n3A_53 : i32
      %ne3A_55 = arith.constant 0 : i32
      %ne3A_56 = arith.cmpi ne, %rem3A_54, %ne3A_55 : i32
      %lt3A_57 = arith.constant 0 : i32
      %lt3A_58 = arith.cmpi slt, %rem3A_54, %lt3A_57 : i32
      %lt3A_59 = arith.constant 0 : i32
      %lt3A_60 = arith.cmpi slt, %select_n3A_53, %lt3A_59 : i32
      %ne3A_61 = arith.xori %lt3A_58, %lt3A_60 : i1
      %and3A_62 = arith.andi %ne3A_61, %ne3A_56 : i1
      %add3A_63 = arith.addi %rem3A_54, %select_n3A_53 : i32
      %select_n3A_64 = arith.select %and3A_62, %add3A_63, %rem3A_54 : i32
      %mul3A_65 = arith.constant 4096 : i32
      %mul3A_66 = arith.muli %select_n3A_64, %mul3A_65 : i32
      %dma_wait3A_67 = tpu.memref_slice %arg5[%mul3A_48] : memref<8192xf32, #tpu.memory_space<vmem>> -> memref<4096xf32, #tpu.memory_space<vmem>>
      %dma_wait3A_68 = arith.constant 0 : i32
      %dma_wait3A_69 = tpu.memref_slice %arg2[%add3A_37, %dma_wait3A_68] : memref<4096x4096xf32, #tpu.memory_space<hbm>> -> memref<1x4096xf32, #tpu.memory_space<hbm>>
      %dma_wait3A_70 = tpu.memref_squeeze %dma_wait3A_69 : memref<1x4096xf32, #tpu.memory_space<hbm>> -> memref<4096xf32, #tpu.memory_space<hbm>>
      %dma_wait3A_71 = tpu.memref_slice %arg5[%mul3A_48] : memref<8192xf32, #tpu.memory_space<vmem>> -> memref<4096xf32, #tpu.memory_space<vmem>>
      %dma_wait3A_72 = arith.constant 0 : i32
      %dma_wait3A_73 = tpu.memref_slice %arg2[%add3A_37, %dma_wait3A_72] : memref<4096x4096xf32, #tpu.memory_space<hbm>> -> memref<1x4096xf32, #tpu.memory_space<hbm>>
      %dma_wait3A_74 = tpu.memref_squeeze %dma_wait3A_73 : memref<1x4096xf32, #tpu.memory_space<hbm>> -> memref<4096xf32, #tpu.memory_space<hbm>>
      tpu.wait_dma2 semaphore(%arg13 : memref<!tpu.dma_semaphore, #tpu.memory_space<semaphore_mem>>) src(%dma_wait3A_74 : memref<4096xf32, #tpu.memory_space<hbm>>) dst(%dma_wait3A_71 : memref<4096xf32, #tpu.memory_space<vmem>>)
      %add3A_75 = arith.constant 1 : i32
      %add3A_76 = arith.addi %scan3A_36, %add3A_75 : i32
      %lt3A_77 = arith.constant 128 : i32
      %lt3A_78 = arith.cmpi slt, %add3A_76, %lt3A_77 : i32
      %convert_element_type3A = arith.extui %lt3A_78 : i1 to i32
      %cond3A = arith.constant 0 : i32
      %cond3A_79 = arith.cmpi ne, %convert_element_type3A, %cond3A : i32
      scf.if %cond3A_79 {
        %add3A_309 = arith.constant 1 : i32
        %add3A_310 = arith.addi %add3A_37, %add3A_309 : i32
        %add3A_311 = arith.constant 1 : i32
        %add3A_312 = arith.addi %scan3A_36, %add3A_311 : i32
        %jit3A_313 = arith.constant 2 : i32
        %eq3A_314 = arith.constant 0 : i32
        %eq3A_315 = arith.cmpi eq, %jit3A_313, %eq3A_314 : i32
        %jit3A_316 = arith.constant 1 : i32
        %select_n3A_317 = arith.select %eq3A_315, %jit3A_316, %jit3A_313 : i32
        %rem3A_318 = arith.remsi %add3A_312, %select_n3A_317 : i32
        %ne3A_319 = arith.constant 0 : i32
        %ne3A_320 = arith.cmpi ne, %rem3A_318, %ne3A_319 : i32
        %lt3A_321 = arith.constant 0 : i32
        %lt3A_322 = arith.cmpi slt, %rem3A_318, %lt3A_321 : i32
        %lt3A_323 = arith.constant 0 : i32
        %lt3A_324 = arith.cmpi slt, %select_n3A_317, %lt3A_323 : i32
        %ne3A_325 = arith.xori %lt3A_322, %lt3A_324 : i1
        %and3A_326 = arith.andi %ne3A_325, %ne3A_320 : i1
        %add3A_327 = arith.addi %rem3A_318, %select_n3A_317 : i32
        %select_n3A_328 = arith.select %and3A_326, %add3A_327, %rem3A_318 : i32
        %mul3A_329 = arith.constant 4096 : i32
        %mul3A_330 = arith.muli %select_n3A_328, %mul3A_329 : i32
        %dma_start3A_331 = tpu.memref_slice %arg5[%mul3A_330] : memref<8192xf32, #tpu.memory_space<vmem>> -> memref<4096xf32, #tpu.memory_space<vmem>>
        %dma_start3A_332 = arith.constant 0 : i32
        %dma_start3A_333 = tpu.memref_slice %arg2[%add3A_310, %dma_start3A_332] : memref<4096x4096xf32, #tpu.memory_space<hbm>> -> memref<1x4096xf32, #tpu.memory_space<hbm>>
        %dma_start3A_334 = tpu.memref_squeeze %dma_start3A_333 : memref<1x4096xf32, #tpu.memory_space<hbm>> -> memref<4096xf32, #tpu.memory_space<hbm>>
        %dma_start3A_335 = tpu.memref_slice %arg5[%mul3A_330] : memref<8192xf32, #tpu.memory_space<vmem>> -> memref<4096xf32, #tpu.memory_space<vmem>>
        %dma_start3A_336 = arith.constant 0 : i32
        %dma_start3A_337 = tpu.memref_slice %arg2[%add3A_310, %dma_start3A_336] : memref<4096x4096xf32, #tpu.memory_space<hbm>> -> memref<1x4096xf32, #tpu.memory_space<hbm>>
        %dma_start3A_338 = tpu.memref_squeeze %dma_start3A_337 : memref<1x4096xf32, #tpu.memory_space<hbm>> -> memref<4096xf32, #tpu.memory_space<hbm>>
        tpu.enqueue_dma source(%dma_start3A_338 : memref<4096xf32, #tpu.memory_space<hbm>>) target(%dma_start3A_335 : memref<4096xf32, #tpu.memory_space<vmem>>) target_semaphore(%arg13 : memref<!tpu.dma_semaphore, #tpu.memory_space<semaphore_mem>>)
      } else {
      }
      %jit3A_80 = arith.constant 16 : i32
      %div3A = arith.divsi %scan3A_36, %jit3A_80 : i32
      %sign3A = arith.constant 0 : i32
      %sign3A_81 = arith.cmpi sgt, %scan3A_36, %sign3A : i32
      %sign3A_82 = arith.extui %sign3A_81 : i1 to i32
      %sign3A_83 = arith.constant 0 : i32
      %sign3A_84 = arith.cmpi slt, %scan3A_36, %sign3A_83 : i32
      %sign3A_85 = arith.extui %sign3A_84 : i1 to i32
      %sign3A_86 = arith.subi %sign3A_82, %sign3A_85 : i32
      %sign3A_87 = arith.constant 0 : i32
      %sign3A_88 = arith.cmpi sgt, %jit3A_80, %sign3A_87 : i32
      %sign3A_89 = arith.extui %sign3A_88 : i1 to i32
      %sign3A_90 = arith.constant 0 : i32
      %sign3A_91 = arith.cmpi slt, %jit3A_80, %sign3A_90 : i32
      %sign3A_92 = arith.extui %sign3A_91 : i1 to i32
      %sign3A_93 = arith.subi %sign3A_89, %sign3A_92 : i32
      %ne3A_94 = arith.cmpi ne, %sign3A_86, %sign3A_93 : i32
      %rem3A_95 = arith.remsi %scan3A_36, %jit3A_80 : i32
      %ne3A_96 = arith.constant 0 : i32
      %ne3A_97 = arith.cmpi ne, %rem3A_95, %ne3A_96 : i32
      %and3A_98 = arith.andi %ne3A_94, %ne3A_97 : i1
      %sub3A_99 = arith.constant 1 : i32
      %sub3A_100 = arith.subi %div3A, %sub3A_99 : i32
      %select_n3A_101 = arith.select %and3A_98, %sub3A_100, %div3A : i32
      %mul3A_102 = arith.constant 16 : i32
      %mul3A_103 = arith.muli %select_n3A_101, %mul3A_102 : i32
      %get3A = arith.index_cast %mul3A_103 : i32 to index
      %get3A_104 = tpu.vector_load %arg8[%get3A] {strides = array<i32>} : memref<128xi32, #tpu.memory_space<vmem>>, vector<16xi32>,
      %jit3A_105 = arith.constant 16 : i32
      %eq3A_106 = arith.constant 0 : i32
      %eq3A_107 = arith.cmpi eq, %jit3A_105, %eq3A_106 : i32
      %jit3A_108 = arith.constant 1 : i32
      %select_n3A_109 = arith.select %eq3A_107, %jit3A_108, %jit3A_105 : i32
      %rem3A_110 = arith.remsi %scan3A_36, %select_n3A_109 : i32
      %ne3A_111 = arith.constant 0 : i32
      %ne3A_112 = arith.cmpi ne, %rem3A_110, %ne3A_111 : i32
      %lt3A_113 = arith.constant 0 : i32
      %lt3A_114 = arith.cmpi slt, %rem3A_110, %lt3A_113 : i32
      %lt3A_115 = arith.constant 0 : i32
      %lt3A_116 = arith.cmpi slt, %select_n3A_109, %lt3A_115 : i32
      %ne3A_117 = arith.xori %lt3A_114, %lt3A_116 : i1
      %and3A_118 = arith.andi %ne3A_117, %ne3A_112 : i1
      %add3A_119 = arith.addi %rem3A_110, %select_n3A_109 : i32
      %select_n3A_120 = arith.select %and3A_118, %add3A_119, %rem3A_110 : i32
      %eq3A_121 = vector.broadcast %select_n3A_120 : i32 to vector<16xi32>
      %eq3A_122 = arith.cmpi eq, %iota3A, %eq3A_121 : vector<16xi32>
      %jit3A_123 = arith.constant 0 : i32
      %broadcast_in_dim3A_124 = vector.broadcast %jit3A_123 : i32 to vector<16xi32>
      %select_n3A_125 = arith.select %eq3A_122, %get3A_104, %broadcast_in_dim3A_124 : vector<16xi1>, vector<16xi32>
      %reduce_sum3A = arith.constant true
      %reduce_sum3A_126 = vector.broadcast %reduce_sum3A : i1 to vector<16xi1>
      %reduce_sum3A_127 = tpu.scan <sum>, %select_n3A_125 masked %reduce_sum3A_126 : vector<16xi32>, vector<16xi1> -> vector<16xi32>
      %reduce_sum3A_128 = vector.extract %reduce_sum3A_127[15] : i32 from vector<16xi32>
      %parallel_loop3A = arith.constant 0 : i32
      %parallel_loop3A_129 = arith.constant 256 : i32
      %parallel_loop3A_130 = arith.constant 1 : i32
      scf.for %parallel_loop3A_309 = %parallel_loop3A to %parallel_loop3A_129 step %parallel_loop3A_130  : i32 {
        %parallel_loop3A_310 = arith.constant 16 : i32
        %parallel_loop3A_311 = arith.muli %parallel_loop3A_309, %parallel_loop3A_310 : i32
        %parallel_loop3A_312 = arith.index_cast %parallel_loop3A_311 : i32 to index
        %parallel_loop3A_313 = tpu.vector_load %arg9[%parallel_loop3A_312] {strides = array<i32>} : memref<4096xi32, #tpu.memory_space<vmem>>, vector<16xi32>,
        tpu.vector_store %arg9[%parallel_loop3A_312], %broadcast_in_dim3A_14 {strides = array<i32>} : memref<4096xi32, #tpu.memory_space<vmem>>, vector<16xi32>,
      } {sc.loop_unroll_factor = 8 : i64, sc.parallel_access}
      %parallel_loop3A_131 = arith.constant 0 : i32
      %parallel_loop3A_132 = arith.constant 256 : i32
      %parallel_loop3A_133 = arith.constant 1 : i32
      scf.for %parallel_loop3A_309 = %parallel_loop3A_131 to %parallel_loop3A_132 step %parallel_loop3A_133  : i32 {
        %parallel_loop3A_310 = arith.constant 16 : i32
        %parallel_loop3A_311 = arith.muli %parallel_loop3A_309, %parallel_loop3A_310 : i32
        %parallel_loop3A_312 = tpu.memref_slice %arg5[%mul3A_48] : memref<8192xf32, #tpu.memory_space<vmem>> -> memref<4096xf32, #tpu.memory_space<vmem>>
        %parallel_loop3A_313 = arith.index_cast %parallel_loop3A_311 : i32 to index
        %parallel_loop3A_314 = tpu.vector_load %parallel_loop3A_312[%parallel_loop3A_313] {strides = array<i32>} : memref<4096xf32, #tpu.memory_space<vmem>>, vector<16xf32>,
        %parallel_loop3A_315 = vector.bitcast %parallel_loop3A_314 : vector<16xf32> to vector<16xi32>
        %parallel_loop3A_316 = arith.constant 0 : i32
        %parallel_loop3A_317 = vector.broadcast %parallel_loop3A_316 : i32 to vector<16xi32>
        %parallel_loop3A_318 = arith.cmpi slt, %parallel_loop3A_315, %parallel_loop3A_317 : vector<16xi32>
        %parallel_loop3A_319 = arith.constant 2147483647 : i32
        %parallel_loop3A_320 = vector.broadcast %parallel_loop3A_319 : i32 to vector<16xi32>
        %parallel_loop3A_321 = arith.andi %parallel_loop3A_315, %parallel_loop3A_320 : vector<16xi32>
        %parallel_loop3A_322 = arith.constant 0 : i32
        %parallel_loop3A_323 = vector.broadcast %parallel_loop3A_322 : i32 to vector<16xi32>
        %parallel_loop3A_324 = arith.subi %parallel_loop3A_323, %parallel_loop3A_321 : vector<16xi32>
        %parallel_loop3A_325 = arith.select %parallel_loop3A_318, %parallel_loop3A_324, %parallel_loop3A_315 : vector<16xi1>, vector<16xi32>
        %parallel_loop3A_326 = arith.constant 16 : i32
        %parallel_loop3A_327 = arith.muli %parallel_loop3A_309, %parallel_loop3A_326 : i32
        %parallel_loop3A_328 = arith.index_cast %parallel_loop3A_327 : i32 to index
        %parallel_loop3A_329 = tpu.vector_load %arg6[%parallel_loop3A_328] {strides = array<i32>} : memref<4096xi32, #tpu.memory_space<vmem>>, vector<16xi32>,
        tpu.vector_store %arg6[%parallel_loop3A_328], %parallel_loop3A_325 {strides = array<i32>} : memref<4096xi32, #tpu.memory_space<vmem>>, vector<16xi32>,
        %parallel_loop3A_330 = arith.constant 24 : i32
        %parallel_loop3A_331 = vector.broadcast %parallel_loop3A_330 : i32 to vector<16xi32>
        %parallel_loop3A_332 = arith.shrui %parallel_loop3A_325, %parallel_loop3A_331 : vector<16xi32>
        %parallel_loop3A_333 = arith.constant 128 : i32
        %parallel_loop3A_334 = vector.broadcast %parallel_loop3A_333 : i32 to vector<16xi32>
        %parallel_loop3A_335 = arith.xori %parallel_loop3A_332, %parallel_loop3A_334 : vector<16xi32>
        %parallel_loop3A_336 = arith.ori %shift_left3A_13, %parallel_loop3A_335 : vector<16xi32>
        tpu.vector_store_idx %arg9[%parallel_loop3A_336], %broadcast_in_dim3A_16 {add = true} : memref<4096xi32, #tpu.memory_space<vmem>>[vector<16xi32>], vector<16xi32>,
      } {sc.loop_unroll_factor = 8 : i64, sc.parallel_access}
      %parallel_loop3A_134 = arith.constant 0 : i32
      %parallel_loop3A_135 = arith.constant 16 : i32
      %parallel_loop3A_136 = arith.constant 1 : i32
      scf.for %parallel_loop3A_309 = %parallel_loop3A_134 to %parallel_loop3A_135 step %parallel_loop3A_136  : i32 {
        %parallel_loop3A_310 = arith.constant 16 : i32
        %parallel_loop3A_311 = arith.muli %parallel_loop3A_309, %parallel_loop3A_310 : i32
        %parallel_loop3A_312 = arith.index_cast %parallel_loop3A_311 : i32 to index
        %parallel_loop3A_313 = tpu.vector_load %arg9[%parallel_loop3A_312] {strides = array<i32>} : memref<4096xi32, #tpu.memory_space<vmem>>, vector<16xi32>,
        %parallel_loop3A_314 = arith.constant 16 : i32
        %parallel_loop3A_315 = arith.muli %parallel_loop3A_309, %parallel_loop3A_314 : i32
        %parallel_loop3A_316 = arith.constant 256 : i32
        %parallel_loop3A_317 = arith.addi %parallel_loop3A_316, %parallel_loop3A_315 : i32
        %parallel_loop3A_318 = arith.index_cast %parallel_loop3A_317 : i32 to index
        %parallel_loop3A_319 = tpu.vector_load %arg9[%parallel_loop3A_318] {strides = array<i32>} : memref<4096xi32, #tpu.memory_space<vmem>>, vector<16xi32>,
        %parallel_loop3A_320 = arith.addi %parallel_loop3A_313, %parallel_loop3A_319 : vector<16xi32>
        %parallel_loop3A_321 = arith.constant 16 : i32
        %parallel_loop3A_322 = arith.muli %parallel_loop3A_309, %parallel_loop3A_321 : i32
        %parallel_loop3A_323 = arith.constant 512 : i32
        %parallel_loop3A_324 = arith.addi %parallel_loop3A_323, %parallel_loop3A_322 : i32
        %parallel_loop3A_325 = arith.index_cast %parallel_loop3A_324 : i32 to index
        %parallel_loop3A_326 = tpu.vector_load %arg9[%parallel_loop3A_325] {strides = array<i32>} : memref<4096xi32, #tpu.memory_space<vmem>>, vector<16xi32>,
        %parallel_loop3A_327 = arith.addi %parallel_loop3A_320, %parallel_loop3A_326 : vector<16xi32>
        %parallel_loop3A_328 = arith.constant 16 : i32
        %parallel_loop3A_329 = arith.muli %parallel_loop3A_309, %parallel_loop3A_328 : i32
        %parallel_loop3A_330 = arith.constant 768 : i32
        %parallel_loop3A_331 = arith.addi %parallel_loop3A_330, %parallel_loop3A_329 : i32
        %parallel_loop3A_332 = arith.index_cast %parallel_loop3A_331 : i32 to index
        %parallel_loop3A_333 = tpu.vector_load %arg9[%parallel_loop3A_332] {strides = array<i32>} : memref<4096xi32, #tpu.memory_space<vmem>>, vector<16xi32>,
        %parallel_loop3A_334 = arith.addi %parallel_loop3A_327, %parallel_loop3A_333 : vector<16xi32>
        %parallel_loop3A_335 = arith.constant 16 : i32
        %parallel_loop3A_336 = arith.muli %parallel_loop3A_309, %parallel_loop3A_335 : i32
        %parallel_loop3A_337 = arith.constant 1024 : i32
        %parallel_loop3A_338 = arith.addi %parallel_loop3A_337, %parallel_loop3A_336 : i32
        %parallel_loop3A_339 = arith.index_cast %parallel_loop3A_338 : i32 to index
        %parallel_loop3A_340 = tpu.vector_load %arg9[%parallel_loop3A_339] {strides = array<i32>} : memref<4096xi32, #tpu.memory_space<vmem>>, vector<16xi32>,
        %parallel_loop3A_341 = arith.addi %parallel_loop3A_334, %parallel_loop3A_340 : vector<16xi32>
        %parallel_loop3A_342 = arith.constant 16 : i32
        %parallel_loop3A_343 = arith.muli %parallel_loop3A_309, %parallel_loop3A_342 : i32
        %parallel_loop3A_344 = arith.constant 1280 : i32
        %parallel_loop3A_345 = arith.addi %parallel_loop3A_344, %parallel_loop3A_343 : i32
        %parallel_loop3A_346 = arith.index_cast %parallel_loop3A_345 : i32 to index
        %parallel_loop3A_347 = tpu.vector_load %arg9[%parallel_loop3A_346] {strides = array<i32>} : memref<4096xi32, #tpu.memory_space<vmem>>, vector<16xi32>,
        %parallel_loop3A_348 = arith.addi %parallel_loop3A_341, %parallel_loop3A_347 : vector<16xi32>
        %parallel_loop3A_349 = arith.constant 16 : i32
        %parallel_loop3A_350 = arith.muli %parallel_loop3A_309, %parallel_loop3A_349 : i32
        %parallel_loop3A_351 = arith.constant 1536 : i32
        %parallel_loop3A_352 = arith.addi %parallel_loop3A_351, %parallel_loop3A_350 : i32
        %parallel_loop3A_353 = arith.index_cast %parallel_loop3A_352 : i32 to index
        %parallel_loop3A_354 = tpu.vector_load %arg9[%parallel_loop3A_353] {strides = array<i32>} : memref<4096xi32, #tpu.memory_space<vmem>>, vector<16xi32>,
        %parallel_loop3A_355 = arith.addi %parallel_loop3A_348, %parallel_loop3A_354 : vector<16xi32>
        %parallel_loop3A_356 = arith.constant 16 : i32
        %parallel_loop3A_357 = arith.muli %parallel_loop3A_309, %parallel_loop3A_356 : i32
        %parallel_loop3A_358 = arith.constant 1792 : i32
        %parallel_loop3A_359 = arith.addi %parallel_loop3A_358, %parallel_loop3A_357 : i32
        %parallel_loop3A_360 = arith.index_cast %parallel_loop3A_359 : i32 to index
        %parallel_loop3A_361 = tpu.vector_load %arg9[%parallel_loop3A_360] {strides = array<i32>} : memref<4096xi32, #tpu.memory_space<vmem>>, vector<16xi32>,
        %parallel_loop3A_362 = arith.addi %parallel_loop3A_355, %parallel_loop3A_361 : vector<16xi32>
        %parallel_loop3A_363 = arith.constant 16 : i32
        %parallel_loop3A_364 = arith.muli %parallel_loop3A_309, %parallel_loop3A_363 : i32
        %parallel_loop3A_365 = arith.constant 2048 : i32
        %parallel_loop3A_366 = arith.addi %parallel_loop3A_365, %parallel_loop3A_364 : i32
        %parallel_loop3A_367 = arith.index_cast %parallel_loop3A_366 : i32 to index
        %parallel_loop3A_368 = tpu.vector_load %arg9[%parallel_loop3A_367] {strides = array<i32>} : memref<4096xi32, #tpu.memory_space<vmem>>, vector<16xi32>,
        %parallel_loop3A_369 = arith.addi %parallel_loop3A_362, %parallel_loop3A_368 : vector<16xi32>
        %parallel_loop3A_370 = arith.constant 16 : i32
        %parallel_loop3A_371 = arith.muli %parallel_loop3A_309, %parallel_loop3A_370 : i32
        %parallel_loop3A_372 = arith.constant 2304 : i32
        %parallel_loop3A_373 = arith.addi %parallel_loop3A_372, %parallel_loop3A_371 : i32
        %parallel_loop3A_374 = arith.index_cast %parallel_loop3A_373 : i32 to index
        %parallel_loop3A_375 = tpu.vector_load %arg9[%parallel_loop3A_374] {strides = array<i32>} : memref<4096xi32, #tpu.memory_space<vmem>>, vector<16xi32>,
        %parallel_loop3A_376 = arith.addi %parallel_loop3A_369, %parallel_loop3A_375 : vector<16xi32>
        %parallel_loop3A_377 = arith.constant 16 : i32
        %parallel_loop3A_378 = arith.muli %parallel_loop3A_309, %parallel_loop3A_377 : i32
        %parallel_loop3A_379 = arith.constant 2560 : i32
        %parallel_loop3A_380 = arith.addi %parallel_loop3A_379, %parallel_loop3A_378 : i32
        %parallel_loop3A_381 = arith.index_cast %parallel_loop3A_380 : i32 to index
        %parallel_loop3A_382 = tpu.vector_load %arg9[%parallel_loop3A_381] {strides = array<i32>} : memref<4096xi32, #tpu.memory_space<vmem>>, vector<16xi32>,
        %parallel_loop3A_383 = arith.addi %parallel_loop3A_376, %parallel_loop3A_382 : vector<16xi32>
        %parallel_loop3A_384 = arith.constant 16 : i32
        %parallel_loop3A_385 = arith.muli %parallel_loop3A_309, %parallel_loop3A_384 : i32
        %parallel_loop3A_386 = arith.constant 2816 : i32
        %parallel_loop3A_387 = arith.addi %parallel_loop3A_386, %parallel_loop3A_385 : i32
        %parallel_loop3A_388 = arith.index_cast %parallel_loop3A_387 : i32 to index
        %parallel_loop3A_389 = tpu.vector_load %arg9[%parallel_loop3A_388] {strides = array<i32>} : memref<4096xi32, #tpu.memory_space<vmem>>, vector<16xi32>,
        %parallel_loop3A_390 = arith.addi %parallel_loop3A_383, %parallel_loop3A_389 : vector<16xi32>
        %parallel_loop3A_391 = arith.constant 16 : i32
        %parallel_loop3A_392 = arith.muli %parallel_loop3A_309, %parallel_loop3A_391 : i32
        %parallel_loop3A_393 = arith.constant 3072 : i32
        %parallel_loop3A_394 = arith.addi %parallel_loop3A_393, %parallel_loop3A_392 : i32
        %parallel_loop3A_395 = arith.index_cast %parallel_loop3A_394 : i32 to index
        %parallel_loop3A_396 = tpu.vector_load %arg9[%parallel_loop3A_395] {strides = array<i32>} : memref<4096xi32, #tpu.memory_space<vmem>>, vector<16xi32>,
        %parallel_loop3A_397 = arith.addi %parallel_loop3A_390, %parallel_loop3A_396 : vector<16xi32>
        %parallel_loop3A_398 = arith.constant 16 : i32
        %parallel_loop3A_399 = arith.muli %parallel_loop3A_309, %parallel_loop3A_398 : i32
        %parallel_loop3A_400 = arith.constant 3328 : i32
        %parallel_loop3A_401 = arith.addi %parallel_loop3A_400, %parallel_loop3A_399 : i32
        %parallel_loop3A_402 = arith.index_cast %parallel_loop3A_401 : i32 to index
        %parallel_loop3A_403 = tpu.vector_load %arg9[%parallel_loop3A_402] {strides = array<i32>} : memref<4096xi32, #tpu.memory_space<vmem>>, vector<16xi32>,
        %parallel_loop3A_404 = arith.addi %parallel_loop3A_397, %parallel_loop3A_403 : vector<16xi32>
        %parallel_loop3A_405 = arith.constant 16 : i32
        %parallel_loop3A_406 = arith.muli %parallel_loop3A_309, %parallel_loop3A_405 : i32
        %parallel_loop3A_407 = arith.constant 3584 : i32
        %parallel_loop3A_408 = arith.addi %parallel_loop3A_407, %parallel_loop3A_406 : i32
        %parallel_loop3A_409 = arith.index_cast %parallel_loop3A_408 : i32 to index
        %parallel_loop3A_410 = tpu.vector_load %arg9[%parallel_loop3A_409] {strides = array<i32>} : memref<4096xi32, #tpu.memory_space<vmem>>, vector<16xi32>,
        %parallel_loop3A_411 = arith.addi %parallel_loop3A_404, %parallel_loop3A_410 : vector<16xi32>
        %parallel_loop3A_412 = arith.constant 16 : i32
        %parallel_loop3A_413 = arith.muli %parallel_loop3A_309, %parallel_loop3A_412 : i32
        %parallel_loop3A_414 = arith.constant 3840 : i32
        %parallel_loop3A_415 = arith.addi %parallel_loop3A_414, %parallel_loop3A_413 : i32
        %parallel_loop3A_416 = arith.index_cast %parallel_loop3A_415 : i32 to index
        %parallel_loop3A_417 = tpu.vector_load %arg9[%parallel_loop3A_416] {strides = array<i32>} : memref<4096xi32, #tpu.memory_space<vmem>>, vector<16xi32>,
        %parallel_loop3A_418 = arith.addi %parallel_loop3A_411, %parallel_loop3A_417 : vector<16xi32>
        %parallel_loop3A_419 = arith.constant 16 : i32
        %parallel_loop3A_420 = arith.muli %parallel_loop3A_309, %parallel_loop3A_419 : i32
        %parallel_loop3A_421 = arith.index_cast %parallel_loop3A_420 : i32 to index
        %parallel_loop3A_422 = tpu.vector_load %arg10[%parallel_loop3A_421] {strides = array<i32>} : memref<256xi32, #tpu.memory_space<vmem>>, vector<16xi32>,
        tpu.vector_store %arg10[%parallel_loop3A_421], %parallel_loop3A_418 {strides = array<i32>} : memref<256xi32, #tpu.memory_space<vmem>>, vector<16xi32>,
      } {sc.loop_unroll_factor = 2 : i64, sc.parallel_access}
      %sub3A_137 = arith.constant 4096 : i32
      %sub3A_138 = arith.subi %sub3A_137, %reduce_sum3A_128 : i32
      %parallel_loop3A_139 = arith.constant 0 : i32
      %parallel_loop3A_140 = arith.constant 16 : i32
      %parallel_loop3A_141 = arith.constant 1 : i32
      %parallel_loop3A_142 = arith.constant 0 : i32
      %parallel_loop3A_143 = arith.constant 0 : i32
      %parallel_loop3A_144:2 = scf.for %parallel_loop3A_309 = %parallel_loop3A_139 to %parallel_loop3A_140 step %parallel_loop3A_141 iter_args(%parallel_loop3A_310 = %parallel_loop3A_142, %parallel_loop3A_311 = %parallel_loop3A_143) -> (i32, i32)  : i32 {
        %parallel_loop3A_312 = arith.constant 16 : i32
        %parallel_loop3A_313 = arith.muli %parallel_loop3A_309, %parallel_loop3A_312 : i32
        %parallel_loop3A_314 = arith.index_cast %parallel_loop3A_313 : i32 to index
        %parallel_loop3A_315 = tpu.vector_load %arg10[%parallel_loop3A_314] {strides = array<i32>} : memref<256xi32, #tpu.memory_space<vmem>>, vector<16xi32>,
        %parallel_loop3A_316 = arith.constant true
        %parallel_loop3A_317 = vector.broadcast %parallel_loop3A_316 : i1 to vector<16xi1>
        %parallel_loop3A_318 = tpu.scan <sum>, %parallel_loop3A_315 masked %parallel_loop3A_317 : vector<16xi32>, vector<16xi1> -> vector<16xi32>
        %parallel_loop3A_319 = arith.subi %parallel_loop3A_318, %parallel_loop3A_315 : vector<16xi32>
        %parallel_loop3A_320 = vector.broadcast %parallel_loop3A_310 : i32 to vector<16xi32>
        %parallel_loop3A_321 = arith.addi %parallel_loop3A_319, %parallel_loop3A_320 : vector<16xi32>
        %parallel_loop3A_322 = vector.broadcast %sub3A_138 : i32 to vector<16xi32>
        %parallel_loop3A_323 = arith.cmpi sle, %parallel_loop3A_321, %parallel_loop3A_322 : vector<16xi32>
        %parallel_loop3A_324 = tpu.all_reduce %parallel_loop3A_323 {dim = 0 : i64, kind = #tpu.reduction_kind<sum>} : vector<16xi1> -> vector<16xi32>
        %parallel_loop3A_325 = vector.extract_strided_slice %parallel_loop3A_324 {offsets = [0], sizes = [1], strides = [1]} : vector<16xi32> to vector<1xi32>
        %parallel_loop3A_326 = vector.extract %parallel_loop3A_325[0] : i32 from vector<1xi32>
        %parallel_loop3A_327 = arith.addi %parallel_loop3A_311, %parallel_loop3A_326 : i32
        %parallel_loop3A_328 = vector.extract_strided_slice %parallel_loop3A_318 {offsets = [15], sizes = [1], strides = [1]} : vector<16xi32> to vector<1xi32>
        %parallel_loop3A_329 = vector.extract %parallel_loop3A_328[0] : i32 from vector<1xi32>
        %parallel_loop3A_330 = arith.addi %parallel_loop3A_310, %parallel_loop3A_329 : i32
        scf.yield %parallel_loop3A_330, %parallel_loop3A_327 : i32, i32
      } {sc.loop_unroll_factor = 4 : i64, sc.parallel_access}
      %sub3A_145 = arith.constant 1 : i32
      %sub3A_146 = arith.subi %parallel_loop3A_144#1, %sub3A_145 : i32
      %parallel_loop3A_147 = arith.constant 0 : i32
      %parallel_loop3A_148 = arith.constant 16 : i32
      %parallel_loop3A_149 = arith.constant 1 : i32
      %parallel_loop3A_150:2 = scf.for %parallel_loop3A_309 = %parallel_loop3A_147 to %parallel_loop3A_148 step %parallel_loop3A_149 iter_args(%parallel_loop3A_310 = %broadcast_in_dim3A_14, %parallel_loop3A_311 = %broadcast_in_dim3A_14) -> (vector<16xi32>, vector<16xi32>)  : i32 {
        %parallel_loop3A_312 = arith.constant 16 : i32
        %parallel_loop3A_313 = arith.muli %parallel_loop3A_309, %parallel_loop3A_312 : i32
        %parallel_loop3A_314 = arith.index_cast %parallel_loop3A_313 : i32 to index
        %parallel_loop3A_315 = tpu.vector_load %arg10[%parallel_loop3A_314] {strides = array<i32>} : memref<256xi32, #tpu.memory_space<vmem>>, vector<16xi32>,
        %parallel_loop3A_316 = arith.constant 16 : i32
        %parallel_loop3A_317 = arith.muli %parallel_loop3A_309, %parallel_loop3A_316 : i32
        %parallel_loop3A_318 = vector.broadcast %parallel_loop3A_317 : i32 to vector<16xi32>
        %parallel_loop3A_319 = arith.addi %iota3A, %parallel_loop3A_318 : vector<16xi32>
        %parallel_loop3A_320 = vector.broadcast %sub3A_146 : i32 to vector<16xi32>
        %parallel_loop3A_321 = arith.cmpi sle, %parallel_loop3A_319, %parallel_loop3A_320 : vector<16xi32>
        %parallel_loop3A_322 = arith.constant 0 : i32
        %parallel_loop3A_323 = vector.broadcast %parallel_loop3A_322 : i32 to vector<16xi32>
        %parallel_loop3A_324 = arith.select %parallel_loop3A_321, %parallel_loop3A_315, %parallel_loop3A_323 : vector<16xi1>, vector<16xi32>
        %parallel_loop3A_325 = arith.addi %parallel_loop3A_310, %parallel_loop3A_324 : vector<16xi32>
        %parallel_loop3A_326 = vector.broadcast %sub3A_146 : i32 to vector<16xi32>
        %parallel_loop3A_327 = arith.cmpi eq, %parallel_loop3A_319, %parallel_loop3A_326 : vector<16xi32>
        %parallel_loop3A_328 = arith.constant 0 : i32
        %parallel_loop3A_329 = vector.broadcast %parallel_loop3A_328 : i32 to vector<16xi32>
        %parallel_loop3A_330 = arith.select %parallel_loop3A_327, %parallel_loop3A_315, %parallel_loop3A_329 : vector<16xi1>, vector<16xi32>
        %parallel_loop3A_331 = arith.addi %parallel_loop3A_311, %parallel_loop3A_330 : vector<16xi32>
        scf.yield %parallel_loop3A_325, %parallel_loop3A_331 : vector<16xi32>, vector<16xi32>
      } {sc.loop_unroll_factor = 4 : i64, sc.parallel_access}
      %reduce_sum3A_151 = arith.constant true
      %reduce_sum3A_152 = vector.broadcast %reduce_sum3A_151 : i1 to vector<16xi1>
      %reduce_sum3A_153 = tpu.scan <sum>, %parallel_loop3A_150#0 masked %reduce_sum3A_152 : vector<16xi32>, vector<16xi1> -> vector<16xi32>
      %reduce_sum3A_154 = vector.extract %reduce_sum3A_153[15] : i32 from vector<16xi32>
      %reduce_sum3A_155 = arith.constant true
      %reduce_sum3A_156 = vector.broadcast %reduce_sum3A_155 : i1 to vector<16xi1>
      %reduce_sum3A_157 = tpu.scan <sum>, %parallel_loop3A_150#1 masked %reduce_sum3A_156 : vector<16xi32>, vector<16xi1> -> vector<16xi32>
      %reduce_sum3A_158 = vector.extract %reduce_sum3A_157[15] : i32 from vector<16xi32>
      %sub3A_159 = arith.constant 4096 : i32
      %sub3A_160 = arith.subi %sub3A_159, %reduce_sum3A_154 : i32
      %sub3A_161 = arith.subi %reduce_sum3A_128, %sub3A_160 : i32
      %parallel_loop3A_162 = arith.constant 0 : i32
      %parallel_loop3A_163 = arith.constant 256 : i32
      %parallel_loop3A_164 = arith.constant 1 : i32
      %parallel_loop3A_165 = arith.constant 0 : i32
      %parallel_loop3A_166 = scf.for %parallel_loop3A_309 = %parallel_loop3A_162 to %parallel_loop3A_163 step %parallel_loop3A_164 iter_args(%parallel_loop3A_310 = %parallel_loop3A_165) -> (i32)  : i32 {
        %parallel_loop3A_311 = arith.constant 16 : i32
        %parallel_loop3A_312 = arith.muli %parallel_loop3A_309, %parallel_loop3A_311 : i32
        %parallel_loop3A_313 = arith.index_cast %parallel_loop3A_312 : i32 to index
        %parallel_loop3A_314 = tpu.vector_load %arg6[%parallel_loop3A_313] {strides = array<i32>} : memref<4096xi32, #tpu.memory_space<vmem>>, vector<16xi32>,
        %parallel_loop3A_315 = arith.constant 24 : i32
        %parallel_loop3A_316 = vector.broadcast %parallel_loop3A_315 : i32 to vector<16xi32>
        %parallel_loop3A_317 = arith.shrui %parallel_loop3A_314, %parallel_loop3A_316 : vector<16xi32>
        %parallel_loop3A_318 = arith.constant 128 : i32
        %parallel_loop3A_319 = vector.broadcast %parallel_loop3A_318 : i32 to vector<16xi32>
        %parallel_loop3A_320 = arith.xori %parallel_loop3A_317, %parallel_loop3A_319 : vector<16xi32>
        %parallel_loop3A_321 = vector.broadcast %sub3A_146 : i32 to vector<16xi32>
        %parallel_loop3A_322 = arith.cmpi eq, %parallel_loop3A_320, %parallel_loop3A_321 : vector<16xi32>
        %parallel_loop3A_323 = arith.index_cast %parallel_loop3A_310 : i32 to index
        %parallel_loop3A_324 = tpu.vector_load %arg11[%parallel_loop3A_323] masked %parallel_loop3A_322 {strides = array<i32>} : memref<4112xi32, #tpu.memory_space<vmem>>, vector<16xi32>, vector<16xi1>
        tpu.vector_store %arg11[%parallel_loop3A_323], %parallel_loop3A_314 masked %parallel_loop3A_322 {strides = array<i32>} : memref<4112xi32, #tpu.memory_space<vmem>>, vector<16xi32>, vector<16xi1>
        %parallel_loop3A_325 = tpu.all_reduce %parallel_loop3A_322 {dim = 0 : i64, kind = #tpu.reduction_kind<sum>} : vector<16xi1> -> vector<16xi32>
        %parallel_loop3A_326 = vector.extract_strided_slice %parallel_loop3A_325 {offsets = [0], sizes = [1], strides = [1]} : vector<16xi32> to vector<1xi32>
        %parallel_loop3A_327 = vector.extract %parallel_loop3A_326[0] : i32 from vector<1xi32>
        %parallel_loop3A_328 = arith.addi %parallel_loop3A_310, %parallel_loop3A_327 : i32
        scf.yield %parallel_loop3A_328 : i32
      } {sc.loop_unroll_factor = 8 : i64, sc.parallel_access}
      %swap3A = arith.index_cast %parallel_loop3A_166 : i32 to index
      %swap3A_167 = tpu.vector_load %arg11[%swap3A] {strides = array<i32>} : memref<4112xi32, #tpu.memory_space<vmem>>, vector<16xi32>,
      tpu.vector_store %arg11[%swap3A], %broadcast_in_dim3A_18 {strides = array<i32>} : memref<4112xi32, #tpu.memory_space<vmem>>, vector<16xi32>,
      %add3A_168 = arith.constant 15 : i32
      %add3A_169 = arith.addi %reduce_sum3A_158, %add3A_168 : i32
      %jit3A_170 = arith.constant 16 : i32
      %div3A_171 = arith.divsi %add3A_169, %jit3A_170 : i32
      %sign3A_172 = arith.constant 0 : i32
      %sign3A_173 = arith.cmpi sgt, %add3A_169, %sign3A_172 : i32
      %sign3A_174 = arith.extui %sign3A_173 : i1 to i32
      %sign3A_175 = arith.constant 0 : i32
      %sign3A_176 = arith.cmpi slt, %add3A_169, %sign3A_175 : i32
      %sign3A_177 = arith.extui %sign3A_176 : i1 to i32
      %sign3A_178 = arith.subi %sign3A_174, %sign3A_177 : i32
      %sign3A_179 = arith.constant 0 : i32
      %sign3A_180 = arith.cmpi sgt, %jit3A_170, %sign3A_179 : i32
      %sign3A_181 = arith.extui %sign3A_180 : i1 to i32
      %sign3A_182 = arith.constant 0 : i32
      %sign3A_183 = arith.cmpi slt, %jit3A_170, %sign3A_182 : i32
      %sign3A_184 = arith.extui %sign3A_183 : i1 to i32
      %sign3A_185 = arith.subi %sign3A_181, %sign3A_184 : i32
      %ne3A_186 = arith.cmpi ne, %sign3A_178, %sign3A_185 : i32
      %rem3A_187 = arith.remsi %add3A_169, %jit3A_170 : i32
      %ne3A_188 = arith.constant 0 : i32
      %ne3A_189 = arith.cmpi ne, %rem3A_187, %ne3A_188 : i32
      %and3A_190 = arith.andi %ne3A_186, %ne3A_189 : i1
      %sub3A_191 = arith.constant 1 : i32
      %sub3A_192 = arith.subi %div3A_171, %sub3A_191 : i32
      %select_n3A_193 = arith.select %and3A_190, %sub3A_192, %div3A_171 : i32
      %mul3A_194 = arith.constant 16 : i32
      %mul3A_195 = arith.muli %select_n3A_193, %mul3A_194 : i32
      %parallel_loop3A_196 = arith.constant 0 : i32
      %parallel_loop3A_197 = arith.constant 256 : i32
      %parallel_loop3A_198 = arith.constant 1 : i32
      scf.for %parallel_loop3A_309 = %parallel_loop3A_196 to %parallel_loop3A_197 step %parallel_loop3A_198  : i32 {
        %parallel_loop3A_310 = arith.constant 16 : i32
        %parallel_loop3A_311 = arith.muli %parallel_loop3A_309, %parallel_loop3A_310 : i32
        %parallel_loop3A_312 = arith.index_cast %parallel_loop3A_311 : i32 to index
        %parallel_loop3A_313 = tpu.vector_load %arg9[%parallel_loop3A_312] {strides = array<i32>} : memref<4096xi32, #tpu.memory_space<vmem>>, vector<16xi32>,
        tpu.vector_store %arg9[%parallel_loop3A_312], %broadcast_in_dim3A_14 {strides = array<i32>} : memref<4096xi32, #tpu.memory_space<vmem>>, vector<16xi32>,
      } {sc.loop_unroll_factor = 8 : i64, sc.parallel_access}
      %parallel_loop3A_199 = arith.constant 0 : i32
      %parallel_loop3A_200 = arith.constant 1 : i32
      scf.for %parallel_loop3A_309 = %parallel_loop3A_199 to %select_n3A_193 step %parallel_loop3A_200  : i32 {
        %parallel_loop3A_310 = arith.constant 16 : i32
        %parallel_loop3A_311 = arith.muli %parallel_loop3A_309, %parallel_loop3A_310 : i32
        %parallel_loop3A_312 = arith.index_cast %parallel_loop3A_311 : i32 to index
        %parallel_loop3A_313 = tpu.vector_load %arg11[%parallel_loop3A_312] {strides = array<i32>} : memref<4112xi32, #tpu.memory_space<vmem>>, vector<16xi32>,
        %parallel_loop3A_314 = arith.constant 16 : i32
        %parallel_loop3A_315 = vector.broadcast %parallel_loop3A_314 : i32 to vector<16xi32>
        %parallel_loop3A_316 = arith.shrui %parallel_loop3A_313, %parallel_loop3A_315 : vector<16xi32>
        %parallel_loop3A_317 = arith.constant 255 : i32
        %parallel_loop3A_318 = vector.broadcast %parallel_loop3A_317 : i32 to vector<16xi32>
        %parallel_loop3A_319 = arith.andi %parallel_loop3A_316, %parallel_loop3A_318 : vector<16xi32>
        %parallel_loop3A_320 = arith.ori %shift_left3A_13, %parallel_loop3A_319 : vector<16xi32>
        tpu.vector_store_idx %arg9[%parallel_loop3A_320], %broadcast_in_dim3A_16 {add = true} : memref<4096xi32, #tpu.memory_space<vmem>>[vector<16xi32>], vector<16xi32>,
      } {sc.loop_unroll_factor = 2 : i64, sc.parallel_access}
      %parallel_loop3A_201 = arith.constant 0 : i32
      %parallel_loop3A_202 = arith.constant 16 : i32
      %parallel_loop3A_203 = arith.constant 1 : i32
      scf.for %parallel_loop3A_309 = %parallel_loop3A_201 to %parallel_loop3A_202 step %parallel_loop3A_203  : i32 {
        %parallel_loop3A_310 = arith.constant 16 : i32
        %parallel_loop3A_311 = arith.muli %parallel_loop3A_309, %parallel_loop3A_310 : i32
        %parallel_loop3A_312 = arith.index_cast %parallel_loop3A_311 : i32 to index
        %parallel_loop3A_313 = tpu.vector_load %arg9[%parallel_loop3A_312] {strides = array<i32>} : memref<4096xi32, #tpu.memory_space<vmem>>, vector<16xi32>,
        %parallel_loop3A_314 = arith.constant 16 : i32
        %parallel_loop3A_315 = arith.muli %parallel_loop3A_309, %parallel_loop3A_314 : i32
        %parallel_loop3A_316 = arith.constant 256 : i32
        %parallel_loop3A_317 = arith.addi %parallel_loop3A_316, %parallel_loop3A_315 : i32
        %parallel_loop3A_318 = arith.index_cast %parallel_loop3A_317 : i32 to index
        %parallel_loop3A_319 = tpu.vector_load %arg9[%parallel_loop3A_318] {strides = array<i32>} : memref<4096xi32, #tpu.memory_space<vmem>>, vector<16xi32>,
        %parallel_loop3A_320 = arith.addi %parallel_loop3A_313, %parallel_loop3A_319 : vector<16xi32>
        %parallel_loop3A_321 = arith.constant 16 : i32
        %parallel_loop3A_322 = arith.muli %parallel_loop3A_309, %parallel_loop3A_321 : i32
        %parallel_loop3A_323 = arith.constant 512 : i32
        %parallel_loop3A_324 = arith.addi %parallel_loop3A_323, %parallel_loop3A_322 : i32
        %parallel_loop3A_325 = arith.index_cast %parallel_loop3A_324 : i32 to index
        %parallel_loop3A_326 = tpu.vector_load %arg9[%parallel_loop3A_325] {strides = array<i32>} : memref<4096xi32, #tpu.memory_space<vmem>>, vector<16xi32>,
        %parallel_loop3A_327 = arith.addi %parallel_loop3A_320, %parallel_loop3A_326 : vector<16xi32>
        %parallel_loop3A_328 = arith.constant 16 : i32
        %parallel_loop3A_329 = arith.muli %parallel_loop3A_309, %parallel_loop3A_328 : i32
        %parallel_loop3A_330 = arith.constant 768 : i32
        %parallel_loop3A_331 = arith.addi %parallel_loop3A_330, %parallel_loop3A_329 : i32
        %parallel_loop3A_332 = arith.index_cast %parallel_loop3A_331 : i32 to index
        %parallel_loop3A_333 = tpu.vector_load %arg9[%parallel_loop3A_332] {strides = array<i32>} : memref<4096xi32, #tpu.memory_space<vmem>>, vector<16xi32>,
        %parallel_loop3A_334 = arith.addi %parallel_loop3A_327, %parallel_loop3A_333 : vector<16xi32>
        %parallel_loop3A_335 = arith.constant 16 : i32
        %parallel_loop3A_336 = arith.muli %parallel_loop3A_309, %parallel_loop3A_335 : i32
        %parallel_loop3A_337 = arith.constant 1024 : i32
        %parallel_loop3A_338 = arith.addi %parallel_loop3A_337, %parallel_loop3A_336 : i32
        %parallel_loop3A_339 = arith.index_cast %parallel_loop3A_338 : i32 to index
        %parallel_loop3A_340 = tpu.vector_load %arg9[%parallel_loop3A_339] {strides = array<i32>} : memref<4096xi32, #tpu.memory_space<vmem>>, vector<16xi32>,
        %parallel_loop3A_341 = arith.addi %parallel_loop3A_334, %parallel_loop3A_340 : vector<16xi32>
        %parallel_loop3A_342 = arith.constant 16 : i32
        %parallel_loop3A_343 = arith.muli %parallel_loop3A_309, %parallel_loop3A_342 : i32
        %parallel_loop3A_344 = arith.constant 1280 : i32
        %parallel_loop3A_345 = arith.addi %parallel_loop3A_344, %parallel_loop3A_343 : i32
        %parallel_loop3A_346 = arith.index_cast %parallel_loop3A_345 : i32 to index
        %parallel_loop3A_347 = tpu.vector_load %arg9[%parallel_loop3A_346] {strides = array<i32>} : memref<4096xi32, #tpu.memory_space<vmem>>, vector<16xi32>,
        %parallel_loop3A_348 = arith.addi %parallel_loop3A_341, %parallel_loop3A_347 : vector<16xi32>
        %parallel_loop3A_349 = arith.constant 16 : i32
        %parallel_loop3A_350 = arith.muli %parallel_loop3A_309, %parallel_loop3A_349 : i32
        %parallel_loop3A_351 = arith.constant 1536 : i32
        %parallel_loop3A_352 = arith.addi %parallel_loop3A_351, %parallel_loop3A_350 : i32
        %parallel_loop3A_353 = arith.index_cast %parallel_loop3A_352 : i32 to index
        %parallel_loop3A_354 = tpu.vector_load %arg9[%parallel_loop3A_353] {strides = array<i32>} : memref<4096xi32, #tpu.memory_space<vmem>>, vector<16xi32>,
        %parallel_loop3A_355 = arith.addi %parallel_loop3A_348, %parallel_loop3A_354 : vector<16xi32>
        %parallel_loop3A_356 = arith.constant 16 : i32
        %parallel_loop3A_357 = arith.muli %parallel_loop3A_309, %parallel_loop3A_356 : i32
        %parallel_loop3A_358 = arith.constant 1792 : i32
        %parallel_loop3A_359 = arith.addi %parallel_loop3A_358, %parallel_loop3A_357 : i32
        %parallel_loop3A_360 = arith.index_cast %parallel_loop3A_359 : i32 to index
        %parallel_loop3A_361 = tpu.vector_load %arg9[%parallel_loop3A_360] {strides = array<i32>} : memref<4096xi32, #tpu.memory_space<vmem>>, vector<16xi32>,
        %parallel_loop3A_362 = arith.addi %parallel_loop3A_355, %parallel_loop3A_361 : vector<16xi32>
        %parallel_loop3A_363 = arith.constant 16 : i32
        %parallel_loop3A_364 = arith.muli %parallel_loop3A_309, %parallel_loop3A_363 : i32
        %parallel_loop3A_365 = arith.constant 2048 : i32
        %parallel_loop3A_366 = arith.addi %parallel_loop3A_365, %parallel_loop3A_364 : i32
        %parallel_loop3A_367 = arith.index_cast %parallel_loop3A_366 : i32 to index
        %parallel_loop3A_368 = tpu.vector_load %arg9[%parallel_loop3A_367] {strides = array<i32>} : memref<4096xi32, #tpu.memory_space<vmem>>, vector<16xi32>,
        %parallel_loop3A_369 = arith.addi %parallel_loop3A_362, %parallel_loop3A_368 : vector<16xi32>
        %parallel_loop3A_370 = arith.constant 16 : i32
        %parallel_loop3A_371 = arith.muli %parallel_loop3A_309, %parallel_loop3A_370 : i32
        %parallel_loop3A_372 = arith.constant 2304 : i32
        %parallel_loop3A_373 = arith.addi %parallel_loop3A_372, %parallel_loop3A_371 : i32
        %parallel_loop3A_374 = arith.index_cast %parallel_loop3A_373 : i32 to index
        %parallel_loop3A_375 = tpu.vector_load %arg9[%parallel_loop3A_374] {strides = array<i32>} : memref<4096xi32, #tpu.memory_space<vmem>>, vector<16xi32>,
        %parallel_loop3A_376 = arith.addi %parallel_loop3A_369, %parallel_loop3A_375 : vector<16xi32>
        %parallel_loop3A_377 = arith.constant 16 : i32
        %parallel_loop3A_378 = arith.muli %parallel_loop3A_309, %parallel_loop3A_377 : i32
        %parallel_loop3A_379 = arith.constant 2560 : i32
        %parallel_loop3A_380 = arith.addi %parallel_loop3A_379, %parallel_loop3A_378 : i32
        %parallel_loop3A_381 = arith.index_cast %parallel_loop3A_380 : i32 to index
        %parallel_loop3A_382 = tpu.vector_load %arg9[%parallel_loop3A_381] {strides = array<i32>} : memref<4096xi32, #tpu.memory_space<vmem>>, vector<16xi32>,
        %parallel_loop3A_383 = arith.addi %parallel_loop3A_376, %parallel_loop3A_382 : vector<16xi32>
        %parallel_loop3A_384 = arith.constant 16 : i32
        %parallel_loop3A_385 = arith.muli %parallel_loop3A_309, %parallel_loop3A_384 : i32
        %parallel_loop3A_386 = arith.constant 2816 : i32
        %parallel_loop3A_387 = arith.addi %parallel_loop3A_386, %parallel_loop3A_385 : i32
        %parallel_loop3A_388 = arith.index_cast %parallel_loop3A_387 : i32 to index
        %parallel_loop3A_389 = tpu.vector_load %arg9[%parallel_loop3A_388] {strides = array<i32>} : memref<4096xi32, #tpu.memory_space<vmem>>, vector<16xi32>,
        %parallel_loop3A_390 = arith.addi %parallel_loop3A_383, %parallel_loop3A_389 : vector<16xi32>
        %parallel_loop3A_391 = arith.constant 16 : i32
        %parallel_loop3A_392 = arith.muli %parallel_loop3A_309, %parallel_loop3A_391 : i32
        %parallel_loop3A_393 = arith.constant 3072 : i32
        %parallel_loop3A_394 = arith.addi %parallel_loop3A_393, %parallel_loop3A_392 : i32
        %parallel_loop3A_395 = arith.index_cast %parallel_loop3A_394 : i32 to index
        %parallel_loop3A_396 = tpu.vector_load %arg9[%parallel_loop3A_395] {strides = array<i32>} : memref<4096xi32, #tpu.memory_space<vmem>>, vector<16xi32>,
        %parallel_loop3A_397 = arith.addi %parallel_loop3A_390, %parallel_loop3A_396 : vector<16xi32>
        %parallel_loop3A_398 = arith.constant 16 : i32
        %parallel_loop3A_399 = arith.muli %parallel_loop3A_309, %parallel_loop3A_398 : i32
        %parallel_loop3A_400 = arith.constant 3328 : i32
        %parallel_loop3A_401 = arith.addi %parallel_loop3A_400, %parallel_loop3A_399 : i32
        %parallel_loop3A_402 = arith.index_cast %parallel_loop3A_401 : i32 to index
        %parallel_loop3A_403 = tpu.vector_load %arg9[%parallel_loop3A_402] {strides = array<i32>} : memref<4096xi32, #tpu.memory_space<vmem>>, vector<16xi32>,
        %parallel_loop3A_404 = arith.addi %parallel_loop3A_397, %parallel_loop3A_403 : vector<16xi32>
        %parallel_loop3A_405 = arith.constant 16 : i32
        %parallel_loop3A_406 = arith.muli %parallel_loop3A_309, %parallel_loop3A_405 : i32
        %parallel_loop3A_407 = arith.constant 3584 : i32
        %parallel_loop3A_408 = arith.addi %parallel_loop3A_407, %parallel_loop3A_406 : i32
        %parallel_loop3A_409 = arith.index_cast %parallel_loop3A_408 : i32 to index
        %parallel_loop3A_410 = tpu.vector_load %arg9[%parallel_loop3A_409] {strides = array<i32>} : memref<4096xi32, #tpu.memory_space<vmem>>, vector<16xi32>,
        %parallel_loop3A_411 = arith.addi %parallel_loop3A_404, %parallel_loop3A_410 : vector<16xi32>
        %parallel_loop3A_412 = arith.constant 16 : i32
        %parallel_loop3A_413 = arith.muli %parallel_loop3A_309, %parallel_loop3A_412 : i32
        %parallel_loop3A_414 = arith.constant 3840 : i32
        %parallel_loop3A_415 = arith.addi %parallel_loop3A_414, %parallel_loop3A_413 : i32
        %parallel_loop3A_416 = arith.index_cast %parallel_loop3A_415 : i32 to index
        %parallel_loop3A_417 = tpu.vector_load %arg9[%parallel_loop3A_416] {strides = array<i32>} : memref<4096xi32, #tpu.memory_space<vmem>>, vector<16xi32>,
        %parallel_loop3A_418 = arith.addi %parallel_loop3A_411, %parallel_loop3A_417 : vector<16xi32>
        %parallel_loop3A_419 = arith.constant 16 : i32
        %parallel_loop3A_420 = arith.muli %parallel_loop3A_309, %parallel_loop3A_419 : i32
        %parallel_loop3A_421 = arith.index_cast %parallel_loop3A_420 : i32 to index
        %parallel_loop3A_422 = tpu.vector_load %arg10[%parallel_loop3A_421] {strides = array<i32>} : memref<256xi32, #tpu.memory_space<vmem>>, vector<16xi32>,
        tpu.vector_store %arg10[%parallel_loop3A_421], %parallel_loop3A_418 {strides = array<i32>} : memref<256xi32, #tpu.memory_space<vmem>>, vector<16xi32>,
      } {sc.loop_unroll_factor = 2 : i64, sc.parallel_access}
      %sub3A_204 = arith.subi %mul3A_195, %sub3A_161 : i32
      %parallel_loop3A_205 = arith.constant 0 : i32
      %parallel_loop3A_206 = arith.constant 16 : i32
      %parallel_loop3A_207 = arith.constant 1 : i32
      %parallel_loop3A_208 = arith.constant 0 : i32
      %parallel_loop3A_209 = arith.constant 0 : i32
      %parallel_loop3A_210:2 = scf.for %parallel_loop3A_309 = %parallel_loop3A_205 to %parallel_loop3A_206 step %parallel_loop3A_207 iter_args(%parallel_loop3A_310 = %parallel_loop3A_208, %parallel_loop3A_311 = %parallel_loop3A_209) -> (i32, i32)  : i32 {
        %parallel_loop3A_312 = arith.constant 16 : i32
        %parallel_loop3A_313 = arith.muli %parallel_loop3A_309, %parallel_loop3A_312 : i32
        %parallel_loop3A_314 = arith.index_cast %parallel_loop3A_313 : i32 to index
        %parallel_loop3A_315 = tpu.vector_load %arg10[%parallel_loop3A_314] {strides = array<i32>} : memref<256xi32, #tpu.memory_space<vmem>>, vector<16xi32>,
        %parallel_loop3A_316 = arith.constant true
        %parallel_loop3A_317 = vector.broadcast %parallel_loop3A_316 : i1 to vector<16xi1>
        %parallel_loop3A_318 = tpu.scan <sum>, %parallel_loop3A_315 masked %parallel_loop3A_317 : vector<16xi32>, vector<16xi1> -> vector<16xi32>
        %parallel_loop3A_319 = arith.subi %parallel_loop3A_318, %parallel_loop3A_315 : vector<16xi32>
        %parallel_loop3A_320 = vector.broadcast %parallel_loop3A_310 : i32 to vector<16xi32>
        %parallel_loop3A_321 = arith.addi %parallel_loop3A_319, %parallel_loop3A_320 : vector<16xi32>
        %parallel_loop3A_322 = vector.broadcast %sub3A_204 : i32 to vector<16xi32>
        %parallel_loop3A_323 = arith.cmpi sle, %parallel_loop3A_321, %parallel_loop3A_322 : vector<16xi32>
        %parallel_loop3A_324 = tpu.all_reduce %parallel_loop3A_323 {dim = 0 : i64, kind = #tpu.reduction_kind<sum>} : vector<16xi1> -> vector<16xi32>
        %parallel_loop3A_325 = vector.extract_strided_slice %parallel_loop3A_324 {offsets = [0], sizes = [1], strides = [1]} : vector<16xi32> to vector<1xi32>
        %parallel_loop3A_326 = vector.extract %parallel_loop3A_325[0] : i32 from vector<1xi32>
        %parallel_loop3A_327 = arith.addi %parallel_loop3A_311, %parallel_loop3A_326 : i32
        %parallel_loop3A_328 = vector.extract_strided_slice %parallel_loop3A_318 {offsets = [15], sizes = [1], strides = [1]} : vector<16xi32> to vector<1xi32>
        %parallel_loop3A_329 = vector.extract %parallel_loop3A_328[0] : i32 from vector<1xi32>
        %parallel_loop3A_330 = arith.addi %parallel_loop3A_310, %parallel_loop3A_329 : i32
        scf.yield %parallel_loop3A_330, %parallel_loop3A_327 : i32, i32
      } {sc.loop_unroll_factor = 4 : i64, sc.parallel_access}
      %sub3A_211 = arith.constant 1 : i32
      %sub3A_212 = arith.subi %parallel_loop3A_210#1, %sub3A_211 : i32
      %parallel_loop3A_213 = arith.constant 0 : i32
      %parallel_loop3A_214 = arith.constant 16 : i32
      %parallel_loop3A_215 = arith.constant 1 : i32
      %parallel_loop3A_216:2 = scf.for %parallel_loop3A_309 = %parallel_loop3A_213 to %parallel_loop3A_214 step %parallel_loop3A_215 iter_args(%parallel_loop3A_310 = %broadcast_in_dim3A_14, %parallel_loop3A_311 = %broadcast_in_dim3A_14) -> (vector<16xi32>, vector<16xi32>)  : i32 {
        %parallel_loop3A_312 = arith.constant 16 : i32
        %parallel_loop3A_313 = arith.muli %parallel_loop3A_309, %parallel_loop3A_312 : i32
        %parallel_loop3A_314 = arith.index_cast %parallel_loop3A_313 : i32 to index
        %parallel_loop3A_315 = tpu.vector_load %arg10[%parallel_loop3A_314] {strides = array<i32>} : memref<256xi32, #tpu.memory_space<vmem>>, vector<16xi32>,
        %parallel_loop3A_316 = arith.constant 16 : i32
        %parallel_loop3A_317 = arith.muli %parallel_loop3A_309, %parallel_loop3A_316 : i32
        %parallel_loop3A_318 = vector.broadcast %parallel_loop3A_317 : i32 to vector<16xi32>
        %parallel_loop3A_319 = arith.addi %iota3A, %parallel_loop3A_318 : vector<16xi32>
        %parallel_loop3A_320 = vector.broadcast %sub3A_212 : i32 to vector<16xi32>
        %parallel_loop3A_321 = arith.cmpi sle, %parallel_loop3A_319, %parallel_loop3A_320 : vector<16xi32>
        %parallel_loop3A_322 = arith.constant 0 : i32
        %parallel_loop3A_323 = vector.broadcast %parallel_loop3A_322 : i32 to vector<16xi32>
        %parallel_loop3A_324 = arith.select %parallel_loop3A_321, %parallel_loop3A_315, %parallel_loop3A_323 : vector<16xi1>, vector<16xi32>
        %parallel_loop3A_325 = arith.addi %parallel_loop3A_310, %parallel_loop3A_324 : vector<16xi32>
        %parallel_loop3A_326 = vector.broadcast %sub3A_212 : i32 to vector<16xi32>
        %parallel_loop3A_327 = arith.cmpi eq, %parallel_loop3A_319, %parallel_loop3A_326 : vector<16xi32>
        %parallel_loop3A_328 = arith.constant 0 : i32
        %parallel_loop3A_329 = vector.broadcast %parallel_loop3A_328 : i32 to vector<16xi32>
        %parallel_loop3A_330 = arith.select %parallel_loop3A_327, %parallel_loop3A_315, %parallel_loop3A_329 : vector<16xi1>, vector<16xi32>
        %parallel_loop3A_331 = arith.addi %parallel_loop3A_311, %parallel_loop3A_330 : vector<16xi32>
        scf.yield %parallel_loop3A_325, %parallel_loop3A_331 : vector<16xi32>, vector<16xi32>
      } {sc.loop_unroll_factor = 4 : i64, sc.parallel_access}
      %reduce_sum3A_217 = arith.constant true
      %reduce_sum3A_218 = vector.broadcast %reduce_sum3A_217 : i1 to vector<16xi1>
      %reduce_sum3A_219 = tpu.scan <sum>, %parallel_loop3A_216#0 masked %reduce_sum3A_218 : vector<16xi32>, vector<16xi1> -> vector<16xi32>
      %reduce_sum3A_220 = vector.extract %reduce_sum3A_219[15] : i32 from vector<16xi32>
      %reduce_sum3A_221 = arith.constant true
      %reduce_sum3A_222 = vector.broadcast %reduce_sum3A_221 : i1 to vector<16xi1>
      %reduce_sum3A_223 = tpu.scan <sum>, %parallel_loop3A_216#1 masked %reduce_sum3A_222 : vector<16xi32>, vector<16xi1> -> vector<16xi32>
      %reduce_sum3A_224 = vector.extract %reduce_sum3A_223[15] : i32 from vector<16xi32>
      %sub3A_225 = arith.subi %mul3A_195, %reduce_sum3A_220 : i32
      %sub3A_226 = arith.subi %sub3A_161, %sub3A_225 : i32
      %parallel_loop3A_227 = arith.constant 0 : i32
      %parallel_loop3A_228 = arith.constant 1 : i32
      %parallel_loop3A_229 = arith.constant 0 : i32
      %parallel_loop3A_230 = scf.for %parallel_loop3A_309 = %parallel_loop3A_227 to %select_n3A_193 step %parallel_loop3A_228 iter_args(%parallel_loop3A_310 = %parallel_loop3A_229) -> (i32)  : i32 {
        %parallel_loop3A_311 = arith.constant 16 : i32
        %parallel_loop3A_312 = arith.muli %parallel_loop3A_309, %parallel_loop3A_311 : i32
        %parallel_loop3A_313 = arith.index_cast %parallel_loop3A_312 : i32 to index
        %parallel_loop3A_314 = tpu.vector_load %arg11[%parallel_loop3A_313] {strides = array<i32>} : memref<4112xi32, #tpu.memory_space<vmem>>, vector<16xi32>,
        %parallel_loop3A_315 = arith.constant 16 : i32
        %parallel_loop3A_316 = vector.broadcast %parallel_loop3A_315 : i32 to vector<16xi32>
        %parallel_loop3A_317 = arith.shrui %parallel_loop3A_314, %parallel_loop3A_316 : vector<16xi32>
        %parallel_loop3A_318 = arith.constant 255 : i32
        %parallel_loop3A_319 = vector.broadcast %parallel_loop3A_318 : i32 to vector<16xi32>
        %parallel_loop3A_320 = arith.andi %parallel_loop3A_317, %parallel_loop3A_319 : vector<16xi32>
        %parallel_loop3A_321 = vector.broadcast %sub3A_212 : i32 to vector<16xi32>
        %parallel_loop3A_322 = arith.cmpi eq, %parallel_loop3A_320, %parallel_loop3A_321 : vector<16xi32>
        %parallel_loop3A_323 = arith.index_cast %parallel_loop3A_310 : i32 to index
        %parallel_loop3A_324 = tpu.vector_load %arg12[%parallel_loop3A_323] masked %parallel_loop3A_322 {strides = array<i32>} : memref<4112xi32, #tpu.memory_space<vmem>>, vector<16xi32>, vector<16xi1>
        tpu.vector_store %arg12[%parallel_loop3A_323], %parallel_loop3A_314 masked %parallel_loop3A_322 {strides = array<i32>} : memref<4112xi32, #tpu.memory_space<vmem>>, vector<16xi32>, vector<16xi1>
        %parallel_loop3A_325 = tpu.all_reduce %parallel_loop3A_322 {dim = 0 : i64, kind = #tpu.reduction_kind<sum>} : vector<16xi1> -> vector<16xi32>
        %parallel_loop3A_326 = vector.extract_strided_slice %parallel_loop3A_325 {offsets = [0], sizes = [1], strides = [1]} : vector<16xi32> to vector<1xi32>
        %parallel_loop3A_327 = vector.extract %parallel_loop3A_326[0] : i32 from vector<1xi32>
        %parallel_loop3A_328 = arith.addi %parallel_loop3A_310, %parallel_loop3A_327 : i32
        scf.yield %parallel_loop3A_328 : i32
      } {sc.loop_unroll_factor = 2 : i64, sc.parallel_access}
      %swap3A_231 = arith.index_cast %parallel_loop3A_230 : i32 to index
      %swap3A_232 = tpu.vector_load %arg12[%swap3A_231] {strides = array<i32>} : memref<4112xi32, #tpu.memory_space<vmem>>, vector<16xi32>,
      tpu.vector_store %arg12[%swap3A_231], %broadcast_in_dim3A_18 {strides = array<i32>} : memref<4112xi32, #tpu.memory_space<vmem>>, vector<16xi32>,
      %add3A_233 = arith.constant 15 : i32
      %add3A_234 = arith.addi %parallel_loop3A_230, %add3A_233 : i32
      %jit3A_235 = arith.constant 16 : i32
      %div3A_236 = arith.divsi %add3A_234, %jit3A_235 : i32
      %sign3A_237 = arith.constant 0 : i32
      %sign3A_238 = arith.cmpi sgt, %add3A_234, %sign3A_237 : i32
      %sign3A_239 = arith.extui %sign3A_238 : i1 to i32
      %sign3A_240 = arith.constant 0 : i32
      %sign3A_241 = arith.cmpi slt, %add3A_234, %sign3A_240 : i32
      %sign3A_242 = arith.extui %sign3A_241 : i1 to i32
      %sign3A_243 = arith.subi %sign3A_239, %sign3A_242 : i32
      %sign3A_244 = arith.constant 0 : i32
      %sign3A_245 = arith.cmpi sgt, %jit3A_235, %sign3A_244 : i32
      %sign3A_246 = arith.extui %sign3A_245 : i1 to i32
      %sign3A_247 = arith.constant 0 : i32
      %sign3A_248 = arith.cmpi slt, %jit3A_235, %sign3A_247 : i32
      %sign3A_249 = arith.extui %sign3A_248 : i1 to i32
      %sign3A_250 = arith.subi %sign3A_246, %sign3A_249 : i32
      %ne3A_251 = arith.cmpi ne, %sign3A_243, %sign3A_250 : i32
      %rem3A_252 = arith.remsi %add3A_234, %jit3A_235 : i32
      %ne3A_253 = arith.constant 0 : i32
      %ne3A_254 = arith.cmpi ne, %rem3A_252, %ne3A_253 : i32
      %and3A_255 = arith.andi %ne3A_251, %ne3A_254 : i1
      %sub3A_256 = arith.constant 1 : i32
      %sub3A_257 = arith.subi %div3A_236, %sub3A_256 : i32
      %select_n3A_258 = arith.select %and3A_255, %sub3A_257, %div3A_236 : i32
      %shift_left3A_259 = arith.constant 24 : i32
      %shift_left3A_260 = arith.shli %sub3A_146, %shift_left3A_259 : i32
      %shift_left3A_261 = arith.constant 16 : i32
      %shift_left3A_262 = arith.shli %sub3A_212, %shift_left3A_261 : i32
      %or3A = arith.ori %shift_left3A_260, %shift_left3A_262 : i32
      %scan3A_263 = arith.constant 0 : i32
      %scan3A_264 = arith.constant 16 : i32
      %scan3A_265 = arith.addi %scan3A_263, %scan3A_264 : i32
      %scan3A_266 = arith.constant 1 : i32
      %scan3A_267 = scf.for %scan3A_309 = %scan3A_263 to %scan3A_265 step %scan3A_266 iter_args(%scan3A_310 = %or3A) -> (i32)  : i32 {
        %sub3A_311 = arith.constant 15 : i32
        %sub3A_312 = arith.subi %sub3A_311, %scan3A_309 : i32
        %shift_left3A_313 = arith.constant 1 : i32
        %shift_left3A_314 = arith.shli %shift_left3A_313, %sub3A_312 : i32
        %or3A_315 = arith.ori %scan3A_310, %shift_left3A_314 : i32
        %xor3A_316 = arith.constant -2147483648 : i32
        %xor3A_317 = arith.xori %or3A_315, %xor3A_316 : i32
        %while3A_318 = arith.constant 0 : i32
        %while3A_319 = arith.subi %select_n3A_258, %while3A_318 : i32
        %while3A_320 = arith.addi %while3A_318, %while3A_319 : i32
        %while3A_321 = arith.constant 1 : i32
        %while3A_322 = arith.divsi %while3A_319, %while3A_321 : i32
        %while3A_323 = arith.muli %while3A_322, %while3A_321 : i32
        %while3A_324 = arith.addi %while3A_318, %while3A_323 : i32
        %while3A_325 = arith.constant 1 : i32
        %while3A_326 = scf.for %while3A_335 = %while3A_318 to %while3A_324 step %while3A_325 iter_args(%while3A_336 = %broadcast_in_dim3A_14) -> (vector<16xi32>)  : i32 {
          %mul3A_337 = arith.constant 16 : i32
          %mul3A_338 = arith.muli %while3A_335, %mul3A_337 : i32
          %get3A_339 = arith.index_cast %mul3A_338 : i32 to index
          %get3A_340 = tpu.vector_load %arg12[%get3A_339] {strides = array<i32>} : memref<4112xi32, #tpu.memory_space<vmem>>, vector<16xi32>,
          %ge3A_341 = vector.broadcast %xor3A_317 : i32 to vector<16xi32>
          %ge3A_342 = arith.cmpi sge, %get3A_340, %ge3A_341 : vector<16xi32>
          %jit3A_343 = arith.constant 1 : i32
          %jit3A_344 = arith.constant 0 : i32
          %broadcast_in_dim3A_345 = vector.broadcast %jit3A_343 : i32 to vector<16xi32>
          %broadcast_in_dim3A_346 = vector.broadcast %jit3A_344 : i32 to vector<16xi32>
          %select_n3A_347 = arith.select %ge3A_342, %broadcast_in_dim3A_345, %broadcast_in_dim3A_346 : vector<16xi1>, vector<16xi32>
          %add3A_348 = arith.addi %while3A_336, %select_n3A_347 : vector<16xi32>
          scf.yield %add3A_348 : vector<16xi32>
        }
        %while3A_327 = arith.constant 1 : i32
        %while3A_328 = scf.for %while3A_335 = %while3A_324 to %while3A_320 step %while3A_327 iter_args(%while3A_336 = %while3A_326) -> (vector<16xi32>)  : i32 {
          %mul3A_337 = arith.constant 16 : i32
          %mul3A_338 = arith.muli %while3A_335, %mul3A_337 : i32
          %get3A_339 = arith.index_cast %mul3A_338 : i32 to index
          %get3A_340 = tpu.vector_load %arg12[%get3A_339] {strides = array<i32>} : memref<4112xi32, #tpu.memory_space<vmem>>, vector<16xi32>,
          %ge3A_341 = vector.broadcast %xor3A_317 : i32 to vector<16xi32>
          %ge3A_342 = arith.cmpi sge, %get3A_340, %ge3A_341 : vector<16xi32>
          %jit3A_343 = arith.constant 1 : i32
          %jit3A_344 = arith.constant 0 : i32
          %broadcast_in_dim3A_345 = vector.broadcast %jit3A_343 : i32 to vector<16xi32>
          %broadcast_in_dim3A_346 = vector.broadcast %jit3A_344 : i32 to vector<16xi32>
          %select_n3A_347 = arith.select %ge3A_342, %broadcast_in_dim3A_345, %broadcast_in_dim3A_346 : vector<16xi1>, vector<16xi32>
          %add3A_348 = arith.addi %while3A_336, %select_n3A_347 : vector<16xi32>
          scf.yield %add3A_348 : vector<16xi32>
        }
        %reduce_sum3A_329 = arith.constant true
        %reduce_sum3A_330 = vector.broadcast %reduce_sum3A_329 : i1 to vector<16xi1>
        %reduce_sum3A_331 = tpu.scan <sum>, %while3A_328 masked %reduce_sum3A_330 : vector<16xi32>, vector<16xi1> -> vector<16xi32>
        %reduce_sum3A_332 = vector.extract %reduce_sum3A_331[15] : i32 from vector<16xi32>
        %ge3A_333 = arith.cmpi sge, %reduce_sum3A_332, %sub3A_226 : i32
        %select_n3A_334 = arith.select %ge3A_333, %or3A_315, %scan3A_310 : i32
        scf.yield %select_n3A_334 : i32
      }
      %scan3A_268 = arith.constant 16 : i32
      %xor3A = arith.constant -2147483648 : i32
      %xor3A_269 = arith.xori %scan3A_267, %xor3A : i32
      %while3A = arith.constant 0 : i32
      %while3A_270 = arith.subi %select_n3A_258, %while3A : i32
      %while3A_271 = arith.addi %while3A, %while3A_270 : i32
      %while3A_272 = arith.constant 1 : i32
      %while3A_273 = arith.divsi %while3A_270, %while3A_272 : i32
      %while3A_274 = arith.muli %while3A_273, %while3A_272 : i32
      %while3A_275 = arith.addi %while3A, %while3A_274 : i32
      %while3A_276 = arith.constant 1 : i32
      %while3A_277:2 = scf.for %while3A_309 = %while3A to %while3A_275 step %while3A_276 iter_args(%while3A_310 = %broadcast_in_dim3A_14, %while3A_311 = %broadcast_in_dim3A_14) -> (vector<16xi32>, vector<16xi32>)  : i32 {
        %mul3A_312 = arith.constant 16 : i32
        %mul3A_313 = arith.muli %while3A_309, %mul3A_312 : i32
        %get3A_314 = arith.index_cast %mul3A_313 : i32 to index
        %get3A_315 = tpu.vector_load %arg12[%get3A_314] {strides = array<i32>} : memref<4112xi32, #tpu.memory_space<vmem>>, vector<16xi32>,
        %gt3A = vector.broadcast %xor3A_269 : i32 to vector<16xi32>
        %gt3A_316 = arith.cmpi sgt, %get3A_315, %gt3A : vector<16xi32>
        %jit3A_317 = arith.constant 1 : i32
        %jit3A_318 = arith.constant 0 : i32
        %broadcast_in_dim3A_319 = vector.broadcast %jit3A_317 : i32 to vector<16xi32>
        %broadcast_in_dim3A_320 = vector.broadcast %jit3A_318 : i32 to vector<16xi32>
        %select_n3A_321 = arith.select %gt3A_316, %broadcast_in_dim3A_319, %broadcast_in_dim3A_320 : vector<16xi1>, vector<16xi32>
        %add3A_322 = arith.addi %while3A_310, %select_n3A_321 : vector<16xi32>
        %eq3A_323 = vector.broadcast %xor3A_269 : i32 to vector<16xi32>
        %eq3A_324 = arith.cmpi eq, %get3A_315, %eq3A_323 : vector<16xi32>
        %jit3A_325 = arith.constant 1 : i32
        %jit3A_326 = arith.constant 0 : i32
        %broadcast_in_dim3A_327 = vector.broadcast %jit3A_325 : i32 to vector<16xi32>
        %broadcast_in_dim3A_328 = vector.broadcast %jit3A_326 : i32 to vector<16xi32>
        %select_n3A_329 = arith.select %eq3A_324, %broadcast_in_dim3A_327, %broadcast_in_dim3A_328 : vector<16xi1>, vector<16xi32>
        %add3A_330 = arith.addi %while3A_311, %select_n3A_329 : vector<16xi32>
        scf.yield %add3A_322, %add3A_330 : vector<16xi32>, vector<16xi32>
      }
      %while3A_278 = arith.constant 1 : i32
      %while3A_279:2 = scf.for %while3A_309 = %while3A_275 to %while3A_271 step %while3A_278 iter_args(%while3A_310 = %while3A_277#0, %while3A_311 = %while3A_277#1) -> (vector<16xi32>, vector<16xi32>)  : i32 {
        %mul3A_312 = arith.constant 16 : i32
        %mul3A_313 = arith.muli %while3A_309, %mul3A_312 : i32
        %get3A_314 = arith.index_cast %mul3A_313 : i32 to index
        %get3A_315 = tpu.vector_load %arg12[%get3A_314] {strides = array<i32>} : memref<4112xi32, #tpu.memory_space<vmem>>, vector<16xi32>,
        %gt3A = vector.broadcast %xor3A_269 : i32 to vector<16xi32>
        %gt3A_316 = arith.cmpi sgt, %get3A_315, %gt3A : vector<16xi32>
        %jit3A_317 = arith.constant 1 : i32
        %jit3A_318 = arith.constant 0 : i32
        %broadcast_in_dim3A_319 = vector.broadcast %jit3A_317 : i32 to vector<16xi32>
        %broadcast_in_dim3A_320 = vector.broadcast %jit3A_318 : i32 to vector<16xi32>
        %select_n3A_321 = arith.select %gt3A_316, %broadcast_in_dim3A_319, %broadcast_in_dim3A_320 : vector<16xi1>, vector<16xi32>
        %add3A_322 = arith.addi %while3A_310, %select_n3A_321 : vector<16xi32>
        %eq3A_323 = vector.broadcast %xor3A_269 : i32 to vector<16xi32>
        %eq3A_324 = arith.cmpi eq, %get3A_315, %eq3A_323 : vector<16xi32>
        %jit3A_325 = arith.constant 1 : i32
        %jit3A_326 = arith.constant 0 : i32
        %broadcast_in_dim3A_327 = vector.broadcast %jit3A_325 : i32 to vector<16xi32>
        %broadcast_in_dim3A_328 = vector.broadcast %jit3A_326 : i32 to vector<16xi32>
        %select_n3A_329 = arith.select %eq3A_324, %broadcast_in_dim3A_327, %broadcast_in_dim3A_328 : vector<16xi1>, vector<16xi32>
        %add3A_330 = arith.addi %while3A_311, %select_n3A_329 : vector<16xi32>
        scf.yield %add3A_322, %add3A_330 : vector<16xi32>, vector<16xi32>
      }
      %add3A_280 = arith.addi %sub3A_160, %sub3A_225 : i32
      %reduce_sum3A_281 = arith.constant true
      %reduce_sum3A_282 = vector.broadcast %reduce_sum3A_281 : i1 to vector<16xi1>
      %reduce_sum3A_283 = tpu.scan <sum>, %while3A_279#0 masked %reduce_sum3A_282 : vector<16xi32>, vector<16xi1> -> vector<16xi32>
      %reduce_sum3A_284 = vector.extract %reduce_sum3A_283[15] : i32 from vector<16xi32>
      %add3A_285 = arith.addi %add3A_280, %reduce_sum3A_284 : i32
      %reduce_sum3A_286 = arith.constant true
      %reduce_sum3A_287 = vector.broadcast %reduce_sum3A_286 : i1 to vector<16xi1>
      %reduce_sum3A_288 = tpu.scan <sum>, %while3A_279#1 masked %reduce_sum3A_287 : vector<16xi32>, vector<16xi1> -> vector<16xi32>
      %reduce_sum3A_289 = vector.extract %reduce_sum3A_288[15] : i32 from vector<16xi32>
      %sub3A_290 = arith.subi %reduce_sum3A_128, %add3A_285 : i32
      %ge3A = arith.constant 1 : i32
      %ge3A_291 = arith.cmpi sge, %scan3A_36, %ge3A : i32
      %convert_element_type3A_292 = arith.extui %ge3A_291 : i1 to i32
      %cond3A_293 = arith.constant 0 : i32
      %cond3A_294 = arith.cmpi ne, %convert_element_type3A_292, %cond3A_293 : i32
      scf.if %cond3A_294 {
        %sub3A_309 = arith.constant 1 : i32
        %sub3A_310 = arith.subi %scan3A_36, %sub3A_309 : i32
        %jit3A_311 = arith.constant 2 : i32
        %eq3A_312 = arith.constant 0 : i32
        %eq3A_313 = arith.cmpi eq, %jit3A_311, %eq3A_312 : i32
        %jit3A_314 = arith.constant 1 : i32
        %select_n3A_315 = arith.select %eq3A_313, %jit3A_314, %jit3A_311 : i32
        %rem3A_316 = arith.remsi %sub3A_310, %select_n3A_315 : i32
        %ne3A_317 = arith.constant 0 : i32
        %ne3A_318 = arith.cmpi ne, %rem3A_316, %ne3A_317 : i32
        %lt3A_319 = arith.constant 0 : i32
        %lt3A_320 = arith.cmpi slt, %rem3A_316, %lt3A_319 : i32
        %lt3A_321 = arith.constant 0 : i32
        %lt3A_322 = arith.cmpi slt, %select_n3A_315, %lt3A_321 : i32
        %ne3A_323 = arith.xori %lt3A_320, %lt3A_322 : i1
        %and3A_324 = arith.andi %ne3A_323, %ne3A_318 : i1
        %add3A_325 = arith.addi %rem3A_316, %select_n3A_315 : i32
        %select_n3A_326 = arith.select %and3A_324, %add3A_325, %rem3A_316 : i32
        %mul3A_327 = arith.constant 4096 : i32
        %mul3A_328 = arith.muli %select_n3A_326, %mul3A_327 : i32
        %sub3A_329 = arith.constant 1 : i32
        %sub3A_330 = arith.subi %add3A_37, %sub3A_329 : i32
        %dma_wait3A_331 = tpu.memref_slice %arg7[%mul3A_328] : memref<8192xf32, #tpu.memory_space<vmem>> -> memref<4096xf32, #tpu.memory_space<vmem>>
        %dma_wait3A_332 = arith.constant 0 : i32
        %dma_wait3A_333 = tpu.memref_slice %arg4[%sub3A_330, %dma_wait3A_332] : memref<4096x4096xf32, #tpu.memory_space<hbm>> -> memref<1x4096xf32, #tpu.memory_space<hbm>>
        %dma_wait3A_334 = tpu.memref_squeeze %dma_wait3A_333 : memref<1x4096xf32, #tpu.memory_space<hbm>> -> memref<4096xf32, #tpu.memory_space<hbm>>
        %dma_wait3A_335 = arith.constant 0 : i32
        %dma_wait3A_336 = tpu.memref_slice %arg4[%sub3A_330, %dma_wait3A_335] : memref<4096x4096xf32, #tpu.memory_space<hbm>> -> memref<1x4096xf32, #tpu.memory_space<hbm>>
        %dma_wait3A_337 = tpu.memref_squeeze %dma_wait3A_336 : memref<1x4096xf32, #tpu.memory_space<hbm>> -> memref<4096xf32, #tpu.memory_space<hbm>>
        %dma_wait3A_338 = tpu.memref_slice %arg7[%mul3A_328] : memref<8192xf32, #tpu.memory_space<vmem>> -> memref<4096xf32, #tpu.memory_space<vmem>>
        tpu.wait_dma2 semaphore(%arg14 : memref<!tpu.dma_semaphore, #tpu.memory_space<semaphore_mem>>) src(%dma_wait3A_338 : memref<4096xf32, #tpu.memory_space<vmem>>) dst(%dma_wait3A_337 : memref<4096xf32, #tpu.memory_space<hbm>>)
      } else {
      }
      %parallel_loop3A_295 = arith.constant 0 : i32
      %parallel_loop3A_296 = arith.constant 256 : i32
      %parallel_loop3A_297 = arith.constant 1 : i32
      scf.for %parallel_loop3A_309 = %parallel_loop3A_295 to %parallel_loop3A_296 step %parallel_loop3A_297  : i32 {
        %parallel_loop3A_310 = arith.constant 16 : i32
        %parallel_loop3A_311 = arith.muli %parallel_loop3A_309, %parallel_loop3A_310 : i32
        %parallel_loop3A_312 = arith.index_cast %parallel_loop3A_311 : i32 to index
        %parallel_loop3A_313 = tpu.vector_load %arg6[%parallel_loop3A_312] {strides = array<i32>} : memref<4096xi32, #tpu.memory_space<vmem>>, vector<16xi32>,
        %parallel_loop3A_314 = vector.broadcast %xor3A_269 : i32 to vector<16xi32>
        %parallel_loop3A_315 = arith.cmpi sge, %parallel_loop3A_313, %parallel_loop3A_314 : vector<16xi32>
        %parallel_loop3A_316 = arith.constant 1.000000e+00 : f32
        %parallel_loop3A_317 = arith.constant 0.000000e+00 : f32
        %parallel_loop3A_318 = vector.broadcast %parallel_loop3A_316 : f32 to vector<16xf32>
        %parallel_loop3A_319 = vector.broadcast %parallel_loop3A_317 : f32 to vector<16xf32>
        %parallel_loop3A_320 = arith.select %parallel_loop3A_315, %parallel_loop3A_318, %parallel_loop3A_319 : vector<16xi1>, vector<16xf32>
        %parallel_loop3A_321 = arith.constant 16 : i32
        %parallel_loop3A_322 = arith.muli %parallel_loop3A_309, %parallel_loop3A_321 : i32
        %parallel_loop3A_323 = tpu.memref_slice %arg7[%mul3A_66] : memref<8192xf32, #tpu.memory_space<vmem>> -> memref<4096xf32, #tpu.memory_space<vmem>>
        %parallel_loop3A_324 = arith.index_cast %parallel_loop3A_322 : i32 to index
        %parallel_loop3A_325 = tpu.vector_load %parallel_loop3A_323[%parallel_loop3A_324] {strides = array<i32>} : memref<4096xf32, #tpu.memory_space<vmem>>, vector<16xf32>,
        tpu.vector_store %parallel_loop3A_323[%parallel_loop3A_324], %parallel_loop3A_320 {strides = array<i32>} : memref<4096xf32, #tpu.memory_space<vmem>>, vector<16xf32>,
      } {sc.loop_unroll_factor = 8 : i64, sc.parallel_access}
      %sub3A_298 = arith.subi %reduce_sum3A_289, %sub3A_290 : i32
      %while3A_299 = arith.constant 255 : i32
      %while3A_300:2 = scf.while (%while3A_309 = %while3A_299, %while3A_310 = %sub3A_298) : (i32, i32) -> (i32, i32) {
        %gt3A = arith.constant 0 : i32
        %gt3A_311 = arith.cmpi sgt, %while3A_310, %gt3A : i32
        scf.condition(%gt3A_311) %while3A_309, %while3A_310 : i32, i32
      } do {
      ^bb0(%while3A_309: i32, %while3A_310: i32):
        %mul3A_311 = arith.constant 16 : i32
        %mul3A_312 = arith.muli %while3A_309, %mul3A_311 : i32
        %get3A_313 = arith.index_cast %mul3A_312 : i32 to index
        %get3A_314 = tpu.vector_load %arg6[%get3A_313] {strides = array<i32>} : memref<4096xi32, #tpu.memory_space<vmem>>, vector<16xi32>,
        %eq3A_315 = vector.broadcast %xor3A_269 : i32 to vector<16xi32>
        %eq3A_316 = arith.cmpi eq, %get3A_314, %eq3A_315 : vector<16xi32>
        %jit3A_317 = arith.constant 1 : i32
        %jit3A_318 = arith.constant 0 : i32
        %broadcast_in_dim3A_319 = vector.broadcast %jit3A_317 : i32 to vector<16xi32>
        %broadcast_in_dim3A_320 = vector.broadcast %jit3A_318 : i32 to vector<16xi32>
        %select_n3A_321 = arith.select %eq3A_316, %broadcast_in_dim3A_319, %broadcast_in_dim3A_320 : vector<16xi1>, vector<16xi32>
        %all_reduce_population_count3A = tpu.all_reduce %eq3A_316 {dim = 0 : i64, kind = #tpu.reduction_kind<sum>} : vector<16xi1> -> vector<16xi32>
        %slice3A = vector.extract_strided_slice %all_reduce_population_count3A {offsets = [0], sizes = [1], strides = [1]} : vector<16xi32> to vector<1xi32>
        %squeeze3A = vector.extract %slice3A[0] : i32 from vector<1xi32>
        %broadcast_in_dim3A_322 = arith.constant true
        %broadcast_in_dim3A_323 = vector.broadcast %broadcast_in_dim3A_322 : i1 to vector<16xi1>
        %masked_cumsum3A = tpu.scan <sum>, %select_n3A_321 masked %broadcast_in_dim3A_323 : vector<16xi32>, vector<16xi1> -> vector<16xi32>
        %sub3A_324 = arith.subi %squeeze3A, %while3A_310 : i32
        %gt3A = vector.broadcast %sub3A_324 : i32 to vector<16xi32>
        %gt3A_325 = arith.cmpi sgt, %masked_cumsum3A, %gt3A : vector<16xi32>
        %and3A_326 = arith.andi %eq3A_316, %gt3A_325 : vector<16xi1>
        %mul3A_327 = arith.constant 16 : i32
        %mul3A_328 = arith.muli %while3A_309, %mul3A_327 : i32
        %get3A_329 = tpu.memref_slice %arg7[%mul3A_66] : memref<8192xf32, #tpu.memory_space<vmem>> -> memref<4096xf32, #tpu.memory_space<vmem>>
        %get3A_330 = arith.index_cast %mul3A_328 : i32 to index
        %get3A_331 = tpu.vector_load %get3A_329[%get3A_330] {strides = array<i32>} : memref<4096xf32, #tpu.memory_space<vmem>>, vector<16xf32>,
        %jit3A_332 = arith.constant 0.000000e+00 : f32
        %broadcast_in_dim3A_333 = vector.broadcast %jit3A_332 : f32 to vector<16xf32>
        %select_n3A_334 = arith.select %and3A_326, %broadcast_in_dim3A_333, %get3A_331 : vector<16xi1>, vector<16xf32>
        %mul3A_335 = arith.constant 16 : i32
        %mul3A_336 = arith.muli %while3A_309, %mul3A_335 : i32
        %swap3A_337 = tpu.memref_slice %arg7[%mul3A_66] : memref<8192xf32, #tpu.memory_space<vmem>> -> memref<4096xf32, #tpu.memory_space<vmem>>
        %swap3A_338 = arith.index_cast %mul3A_336 : i32 to index
        %swap3A_339 = tpu.vector_load %swap3A_337[%swap3A_338] {strides = array<i32>} : memref<4096xf32, #tpu.memory_space<vmem>>, vector<16xf32>,
        tpu.vector_store %swap3A_337[%swap3A_338], %select_n3A_334 {strides = array<i32>} : memref<4096xf32, #tpu.memory_space<vmem>>, vector<16xf32>,
        %sub3A_340 = arith.constant 1 : i32
        %sub3A_341 = arith.subi %while3A_309, %sub3A_340 : i32
        %min3A = arith.minsi %squeeze3A, %while3A_310 : i32
        %sub3A_342 = arith.subi %while3A_310, %min3A : i32
        scf.yield %sub3A_341, %sub3A_342 : i32, i32
      }
      %dma_start3A_301 = tpu.memref_slice %arg7[%mul3A_66] : memref<8192xf32, #tpu.memory_space<vmem>> -> memref<4096xf32, #tpu.memory_space<vmem>>
      %dma_start3A_302 = arith.constant 0 : i32
      %dma_start3A_303 = tpu.memref_slice %arg4[%add3A_37, %dma_start3A_302] : memref<4096x4096xf32, #tpu.memory_space<hbm>> -> memref<1x4096xf32, #tpu.memory_space<hbm>>
      %dma_start3A_304 = tpu.memref_squeeze %dma_start3A_303 : memref<1x4096xf32, #tpu.memory_space<hbm>> -> memref<4096xf32, #tpu.memory_space<hbm>>
      %dma_start3A_305 = arith.constant 0 : i32
      %dma_start3A_306 = tpu.memref_slice %arg4[%add3A_37, %dma_start3A_305] : memref<4096x4096xf32, #tpu.memory_space<hbm>> -> memref<1x4096xf32, #tpu.memory_space<hbm>>
      %dma_start3A_307 = tpu.memref_squeeze %dma_start3A_306 : memref<1x4096xf32, #tpu.memory_space<hbm>> -> memref<4096xf32, #tpu.memory_space<hbm>>
      %dma_start3A_308 = tpu.memref_slice %arg7[%mul3A_66] : memref<8192xf32, #tpu.memory_space<vmem>> -> memref<4096xf32, #tpu.memory_space<vmem>>
      tpu.enqueue_dma source(%dma_start3A_308 : memref<4096xf32, #tpu.memory_space<vmem>>) target(%dma_start3A_307 : memref<4096xf32, #tpu.memory_space<hbm>>) target_semaphore(%arg14 : memref<!tpu.dma_semaphore, #tpu.memory_space<semaphore_mem>>)
    }
    %scan3A_23 = arith.constant 128 : i32
    %add3A_24 = arith.constant 128 : i32
    %add3A_25 = arith.addi %mul3A_2, %add3A_24 : i32
    %sub3A = arith.constant 1 : i32
    %sub3A_26 = arith.subi %add3A_25, %sub3A : i32
    %dma_wait3A = arith.constant 4096 : i32
    %dma_wait3A_27 = tpu.memref_slice %arg7[%dma_wait3A] : memref<8192xf32, #tpu.memory_space<vmem>> -> memref<4096xf32, #tpu.memory_space<vmem>>
    %dma_wait3A_28 = arith.constant 0 : i32
    %dma_wait3A_29 = tpu.memref_slice %arg4[%sub3A_26, %dma_wait3A_28] : memref<4096x4096xf32, #tpu.memory_space<hbm>> -> memref<1x4096xf32, #tpu.memory_space<hbm>>
    %dma_wait3A_30 = tpu.memref_squeeze %dma_wait3A_29 : memref<1x4096xf32, #tpu.memory_space<hbm>> -> memref<4096xf32, #tpu.memory_space<hbm>>
    %dma_wait3A_31 = arith.constant 0 : i32
    %dma_wait3A_32 = tpu.memref_slice %arg4[%sub3A_26, %dma_wait3A_31] : memref<4096x4096xf32, #tpu.memory_space<hbm>> -> memref<1x4096xf32, #tpu.memory_space<hbm>>
    %dma_wait3A_33 = tpu.memref_squeeze %dma_wait3A_32 : memref<1x4096xf32, #tpu.memory_space<hbm>> -> memref<4096xf32, #tpu.memory_space<hbm>>
    %dma_wait3A_34 = arith.constant 4096 : i32
    %dma_wait3A_35 = tpu.memref_slice %arg7[%dma_wait3A_34] : memref<8192xf32, #tpu.memory_space<vmem>> -> memref<4096xf32, #tpu.memory_space<vmem>>
    tpu.wait_dma2 semaphore(%arg14 : memref<!tpu.dma_semaphore, #tpu.memory_space<semaphore_mem>>) src(%dma_wait3A_35 : memref<4096xf32, #tpu.memory_space<vmem>>) dst(%dma_wait3A_33 : memref<4096xf32, #tpu.memory_space<hbm>>)
    return
  }
}

module attributes {stable_mosaic.version = 14 : i64} {
  func.func @_tc_body(%arg0: i32, %arg1: memref<256x1024xf32, #tpu.memory_space<vmem>>, %arg2: memref<1024x512xf32, #tpu.memory_space<vmem>>, %arg3: memref<512xf32, #tpu.memory_space<vmem>>, %arg4: memref<512x4096xf32, #tpu.memory_space<vmem>>, %arg5: memref<4096xf32, #tpu.memory_space<vmem>>, %arg6: memref<5120x512xf32, #tpu.memory_space<vmem>>, %arg7: memref<512xf32, #tpu.memory_space<vmem>>, %arg8: memref<512x512xf32, #tpu.memory_space<vmem>>, %arg9: memref<512xf32, #tpu.memory_space<vmem>>, %arg10: memref<512x128xf32, #tpu.memory_space<vmem>>, %arg11: memref<1x1xf32, #tpu.memory_space<vmem>>, %arg12: memref<1x1xf32, #tpu.memory_space<vmem>>, %arg13: memref<256x4096xf32, #tpu.memory_space<vmem>>, %arg14: memref<256xf32, #tpu.memory_space<vmem>>, %arg15: memref<256xi32, #tpu.memory_space<vmem>>) attributes {dimension_semantics = [#tpu.dimension_semantics<arbitrary>], iteration_bounds = array<i64: 16>, scalar_prefetch = 0 : i64, scratch_operands = 0 : i64, tpu.core_type = #tpu.core_type<tc>, window_params = [{transform_indices = @transform_0, window_bounds = array<i64: 256, 1024>}, {pipeline_mode = #tpu.pipeline_mode<synchronous>, transform_indices = @transform_1, window_bounds = array<i64: 1024, 512>}, {pipeline_mode = #tpu.pipeline_mode<synchronous>, transform_indices = @transform_2, window_bounds = array<i64: 512>}, {pipeline_mode = #tpu.pipeline_mode<synchronous>, transform_indices = @transform_3, window_bounds = array<i64: 512, 4096>}, {pipeline_mode = #tpu.pipeline_mode<synchronous>, transform_indices = @transform_4, window_bounds = array<i64: 4096>}, {pipeline_mode = #tpu.pipeline_mode<synchronous>, transform_indices = @transform_5, window_bounds = array<i64: 5120, 512>}, {pipeline_mode = #tpu.pipeline_mode<synchronous>, transform_indices = @transform_6, window_bounds = array<i64: 512>}, {pipeline_mode = #tpu.pipeline_mode<synchronous>, transform_indices = @transform_7, window_bounds = array<i64: 512, 512>}, {pipeline_mode = #tpu.pipeline_mode<synchronous>, transform_indices = @transform_8, window_bounds = array<i64: 512>}, {pipeline_mode = #tpu.pipeline_mode<synchronous>, transform_indices = @transform_9, window_bounds = array<i64: 512, 128>}, {pipeline_mode = #tpu.pipeline_mode<synchronous>, transform_indices = @transform_10, window_bounds = array<i64: 1, 1>}, {pipeline_mode = #tpu.pipeline_mode<synchronous>, transform_indices = @transform_11, window_bounds = array<i64: 1, 1>}, {transform_indices = @transform_12, window_bounds = array<i64: 256, 4096>}, {transform_indices = @transform_13, window_bounds = array<i64: 256>}, {transform_indices = @transform_14, window_bounds = array<i64: 256>}]} {
    %get3A = arith.constant 0 : index
    %get3A_0 = arith.constant 0 : index
    %get3A_1 = vector.load %arg1[%get3A, %get3A_0] : memref<256x1024xf32, #tpu.memory_space<vmem>>, vector<256x1024xf32>
    %get3A_2 = arith.constant 0 : index
    %get3A_3 = arith.constant 0 : index
    %get3A_4 = vector.load %arg2[%get3A_2, %get3A_3] : memref<1024x512xf32, #tpu.memory_space<vmem>>, vector<1024x512xf32>
    %dot_general3A = arith.constant dense<0.000000e+00> : vector<256x512xf32>
    %dot_general3A_5 = tpu.matmul %get3A_1, %get3A_4, %dot_general3A {dimension_numbers = #tpu.dot_dimension_numbers<[1], [0], [0], [1], [0, 0, 1, 1], [], []>, transpose_lhs_hint = false} : vector<256x1024xf32>, vector<1024x512xf32>, vector<256x512xf32> -> vector<256x512xf32>
    %get3A_6 = arith.constant 0 : index
    %get3A_7 = vector.load %arg3[%get3A_6] : memref<512xf32, #tpu.memory_space<vmem>>, vector<512xf32>
    %broadcast_in_dim3A = vector.shape_cast %get3A_7 : vector<512xf32> to vector<1x512xf32>
    %add3A = vector.broadcast %broadcast_in_dim3A : vector<1x512xf32> to vector<256x512xf32>
    %add3A_8 = arith.addf %dot_general3A_5, %add3A : vector<256x512xf32>
    %max3A = arith.constant 0.000000e+00 : f32
    %max3A_9 = vector.broadcast %max3A : f32 to vector<256x512xf32>
    %max3A_10 = arith.maximumf %add3A_8, %max3A_9 : vector<256x512xf32>
    %get3A_11 = arith.constant 0 : index
    %get3A_12 = arith.constant 0 : index
    %get3A_13 = vector.load %arg4[%get3A_11, %get3A_12] : memref<512x4096xf32, #tpu.memory_space<vmem>>, vector<512x4096xf32>
    %dot_general3A_14 = arith.constant dense<0.000000e+00> : vector<256x4096xf32>
    %dot_general3A_15 = tpu.matmul %max3A_10, %get3A_13, %dot_general3A_14 {dimension_numbers = #tpu.dot_dimension_numbers<[1], [0], [0], [1], [0, 0, 1, 1], [], []>, transpose_lhs_hint = false} : vector<256x512xf32>, vector<512x4096xf32>, vector<256x4096xf32> -> vector<256x4096xf32>
    %get3A_16 = arith.constant 0 : index
    %get3A_17 = vector.load %arg5[%get3A_16] : memref<4096xf32, #tpu.memory_space<vmem>>, vector<4096xf32>
    %broadcast_in_dim3A_18 = vector.shape_cast %get3A_17 : vector<4096xf32> to vector<1x4096xf32>
    %add3A_19 = vector.broadcast %broadcast_in_dim3A_18 : vector<1x4096xf32> to vector<256x4096xf32>
    %add3A_20 = arith.addf %dot_general3A_15, %add3A_19 : vector<256x4096xf32>
    %swap3A = arith.constant 0 : index
    %swap3A_21 = arith.constant 0 : index
    %swap3A_22 = vector.load %arg13[%swap3A, %swap3A_21] : memref<256x4096xf32, #tpu.memory_space<vmem>>, vector<256x4096xf32>
    tpu.vector_store %arg13[%swap3A, %swap3A_21], %add3A_20 {strides = array<i32>} : memref<256x4096xf32, #tpu.memory_space<vmem>>, vector<256x4096xf32>,
    %concatenate3A = tpu.concatenate %get3A_1, %add3A_20 in 1 : vector<256x1024xf32>, vector<256x4096xf32> -> vector<256x5120xf32>
    %get3A_23 = arith.constant 0 : index
    %get3A_24 = arith.constant 0 : index
    %get3A_25 = vector.load %arg6[%get3A_23, %get3A_24] : memref<5120x512xf32, #tpu.memory_space<vmem>>, vector<5120x512xf32>
    %dot_general3A_26 = arith.constant dense<0.000000e+00> : vector<256x512xf32>
    %dot_general3A_27 = tpu.matmul %concatenate3A, %get3A_25, %dot_general3A_26 {dimension_numbers = #tpu.dot_dimension_numbers<[1], [0], [0], [1], [0, 0, 1, 1], [], []>, transpose_lhs_hint = false} : vector<256x5120xf32>, vector<5120x512xf32>, vector<256x512xf32> -> vector<256x512xf32>
    %get3A_28 = arith.constant 0 : index
    %get3A_29 = vector.load %arg7[%get3A_28] : memref<512xf32, #tpu.memory_space<vmem>>, vector<512xf32>
    %broadcast_in_dim3A_30 = vector.shape_cast %get3A_29 : vector<512xf32> to vector<1x512xf32>
    %add3A_31 = vector.broadcast %broadcast_in_dim3A_30 : vector<1x512xf32> to vector<256x512xf32>
    %add3A_32 = arith.addf %dot_general3A_27, %add3A_31 : vector<256x512xf32>
    %max3A_33 = arith.constant 0.000000e+00 : f32
    %max3A_34 = vector.broadcast %max3A_33 : f32 to vector<256x512xf32>
    %max3A_35 = arith.maximumf %add3A_32, %max3A_34 : vector<256x512xf32>
    %get3A_36 = arith.constant 0 : index
    %get3A_37 = arith.constant 0 : index
    %get3A_38 = vector.load %arg8[%get3A_36, %get3A_37] : memref<512x512xf32, #tpu.memory_space<vmem>>, vector<512x512xf32>
    %dot_general3A_39 = arith.constant dense<0.000000e+00> : vector<256x512xf32>
    %dot_general3A_40 = tpu.matmul %max3A_35, %get3A_38, %dot_general3A_39 {dimension_numbers = #tpu.dot_dimension_numbers<[1], [0], [0], [1], [0, 0, 1, 1], [], []>, transpose_lhs_hint = false} : vector<256x512xf32>, vector<512x512xf32>, vector<256x512xf32> -> vector<256x512xf32>
    %get3A_41 = arith.constant 0 : index
    %get3A_42 = vector.load %arg9[%get3A_41] : memref<512xf32, #tpu.memory_space<vmem>>, vector<512xf32>
    %broadcast_in_dim3A_43 = vector.shape_cast %get3A_42 : vector<512xf32> to vector<1x512xf32>
    %add3A_44 = vector.broadcast %broadcast_in_dim3A_43 : vector<1x512xf32> to vector<256x512xf32>
    %add3A_45 = arith.addf %dot_general3A_40, %add3A_44 : vector<256x512xf32>
    %max3A_46 = arith.constant 0.000000e+00 : f32
    %max3A_47 = vector.broadcast %max3A_46 : f32 to vector<256x512xf32>
    %max3A_48 = arith.maximumf %add3A_45, %max3A_47 : vector<256x512xf32>
    %get3A_49 = arith.constant 0 : index
    %get3A_50 = arith.constant 0 : index
    %get3A_51 = vector.load %arg10[%get3A_49, %get3A_50] : memref<512x128xf32, #tpu.memory_space<vmem>>, vector<512x128xf32>
    %dot_general3A_52 = arith.constant dense<0.000000e+00> : vector<256x128xf32>
    %dot_general3A_53 = tpu.matmul %max3A_48, %get3A_51, %dot_general3A_52 {dimension_numbers = #tpu.dot_dimension_numbers<[1], [0], [0], [1], [0, 0, 1, 1], [], []>, transpose_lhs_hint = false} : vector<256x512xf32>, vector<512x128xf32>, vector<256x128xf32> -> vector<256x128xf32>
    %slice3A = vector.extract_strided_slice %dot_general3A_53 {offsets = [0, 0], sizes = [256, 1], strides = [1, 1]} : vector<256x128xf32> to vector<256x1xf32>
    %get3A_54 = arith.constant 0 : index
    %get3A_55 = arith.constant 0 : index
    %get3A_56 = vector.load %arg11[%get3A_54, %get3A_55] : memref<1x1xf32, #tpu.memory_space<vmem>>, vector<1x1xf32>
    %add3A_57 = vector.broadcast %get3A_56 : vector<1x1xf32> to vector<256x1xf32>
    %add3A_58 = arith.addf %slice3A, %add3A_57 : vector<256x1xf32>
    %logistic3A = arith.negf %add3A_58 : vector<256x1xf32>
    %logistic3A_59 = math.exp %logistic3A : vector<256x1xf32>
    %logistic3A_60 = arith.constant 1.000000e+00 : f32
    %logistic3A_61 = vector.broadcast %logistic3A_60 : f32 to vector<256x1xf32>
    %logistic3A_62 = arith.addf %logistic3A_61, %logistic3A_59 : vector<256x1xf32>
    %logistic3A_63 = arith.divf %logistic3A_61, %logistic3A_62 : vector<256x1xf32>
    %mul3A = arith.constant 4.096000e+03 : f32
    %mul3A_64 = vector.broadcast %mul3A : f32 to vector<256x1xf32>
    %mul3A_65 = arith.mulf %logistic3A_63, %mul3A_64 : vector<256x1xf32>
    %get3A_66 = arith.constant 0 : index
    %get3A_67 = arith.constant 0 : index
    %get3A_68 = vector.load %arg12[%get3A_66, %get3A_67] : memref<1x1xf32, #tpu.memory_space<vmem>>, vector<1x1xf32>
    %logistic3A_69 = arith.negf %get3A_68 : vector<1x1xf32>
    %logistic3A_70 = math.exp %logistic3A_69 : vector<1x1xf32>
    %logistic3A_71 = arith.constant 1.000000e+00 : f32
    %logistic3A_72 = vector.broadcast %logistic3A_71 : f32 to vector<1x1xf32>
    %logistic3A_73 = arith.addf %logistic3A_72, %logistic3A_70 : vector<1x1xf32>
    %logistic3A_74 = arith.divf %logistic3A_72, %logistic3A_73 : vector<1x1xf32>
    %mul3A_75 = vector.broadcast %logistic3A_74 : vector<1x1xf32> to vector<256x1xf32>
    %mul3A_76 = arith.mulf %mul3A_65, %mul3A_75 : vector<256x1xf32>
    %mul3A_77 = arith.constant 2.000000e+00 : f32
    %mul3A_78 = vector.broadcast %mul3A_77 : f32 to vector<256x1xf32>
    %mul3A_79 = arith.mulf %mul3A_76, %mul3A_78 : vector<256x1xf32>
    %jit3A = arith.constant 1.000000e+00 : f32
    %jit3A_80 = arith.constant 4.096000e+03 : f32
    %max3A_81 = vector.broadcast %jit3A : f32 to vector<256x1xf32>
    %max3A_82 = arith.maximumf %max3A_81, %mul3A_79 : vector<256x1xf32>
    %min3A = vector.broadcast %jit3A_80 : f32 to vector<256x1xf32>
    %min3A_83 = arith.minimumf %min3A, %max3A_82 : vector<256x1xf32>
    %squeeze3A = vector.shape_cast %min3A_83 : vector<256x1xf32> to vector<256xf32>
    %swap3A_84 = arith.constant 0 : index
    %swap3A_85 = vector.load %arg14[%swap3A_84] : memref<256xf32, #tpu.memory_space<vmem>>, vector<256xf32>
    tpu.vector_store %arg14[%swap3A_84], %squeeze3A {strides = array<i32>} : memref<256xf32, #tpu.memory_space<vmem>>, vector<256xf32>,
    %squeeze3A_86 = vector.shape_cast %min3A_83 : vector<256x1xf32> to vector<256xf32>
    %ceil3A = math.ceil %squeeze3A_86 : vector<256xf32>
    %convert_element_type3A = arith.fptosi %ceil3A : vector<256xf32> to vector<256xi32>
    %swap3A_87 = arith.constant 0 : index
    %swap3A_88 = vector.load %arg15[%swap3A_87] : memref<256xi32, #tpu.memory_space<vmem>>, vector<256xi32>
    tpu.vector_store %arg15[%swap3A_87], %convert_element_type3A {strides = array<i32>} : memref<256xi32, #tpu.memory_space<vmem>>, vector<256xi32>,
    return
  }
  func.func @transform_0(%arg0: i32) -> (i32, i32) {
    %c0_i32 = arith.constant 0 : i32
    %c0_i32_0 = arith.constant 0 : i32
    return %arg0, %c0_i32 : i32, i32
  }
  func.func @transform_1(%arg0: i32) -> (i32, i32) {
    %c0_i32 = arith.constant 0 : i32
    %c0_i32_0 = arith.constant 0 : i32
    %c0_i32_1 = arith.constant 0 : i32
    return %c0_i32, %c0_i32_0 : i32, i32
  }
  func.func @transform_2(%arg0: i32) -> i32 {
    %c0_i32 = arith.constant 0 : i32
    %c0_i32_0 = arith.constant 0 : i32
    return %c0_i32 : i32
  }
  func.func @transform_3(%arg0: i32) -> (i32, i32) {
    %c0_i32 = arith.constant 0 : i32
    %c0_i32_0 = arith.constant 0 : i32
    %c0_i32_1 = arith.constant 0 : i32
    return %c0_i32, %c0_i32_0 : i32, i32
  }
  func.func @transform_4(%arg0: i32) -> i32 {
    %c0_i32 = arith.constant 0 : i32
    %c0_i32_0 = arith.constant 0 : i32
    return %c0_i32 : i32
  }
  func.func @transform_5(%arg0: i32) -> (i32, i32) {
    %c0_i32 = arith.constant 0 : i32
    %c0_i32_0 = arith.constant 0 : i32
    %c0_i32_1 = arith.constant 0 : i32
    return %c0_i32, %c0_i32_0 : i32, i32
  }
  func.func @transform_6(%arg0: i32) -> i32 {
    %c0_i32 = arith.constant 0 : i32
    %c0_i32_0 = arith.constant 0 : i32
    return %c0_i32 : i32
  }
  func.func @transform_7(%arg0: i32) -> (i32, i32) {
    %c0_i32 = arith.constant 0 : i32
    %c0_i32_0 = arith.constant 0 : i32
    %c0_i32_1 = arith.constant 0 : i32
    return %c0_i32, %c0_i32_0 : i32, i32
  }
  func.func @transform_8(%arg0: i32) -> i32 {
    %c0_i32 = arith.constant 0 : i32
    %c0_i32_0 = arith.constant 0 : i32
    return %c0_i32 : i32
  }
  func.func @transform_9(%arg0: i32) -> (i32, i32) {
    %c0_i32 = arith.constant 0 : i32
    %c0_i32_0 = arith.constant 0 : i32
    %c0_i32_1 = arith.constant 0 : i32
    return %c0_i32, %c0_i32_0 : i32, i32
  }
  func.func @transform_10(%arg0: i32) -> (i32, i32) {
    %c0_i32 = arith.constant 0 : i32
    %c0_i32_0 = arith.constant 0 : i32
    %c0_i32_1 = arith.constant 0 : i32
    return %c0_i32, %c0_i32_0 : i32, i32
  }
  func.func @transform_11(%arg0: i32) -> (i32, i32) {
    %c0_i32 = arith.constant 0 : i32
    %c0_i32_0 = arith.constant 0 : i32
    %c0_i32_1 = arith.constant 0 : i32
    return %c0_i32, %c0_i32_0 : i32, i32
  }
  func.func @transform_12(%arg0: i32) -> (i32, i32) {
    %c0_i32 = arith.constant 0 : i32
    %c0_i32_0 = arith.constant 0 : i32
    return %arg0, %c0_i32 : i32, i32
  }
  func.func @transform_13(%arg0: i32) -> i32 {
    %c0_i32 = arith.constant 0 : i32
    return %arg0 : i32
  }
  func.func @transform_14(%arg0: i32) -> i32 {
    %c0_i32 = arith.constant 0 : i32
    return %arg0 : i32
  }
}

</mosaic_0001>

<sc_bundles>
// kernel: kernel.4.cloned.1.call-start
scs
__scs_entry_jumppad:
0x0: {  	(pc) =	sbr.rel $0x88, $3  }
0x1: {  	(tag) =	ssettag $0x0;
	lr =	simm.s32 $0x1  }
0x2: {  	[smem:$0x3F95] =	sst lr;
	_ =	strace $0xD0000000  }
0x3: {  	_ = 	snop  }
0x4: {  	_ = 	snop  }
0x5: {  	_ = 	snop  }
0x6: {  	_ = 	snop  }
0x7: {  	_ = 	snop  }
__scs_overlays_trampoline_lowered:
0x8: {  	[smem:$0x3FA4] =	sst s0  }
0x9: {  	[smem:$0x3FA5] =	sst s1  }
0xa: {  	[smem:$0x3FA6] =	sst s2  }
0xb: {  	[smem:$0x3FA7] =	sst s3  }
0xc: {  	[smem:$0x3FA8] =	sst s4  }
0xd: {  	[smem:$0x3FA9] =	sst s5  }
0xe: {  	[smem:$0x3FAA] =	sst s6  }
0xf: {  	[smem:$0x3FAB] =	sst s7  }
0x10: {  	[smem:$0x3FAC] =	sst s8  }
0x11: {  	[smem:$0x3FAD] =	sst s9;
	s0 =	simm.s32 @!p0 $0x0  }
0x12: {  	s1 =	sld [smem:$0x3F93];
	s0 =	simm.s32 @p0 $0x1  }
0x13: {  	[smem:$0x3FAE] =	sst s0;
	s0 =	simm.s32 @!p1 $0x0  }
0x14: {  	s2 =	sld [smem:$0x3F92];
	s0 =	simm.s32 @p1 $0x1  }
0x15: {  	[smem:$0x3FAF] =	sst s0;
	s0 =	simm.s32 @!p2 $0x0  }
0x16: {  	s3 =	sld [smem:$0x3FDB];
	s0 =	simm.s32 @p2 $0x1  }
0x17: {  	s4 =	simm.s32 $0x1BF5;
	[smem:$0x3FB1] =	sst s0  }
0x18: {  	s0 =	sld [smem:$0x3F94];
	_ =	swait.ge [sflag:s4], $0x0  }
0x19: {  	s7 =	sld [smem:$0x3F95]  }
0x1a: {  	s8 =	sadd.s32 $0xFFFFE003, lr  }
0x1b: {  	s9 =	sadd.s32 $0xFFFFFEF7, lr;
	s5 =	simm.s32 $0xFFFFFFFF;
	p2 =	slt.u32 s8, $0xFFFFF086  }
0x1c: {  	p1 =	slt.u32 s9, $0xF7A;
	s5 =	simm.s32 @!p2 $0x0  }
0x1d: {  	s5 =	simm.s32 @p1 $0x1;
	p0 =	seq.s32 s7, s2  }
0x1e: {  	s7 =	smul.u32 @!p0 $0xF7A, s2;
	p2 =	seq.s32 @!p0 s5, $0x0  }
0x1f: {  	s9 =	smul.u32 $0xF7A, s1;
	s8 =	simm.s32 @!p0 $0x1BF5;
	p2 =	por !p2, p0  }
0x20: {  	[sflag:s8] =	ssyncset.s32 @!p0 $0xFFFFF086;
	s6 =	sadd.s32 @!p0 s3, s7;
	s7 =	simm.s32 @!p0 $0x108  }
0x21: {  	s3 =	sadd.s32 s3, s9;
	s6 =	sadd.s32 @!p0 $0x88, s6;
	s7 =	simm.s32 @p2 $0x1082  }
0x22: {  	[simem:s7], [sflag:s8] =	dma.local @!p0 [hbm:s6], $0xF7A  }
0x23: {  	s9 =	sor.u32 $0xD0000000, s2;
	s6 =	simm.s32 $0x108;
	_ =	swait.ge @!p0 [sflag:s8], $0x0  }
0x24: {  	s3 =	sadd.s32 $0x88, s3;
	s6 =	simm.s32 @!p1 $0x1082;
	[sflag:s4] =	ssyncset.s32 $0xFFFFF086  }
0x25: {  	[simem:s6], [sflag:s4] =	dma.local [hbm:s3], $0xF7A  }
0x26: {  	[smem:$0x3F95] =	sst s1;
	(tag) =	ssettag s2;
	_ =	strace s9  }
0x27: {  	s1 =	sld [smem:$0x3FA5]  }
0x28: {  	s2 =	sld [smem:$0x3FA6]  }
0x29: {  	s4 =	sld [smem:$0x3FA8]  }
0x2a: {  	p0 =	seq.s32 s5, $0x0;
	s5 =	sld [smem:$0x3FA9]  }
0x2b: {  	s6 =	sld [smem:$0x3FAA]  }
0x2c: {  	s7 =	sld [smem:$0x3FAB]  }
0x2d: {  	s3 =	simm.s32 $0x108;
	s8 =	sld [smem:$0x3FAC]  }
0x2e: {  	s3 =	simm.s32 @!p0 $0x1082;
	s9 =	sld [smem:$0x3FAD]  }
0x2f: {  	lr =	sadd.s32 s0, s3;
	s0 =	sld [smem:$0x3FA4]  }
0x30: {  	s3 =	sld [smem:$0x3FA7]  }
0x31: {  	[smem:$0x3FB0] =	sst s10  }
0x32: {  	s10 =	sld [smem:$0x3FAE];
	_ =	sdelay $0x3  }
0x33: {  	p0 =	seq.s32 s10, $0x1;
	s10 =	sld [smem:$0x3FB0];
	_ =	sdelay $0x3  }
0x34: {  	[smem:$0x3FB0] =	sst s10  }
0x35: {  	s10 =	sld [smem:$0x3FAF];
	_ =	sdelay $0x3  }
0x36: {  	p1 =	seq.s32 s10, $0x1;
	s10 =	sld [smem:$0x3FB0];
	_ =	sdelay $0x3  }
0x37: {  	[smem:$0x3FB0] =	sst s10  }
0x38: {  	s10 =	sld [smem:$0x3FB1]  }
0x39: {  	_ = 	snop;
	(pc) =	sbr.ind lr, $3  }
0x3a: {  	_ = 	snop  }
0x3b: {  	_ = 	snop  }
0x3c: {  	p2 =	seq.s32 s10, $0x1;
	s10 =	sld [smem:$0x3FB0]  }
0x3d: {  	_ =	shalt  }
0x3e: {  	_ =	shalt  }
0x3f: {  	_ =	shalt  }
0x40: {  	_ =	shalt  }
0x41: {  	_ =	shalt  }
0x42: {  	_ =	shalt  }
0x43: {  	_ =	shalt  }
0x44: {  	_ =	shalt  }
0x45: {  	_ =	shalt  }
0x46: {  	_ =	shalt  }
0x47: {  	_ =	shalt  }
0x48: {  	_ =	shalt  }
0x49: {  	_ =	shalt  }
0x4a: {  	_ =	shalt  }
0x4b: {  	_ =	shalt  }
0x4c: {  	_ =	shalt  }
0x4d: {  	_ =	shalt  }
0x4e: {  	_ =	shalt  }
0x4f: {  	_ =	shalt  }
0x50: {  	_ =	shalt  }
0x51: {  	_ =	shalt  }
0x52: {  	_ =	shalt  }
0x53: {  	_ =	shalt  }
0x54: {  	_ =	shalt  }
0x55: {  	_ =	shalt  }
0x56: {  	_ =	shalt  }
0x57: {  	_ =	shalt  }
0x58: {  	_ =	shalt  }
0x59: {  	_ =	shalt  }
0x5a: {  	_ =	shalt  }
0x5b: {  	_ =	shalt  }
0x5c: {  	_ =	shalt  }
0x5d: {  	_ =	shalt  }
0x5e: {  	_ =	shalt  }
0x5f: {  	_ =	shalt  }
0x60: {  	_ =	shalt  }
0x61: {  	_ =	shalt  }
0x62: {  	_ =	shalt  }
0x63: {  	_ =	shalt  }
0x64: {  	_ =	shalt  }
0x65: {  	_ =	shalt  }
0x66: {  	_ =	shalt  }
0x67: {  	_ =	shalt  }
0x68: {  	_ =	shalt  }
0x69: {  	_ =	shalt  }
0x6a: {  	_ =	shalt  }
0x6b: {  	_ =	shalt  }
0x6c: {  	_ =	shalt  }
0x6d: {  	_ =	shalt  }
0x6e: {  	_ =	shalt  }
0x6f: {  	_ =	shalt  }
0x70: {  	_ =	shalt  }
0x71: {  	_ =	shalt  }
0x72: {  	_ =	shalt  }
0x73: {  	_ =	shalt  }
0x74: {  	_ =	shalt  }
0x75: {  	_ =	shalt  }
0x76: {  	_ =	shalt  }
0x77: {  	_ =	shalt  }
0x78: {  	_ =	shalt  }
0x79: {  	_ =	shalt  }
0x7a: {  	_ =	shalt  }
0x7b: {  	_ =	shalt  }
0x7c: {  	_ =	shalt  }
0x7d: {  	_ =	shalt  }
0x7e: {  	_ =	shalt  }
0x7f: {  	_ =	shalt  }
0x80: {  	_ =	shalt  }
0x81: {  	_ =	shalt  }
0x82: {  	_ =	shalt  }
0x83: {  	_ =	shalt  }
0x84: {  	_ =	shalt  }
0x85: {  	_ =	shalt  }
0x86: {  	_ =	shalt  }
0x87: {  	_ =	shalt  }
.Lfunc_end0:
.L_simem_size_0:
called_computation_lowered:
.L_overlay_start_0:
0x88: {  	s2 =	sld [smem:$0x3FD9]  }
0x89: {  	s3 =	sld [smem:$0x3FFE];
	_ =	sdelay $0x1  }
0x8a: {  	s1 =	srdreg.scid  }
0x8b: {  	s0 =	sand.u32 $0x1, s1  }
0x8c: {  	s14 =	sshll.u32 s0, $0xA;
	s2 =	sadd.s32 s3, s2  }
0x8d: {  	s2 =	sadd.s32 s2, s14  }
0x8e: {  	[smem:$0x3FBC] =	sst s2  }
0x8f: {  	_ = 	snop  }
0x90: {  	s2 =	sld [smem:$0x3FD0];
	_ =	sdelay $0x2  }
0x91: {  	s15 =	simm.s32 $0xA;
	s4 =	simm.s32 $0x10  }
0x92: {  	[smem:s4], [sflag:s15] =	dma.local [hbm:s2], $0x1  }
0x93: {  	_ =	swait.eq [sflag:s15], $0x1  }
0x94: {  	[sflag:s15] =	ssyncset.done $0x0  }
0x95: {  	[sflag:s15] =	ssyncadd.s32 $0xFFFFFFFF  }
0x96: {  	s16 =	sld [smem:$0x10];
	(tm) =	ssettm $0x1  }
0x97: {  	s17 =	sld [smem:$0x3FFB];
	_ =	sdelay $0x3  }
0x98: {  	_ =	strace s17  }
0x99: {  	s3 =	sld [smem:$0x3FFC];
	_ =	sdelay $0x3  }
0x9a: {  	_ =	strace s3  }
0x9b: {  	s3 =	sld [smem:$0x3FFD];
	_ =	sdelay $0x3  }
0x9c: {  	_ =	strace s3  }
0x9d: {  	_ =	strace $0x8FFFFFFF  }
0x9e: {  	s18 =	sld [smem:$0x3FDB];
	_ =	sdelay $0x1  }
0x9f: {  	s19 =	simm.s32 $_scs_section_size  }
0xa0: {  	s5 =	simm.s32 $_size__tile_overlayer_lowered;
	s6 =	simm.s32 $_tile_overlayer_lowered  }
0xa1: {  	s22 =	simm.s32 $0x1BFF;
	s21 =	sshll.u32 s6, $0x1;
	s3 =	sadd.s32 s19, s18  }
0xa2: {  	s7 =	simm.s32 $0x0;
	s20 =	sshll.u32 s5, $0x1;
	s5 =	sadd.s32 s21, s3  }
0xa3: {  	[timem:s7], [sflag:s22] =	dma.local [hbm:s5], s20  }
0xa4: {  	_ =	swait.ge [sflag:s22], s20  }
0xa5: {  	s4 =	ssub.s32 $0x0, s20;
	[sflag:s22] =	ssyncset.done $0x0  }
0xa6: {  	[sflag:s22] =	ssyncadd.s32 s4;
	_ =	sdelay $0x1  }
0xa7: {  	s23 =	simm.s32 $0x1B8B  }
0xa8: {  	_ =	swait.ge [sflag:s23], $0x1  }
0xa9: {  	[sflag:s23] =	ssyncset.done $0x0  }
0xaa: {  	s25 =	simm.s32 $0x1B8E;
	s24 =	sld [smem:$0x3FFE];
	[sflag:s23] =	ssyncadd.s32 $0xFFFFFFFF  }
0xab: {  	s26 =	simm.s32 $execute0_lowered;
	[smem:$0x3FD2] =	sst s25  }
0xac: {  	s5 =	sshll.u32 s26, $0x1;
	_ =	strace $0x80000046;
	[dreg:$0x1] =	wrdreg $0xFFFFFFFF  }
0xad: {  	s28 =	simm.s32 $_size_execute0_lowered;
	s3 =	sadd.s32 s3, s5;
	[dreg:$0x0] =	wrdreg $0x0  }
0xae: {  	s5 =	sshll.u32 s28, $0x1;
	[dreg:$0x2] =	wrdreg s3  }
0xaf: {  	[dreg:$0x3] =	wrdreg s5  }
0xb0: {  	[dreg:$0x4] =	wrdreg $0xC0  }
0xb1: {  	_ =	task [dreg:s7], $0x5FFFF  }
0xb2: {  	[dreg:$0x1] =	wrdreg $0xFFFFFFFF  }
0xb3: {  	[dreg:$0x0] =	wrdreg $0x60  }
0xb4: {  	[dreg:$0x2] =	wrdreg s24  }
0xb5: {  	[dreg:$0x3] =	wrdreg s16  }
0xb6: {  	[dreg:$0x4] =	wrdreg $0x9  }
0xb7: {  	_ =	task.clear_ibuf [dreg:s7], $0x5FFFF;
	_ =	strace $0x90000046  }
0xb8: {  	s29 =	simm.s32 $0x9;
	_ =	strace $0x80000048  }
0xb9: {  	_ =	swait.ge [sflag:s29], $0x1  }
0xba: {  	[sflag:s29] =	ssyncadd.s32 $0xFFFFFFFF  }
0xbb: {  	_ =	strace $0x90000048  }
0xbc: {  	_ =	sfence  }
0xbd: {  	s30 =	sld [smem:$0x0];
	_ =	sdelay $0x2  }
0xbe: {  	s31 =	sshll.u32 s1, $0xD;
	s1 =	sshrl.u32 s1, $0x2  }
0xbf: {  	s3 =	sand.u32 $0x4000, s31;
	s1 =	sadd.s32 s1, s30  }
0xc0: {  	s0 =	sor.u32 s3, s0;
	s1 =	sshll.u32 s1, $0x11  }
0xc1: {  	s0 =	sor.u32 s1, s0  }
0xc2: {  	s0 =	sadd.s32 $0x8F2B, s0  }
0xc3: {  	[sflag:s0] =	ssyncadd.remote.s32 $0x1  }
0xc4: {  	_ =	sfence.sel $0xFFFF  }
0xc5: {  	[dreg:$0x0] =	wrdreg $0xFFFFFFFF;
	(pc) =	sbr.abs _section_cstart, $3  }
0xc6: {  	[dreg:$0x1] =	wrdreg $0xFFFFFFFF  }
0xc7: {  	_ =	task.clear_ibuf [dreg:s7], $0x2FFFF;
	_ =	strace $0x9FFFFFFF  }
0xc8: {  	(tm) =	ssettm $0x7FFFFFFF  }
0xc9: {  	_ =	shalt  }
tec
execute0_lowered:
.L_overlay_start_1:
0x0: {  	(tag) =	ssettag $0x1  }
0x1: {  	s0 =	rddreg [dreg:$0x0]  }
0x2: {  	s2 =	rddreg [dreg:$0x1];
	s1 =	srdreg.scid;
	s4 =	simm.s32 $0x0  }
0x3: {  	s3 =	stileid.u32;
	s11 =	simm.s32 $0x80;
	s12 =	simm.s32 $0x400  }
0x4: {  	s13 =	simm.s32 $0x1;
	s1 =	sand.u32 $0x1, s1;
	[smem:$0x7FF] =	sst s4  }
0x5: {  	s3 =	sshll.u32 s3, $0x8;
	s5 =	sadd.s32 $0x1A00, s0;
	s28 =	sshll.u32 s1, $0x7  }
0x6: {  	_ =	strace $0x80000047;
	s1 =	ssub.s32 $0x2, s1;
	s4 =	sor.u32 s28, s3  }
.Ltmp0:
0x7: {  	s6 =	sshrl.u32 s1, $0x1;
	s29 =	sshll.u32 s4, $0x9;
	(pc) =	sbr.rel .LBB2_1-.Ltmp0, $4  }
0x8: {  	v0 =	vlaneseq.u32;
	s3 =	sshrl.u32 s4, $0x3;
	s1 =	ssub.s32 s1, s6;
	s30 =	sadd.s32 s5, s29  }
0x9: {  	v2 =	vmul.u32 $0x2, v0;
	s0 =	sadd.s32 s3, s0;
	s31 =	smax.u32 s1, $0x1;
	[dreg:$0x4] =	wrdreg s30  }
0xa: {  	v1 =	vimm.s32 $0x0;
	v3 =	vimm.s32 $0x1;
	s14 =	simm.s32 $0x5080;
	v4 =	vimm.s32 $0x80000000;
	s0 =	sadd.s32 $0x201A00, s0;
	[dreg:$0x5] =	wrdreg s31  }
0xb: {  	s15 =	simm.s32 $0x8000;
	v6 =	vimm.f32 $1.000000000e+00;
	v5 =	vmul.u32 $0x100, v0;
	v2 =	vor.u32 $0x1, v2;
	s3 =	simm.s32 $0x0;
	[dreg:$0x3] =	wrdreg s0  }
.LBB2_64:
0xc: {  	s1 =	simm.s32 $0x2  }
0xd: {  	_ =	swait.ge [sflag:s1], $0x1000  }
0xe: {  	s3 =	rddreg [dreg:$0x6]  }
0xf: {  	s0 =	rddreg [dreg:$0x5];
	s3 =	sadd.s32 $0x1, s3  }
0x10: {  	p0 =	sne.s32 s3, s0  }
.Ltmp1:
0x11: {  	_ = 	snop;
	(pc) =	sbr.rel @!p0 .LBB2_65-.Ltmp1, $3  }
0x12: {  	_ =	sdelay $0x1  }
0x13: {  	[sflag:s1] =	ssyncset.done $0x0  }
0x14: {  	[sflag:s1] =	ssyncadd.s32 $0xFFFFF000  }
.LBB2_1:
0x15: {  	s0 =	simm.s32 $0x0;
	s1 =	rddreg [dreg:$0x3];
	s29 =	simm.s32 $0x5000  }
0x16: {  	[tilespmem:s29], [sflag:$0x3] =	stream.linear.gather [hbm4b:s1+s0], $0x80, $0x38;
	[tilespmem:$0x8280] =	vst v63  }
.Ltmp2:
0x17: {  	[dreg:$0x6] =	wrdreg s3;
	s30 =	simm.s32 $0x3;
	(pc) =	sbr.rel .LBB2_2-.Ltmp2, $4  }
0x18: {  	_ =	swait.ge [sflag:s30], $0x80  }
0x19: {  	p0 =	por $0x0, $0x0;
	[sflag:s30] =	ssyncset.done $0x0  }
0x1a: {  	s18 =	simm.s32 $0x0;
	s31 =	rddreg [dreg:$0x4];
	[sflag:s30] =	ssyncadd.s32 $0xFFFFFF80  }
0x1b: {  	[tilespmem:s0], [sflag:$0x1] =	stream.strided.gather [hbm4b:s31+s11], $0x1000, s12, s11, $0x38;
	[tilespmem:$0x8280] =	vst v63  }
.LBB2_63:
0x1c: {  	p1 =	sne.s32 s18, $0x80  }
.Ltmp3:
0x1d: {  	_ = 	snop;
	(pc) =	sbr.rel @!p1 .LBB2_64-.Ltmp3, $4  }
0x1e: {  	_ = 	snop  }
0x1f: {  	s0 =	sadd.s32 s2, s21  }
0x20: {  	p0 =	por !p0, !p0;
	s0 =	sadd.s32 s20, s0  }
0x21: {  	[hbm4b:s0+s11] =	stream.strided.scatter [tilespmem:s1], [sflag:$0x2], $0x1000, s12, s11, $0x38;
	[tilespmem:$0x8280] =	vst v63  }
.LBB2_2:
0x22: {  	s23 =	smov.u32 s18;
	s1 =	sor.u32 s4, s18;
	p1 =	seq.s32 s18, $0x7F  }
0x23: {  	_ =	swait.ge [sflag:s13], $0x1000;
	s18 =	sadd.s32 $0x1, s18;
	s0 =	sadd.s32 @!p1 $0x1, s1  }
0x24: {  	[sflag:s13] =	ssyncset.done $0x0;
	s6 =	sshll.u32 @!p1 s18, $0xC;
	s3 =	sshll.u32 @!p1 s0, $0x4  }
0x25: {  	s7 =	simm.s32 @!p1 $0x400;
	s0 =	sshll.u32 @!p1 s0, $0x9;
	s3 =	sand.u32 @!p1 $0x70, s3  }
0x26: {  	[sflag:s13] =	ssyncadd.s32 $0xFFFFF000;
	s0 =	sand.u32 @!p1 $0xFFFF000, s0;
	s3 =	sadd.s32 @!p1 s5, s3  }
0x27: {  	s6 =	sand.u32 @!p1 $0x1000, s6;
	s0 =	sadd.s32 @!p1 s0, s3;
	s3 =	simm.s32 @!p1 $0x80  }
0x28: {  	[tilespmem:s6], [sflag:$0x1] =	stream.strided.gather @!p1 [hbm4b:s0+s3], $0x1000, s7, s3, $0x38;
	[tilespmem:$0x8280] =	vst v63  }
0x29: {  	s29 =	sand.u32 $0x70, s23;
	s0 =	simm.s32 $0x50C0  }
0x2a: {  	v7 =	vld [tilespmem:s29+$0x5000];
	[tilespmem:s0+$0xFFFFFFC0] =	vst v1  }
0x2b: {  	[tilespmem:s0+$0x30] =	vst v1  }
0x2c: {  	s3 =	simm.s32 $0x1;
	[tilespmem:s0+$0x20] =	vst v1  }
0x2d: {  	s30 =	sshll.u32 s23, $0xC;
	s1 =	sshll.u32 s1, $0x9;
	s3 =	simm.s32 @!p0 $0x0;
	[tilespmem:s0+$0x10] =	vst v1  }
0x2e: {  	s31 =	sshll.u32 s23, $0x4;
	s24 =	sand.u32 $0x1000, s30;
	[tilespmem:s0+$0x0] =	vst v1;
	s3 =	sshll.u32 s3, $0xC  }
0x2f: {  	s20 =	sand.u32 $0x1FF000, s1;
	s21 =	sand.u32 $0x70, s31;
	[tilespmem:s0+$0xFFFFFFF0] =	vst v1;
	s19 =	sadd.s32 $0x3FF0, s3  }
0x30: {  	[tilespmem:s0+$0xFFFFFFE0] =	vst v1;
	s22 =	sadd.s32 $0x3040, s3;
	s7 =	sor.u32 $0x40, s3;
	s3 =	simm.s32 $0x0  }
.LBB2_3:
0x31: {  	s3 =	sadd.s32 $0x8, s3;
	[tilespmem:s0+$0xFFFFFFD0] =	vst v1;
	s0 =	sadd.s32 $0x80, s0;
	s1 =	simm.s32 $0x2040  }
0x32: {  	[tilespmem:s0+$0xFFFFFFC0] =	vst v1;
	p1 =	slt.u32 s3, $0xF8  }
0x33: {  	[tilespmem:s0+$0x30] =	vst v1  }
.Ltmp4:
0x34: {  	[tilespmem:s0+$0x20] =	vst v1;
	(pc) =	sbr.rel @p1 .LBB2_3-.Ltmp4, $4  }
0x35: {  	[tilespmem:s0+$0x10] =	vst v1  }
0x36: {  	[tilespmem:s0+$0x0] =	vst v1  }
0x37: {  	[tilespmem:s0+$0xFFFFFFF0] =	vst v1  }
0x38: {  	[tilespmem:s0+$0xFFFFFFE0] =	vst v1  }
0x39: {  	[tilespmem:s0+$0xFFFFFFD0] =	vst v1  }
0x3a: {  	v8 =	vld [tilespmem:s7+$0x30]  }
0x3b: {  	v9 =	vld [tilespmem:s7+$0xFFFFFFD0]  }
0x3c: {  	v10 =	vld [tilespmem:s7+$0xFFFFFFE0]  }
0x3d: {  	v12 =	vld [tilespmem:s7+$0x0]  }
0x3e: {  	v13 =	vld [tilespmem:s7+$0x10]  }
0x3f: {  	v16 =	vld [tilespmem:s7+$0x20]  }
0x40: {  	v17 =	vld [tilespmem:s7+$0xFFFFFFC0]  }
0x41: {  	v11 =	vld [tilespmem:s7+$0xFFFFFFF0];
	_ =	sdelay $0x1  }
0x42: {  	v14 =	vand.u32 $0x7FFFFFFF, v8;
	v15 =	vand.u32 $0x7FFFFFFF, v9;
	vm0 =	vlt.s32 v8, $0x0  }
0x43: {  	v18 =	vand.u32 $0x7FFFFFFF, v10;
	v20 =	vand.u32 $0x7FFFFFFF, v12;
	v22 =	vand.u32 $0x7FFFFFFF, v13  }
0x44: {  	v23 =	vand.u32 $0x7FFFFFFF, v16;
	vm15 =	vlt.s32 v17, $0x0;
	vm1 =	vlt.s32 v9, $0x0  }
0x45: {  	vm2 =	vlt.s32 v10, $0x0;
	vm3 =	vlt.s32 v11, $0x0;
	vm4 =	vlt.s32 v12, $0x0  }
0x46: {  	vm5 =	vlt.s32 v13, $0x0;
	vm6 =	vlt.s32 v16, $0x0;
	v14 =	vsub.s32 $0x0, v14  }
0x47: {  	v15 =	vsub.s32 $0x0, v15;
	v20 =	vsub.s32 $0x0, v20;
	v22 =	vsub.s32 $0x0, v22  }
0x48: {  	v23 =	vsub.s32 $0x0, v23;
	v8 =	vsel vm0, v14, v8;
	v14 =	vsub.s32 $0x0, v18  }
0x49: {  	v18 =	vand.u32 $0x7FFFFFFF, v11;
	v15 =	vsel vm1, v15, v9;
	v12 =	vsel vm4, v20, v12  }
0x4a: {  	v20 =	vsel vm5, v22, v13;
	v22 =	vsel vm6, v23, v16;
	v19 =	vshrl.u32 v8, $0x1F  }
0x4b: {  	v21 =	vshrl.u32 v8, $0x18;
	v18 =	vsub.s32 $0x0, v18;
	v9 =	vshrl.u32 v15, $0x1F  }
0x4c: {  	v16 =	vshrl.u32 v20, $0x1F;
	v19 =	vxor.u32 v2, v19;
	v21 =	vand.u32 $0x7F, v21  }
0x4d: {  	v11 =	vsel vm3, v18, v11;
	v18 =	vshrl.u32 v22, $0x1F;
	v19 =	vshll.u32 v19, $0x7  }
0x4e: {  	[tilespmem:s1+$0x30] =	vst v8;
	v13 =	vshrl.u32 v11, $0x1F;
	v19 =	vor.u32 v21, v19;
	v21 =	vand.u32 $0x7FFFFFFF, v17  }
0x4f: {  	[tilespmem:s1+$0xFFFFFFD0] =	vst v15;
	v23 =	vxor.u32 v2, v9;
	v25 =	vxor.u32 v2, v13;
	v21 =	vsub.s32 $0x0, v21  }
0x50: {  	[tilespmem:s1+$0x0] =	vst v12;
	v17 =	vsel vm15, v21, v17;
	v21 =	vsel vm2, v14, v10;
	v14 =	vshrl.u32 v12, $0x1F  }
0x51: {  	[tilespmem:s1+$0x10] =	vst v20;
	v12 =	vshrl.u32 v12, $0x18;
	v8 =	vshrl.u32 v17, $0x1F;
	v10 =	vshrl.u32 v21, $0x1F  }
0x52: {  	[tilespmem:s1+$0xFFFFFFF0] =	vst v11;
	v9 =	vxor.u32 v2, v14;
	v13 =	vshrl.u32 v17, $0x18;
	v14 =	vshrl.u32 v15, $0x18  }
0x53: {  	[tilespmem:s1+$0xFFFFFFC0] =	vst v17;
	v17 =	vshrl.u32 v21, $0x18;
	v15 =	vshrl.u32 v11, $0x18;
	v11 =	vshrl.u32 v22, $0x18  }
0x54: {  	[tilespmem:s1+$0xFFFFFFE0] =	vst v21;
	v21 =	vshll.u32 v23, $0x7;
	v24 =	vxor.u32 v2, v10;
	v10 =	vxor.u32 v2, v18  }
0x55: {  	s6 =	simm.s32 $0x0;
	[tilespmem:v19+s14+$0x0] =	vst.idx.add.s32.msk $0xffff, v3;
	v19 =	vxor.u32 v2, v8;
	v8 =	vxor.u32 v2, v16;
	v16 =	vshrl.u32 v20, $0x18  }
0x56: {  	s3 =	simm.s32 $0x5890;
	s0 =	simm.s32 $0x6090;
	s9 =	sadd.s32 $0x80, s7;
	[tilespmem:s1+$0x20] =	vst v22;
	v20 =	vshll.u32 v24, $0x7;
	v18 =	vshll.u32 v19, $0x7;
	v19 =	vshll.u32 v25, $0x7  }
.LBB2_5:
0x57: {  	v22 =	vld [tilespmem:s9+$0x30];
	s6 =	sadd.s32 $0x8, s6;
	v9 =	vshll.u32 v9, $0x7;
	v8 =	vshll.u32 v8, $0x7;
	v10 =	vshll.u32 v10, $0x7  }
0x58: {  	v13 =	vand.u32 $0x7F, v13;
	v14 =	vand.u32 $0x7F, v14;
	v17 =	vand.u32 $0x7F, v17;
	v23 =	vld [tilespmem:s9+$0xFFFFFFD0];
	p1 =	slt.u32 s6, $0xF8  }
0x59: {  	v15 =	vand.u32 $0x7F, v15;
	v12 =	vand.u32 $0x7F, v12;
	v16 =	vand.u32 $0x7F, v16;
	v24 =	vld [tilespmem:s9+$0xFFFFFFE0]  }
0x5a: {  	v11 =	vand.u32 $0x7F, v11;
	v13 =	vor.u32 v13, v18;
	v14 =	vor.u32 v14, v21;
	v25 =	vld [tilespmem:s9+$0xFFFFFFF0]  }
0x5b: {  	v17 =	vor.u32 v17, v20;
	v15 =	vor.u32 v15, v19;
	v9 =	vor.u32 v12, v9;
	v18 =	vld [tilespmem:s9+$0x0]  }
0x5c: {  	v8 =	vor.u32 v16, v8;
	v10 =	vor.u32 v11, v10;
	v12 =	vld [tilespmem:s9+$0x10];
	v19 =	vand.u32 $0x7FFFFFFF, v22  }
0x5d: {  	vm0 =	vlt.s32 v22, $0x0;
	v11 =	vand.u32 $0x7FFFFFFF, v23;
	v16 =	vld [tilespmem:s9+$0x20];
	v19 =	vsub.s32 $0x0, v19  }
0x5e: {  	v20 =	vld [tilespmem:s9+$0xFFFFFFC0];
	v11 =	vsub.s32 $0x0, v11;
	v21 =	vand.u32 $0x7FFFFFFF, v24;
	v19 =	vsel vm0, v19, v22  }
0x5f: {  	v21 =	vsub.s32 $0x0, v21;
	v22 =	vand.u32 $0x7FFFFFFF, v25;
	v26 =	vshrl.u32 v19, $0x1F;
	[tilespmem:v13+s14+$0x0] =	vst.idx.add.s32.msk $0xffff, v3  }
0x60: {  	v27 =	vshrl.u32 v19, $0x18;
	v13 =	vand.u32 $0x7FFFFFFF, v18;
	v26 =	vxor.u32 v2, v26;
	[tilespmem:v14+s14+$0x0] =	vst.idx.add.s32.msk $0xffff, v3  }
0x61: {  	v27 =	vand.u32 $0x7F, v27;
	v14 =	vand.u32 $0x7FFFFFFF, v12;
	v26 =	vshll.u32 v26, $0x7;
	[tilespmem:v17+s14+$0x0] =	vst.idx.add.s32.msk $0xffff, v3  }
0x62: {  	v17 =	vsub.s32 $0x0, v22;
	v22 =	vand.u32 $0x7FFFFFFF, v16;
	v26 =	vor.u32 v27, v26;
	[tilespmem:v15+s14+$0x0] =	vst.idx.add.s32.msk $0xffff, v3  }
0x63: {  	v13 =	vsub.s32 $0x0, v13;
	v14 =	vsub.s32 $0x0, v14;
	v15 =	vand.u32 $0x7FFFFFFF, v20;
	[tilespmem:v9+s14+$0x0] =	vst.idx.add.s32.msk $0xffff, v3  }
0x64: {  	vm0 =	vlt.s32 v20, $0x0;
	v9 =	vsub.s32 $0x0, v15;
	v15 =	vsub.s32 $0x0, v22;
	[tilespmem:v8+s14+$0x0] =	vst.idx.add.s32.msk $0xffff, v3  }
0x65: {  	s1 =	sadd.s32 $0x80, s1;
	vm1 =	vlt.s32 v23, $0x0;
	vm2 =	vlt.s32 v24, $0x0;
	vm3 =	vlt.s32 v25, $0x0;
	[tilespmem:v10+s14+$0x0] =	vst.idx.add.s32.msk $0xffff, v3  }
0x66: {  	s7 =	simm.s32 $0x0;
	vm4 =	vlt.s32 v18, $0x0;
	vm5 =	vlt.s32 v12, $0x0;
	vm6 =	vlt.s32 v16, $0x0;
	[tilespmem:s1+$0x30] =	vst v19  }
0x67: {  	v11 =	vsel vm1, v11, v23;
	v10 =	vsel vm0, v9, v20;
	[tilespmem:v26+s14+$0x0] =	vst.idx.add.s32.msk $0xffff, v3  }
0x68: {  	v18 =	vsel vm4, v13, v18;
	v20 =	vsel vm3, v17, v25;
	v19 =	vsel vm2, v21, v24;
	[tilespmem:s1+$0xFFFFFFC0] =	vst v10  }
0x69: {  	v22 =	vsel vm6, v15, v16;
	v8 =	vshrl.u32 v10, $0x1F;
	v21 =	vsel vm5, v14, v12;
	[tilespmem:s1+$0xFFFFFFD0] =	vst v11  }
0x6a: {  	v9 =	vshrl.u32 v11, $0x1F;
	v13 =	vshrl.u32 v20, $0x1F;
	v12 =	vshrl.u32 v19, $0x1F;
	[tilespmem:s1+$0xFFFFFFE0] =	vst v19  }
0x6b: {  	v14 =	vshrl.u32 v18, $0x1F;
	v16 =	vshrl.u32 v22, $0x1F;
	v15 =	vshrl.u32 v21, $0x1F;
	[tilespmem:s1+$0xFFFFFFF0] =	vst v20  }
0x6c: {  	v24 =	vxor.u32 v2, v9;
	v23 =	vxor.u32 v2, v8;
	v25 =	vxor.u32 v2, v12;
	[tilespmem:s1+$0x0] =	vst v18  }
.Ltmp5:
0x6d: {  	v26 =	vxor.u32 v2, v13;
	v9 =	vxor.u32 v2, v14;
	v8 =	vxor.u32 v2, v15;
	[tilespmem:s1+$0x10] =	vst v21;
	(pc) =	sbr.rel @p1 .LBB2_5-.Ltmp5, $4  }
0x6e: {  	v13 =	vshrl.u32 v10, $0x18;
	v14 =	vshrl.u32 v11, $0x18;
	v10 =	vxor.u32 v2, v16;
	[tilespmem:s1+$0x20] =	vst v22  }
0x6f: {  	v17 =	vshrl.u32 v19, $0x18;
	v15 =	vshrl.u32 v20, $0x18;
	v12 =	vshrl.u32 v18, $0x18  }
0x70: {  	v16 =	vshrl.u32 v21, $0x18;
	v11 =	vshrl.u32 v22, $0x18;
	v18 =	vshll.u32 v23, $0x7  }
0x71: {  	s9 =	sadd.s32 $0x80, s9;
	v19 =	vshll.u32 v26, $0x7;
	v20 =	vshll.u32 v25, $0x7;
	v21 =	vshll.u32 v24, $0x7  }
0x72: {  	v13 =	vand.u32 $0x7F, v13  }
0x73: {  	v14 =	vand.u32 $0x7F, v14;
	v13 =	vor.u32 v13, v18  }
0x74: {  	v17 =	vand.u32 $0x7F, v17;
	v14 =	vor.u32 v14, v21  }
0x75: {  	v15 =	vand.u32 $0x7F, v15;
	v17 =	vor.u32 v17, v20  }
0x76: {  	v9 =	vshll.u32 v9, $0x7;
	v12 =	vand.u32 $0x7F, v12;
	v15 =	vor.u32 v15, v19  }
0x77: {  	v8 =	vshll.u32 v8, $0x7;
	v16 =	vand.u32 $0x7F, v16;
	v9 =	vor.u32 v12, v9  }
0x78: {  	v10 =	vshll.u32 v10, $0x7;
	v11 =	vand.u32 $0x7F, v11;
	v8 =	vor.u32 v16, v8;
	[tilespmem:v13+s14+$0x0] =	vst.idx.add.s32.msk $0xffff, v3  }
0x79: {  	v10 =	vor.u32 v11, v10;
	[tilespmem:v14+s14+$0x0] =	vst.idx.add.s32.msk $0xffff, v3  }
0x7a: {  	[tilespmem:v17+s14+$0x0] =	vst.idx.add.s32.msk $0xffff, v3  }
0x7b: {  	[tilespmem:v15+s14+$0x0] =	vst.idx.add.s32.msk $0xffff, v3  }
0x7c: {  	[tilespmem:v9+s14+$0x0] =	vst.idx.add.s32.msk $0xffff, v3  }
0x7d: {  	[tilespmem:v8+s14+$0x0] =	vst.idx.add.s32.msk $0xffff, v3  }
0x7e: {  	[tilespmem:v10+s14+$0x0] =	vst.idx.add.s32.msk $0xffff, v3  }
0x7f: {  	s1 =	sand.u32 $0xE0, s7;
	v8 =	vld [tilespmem:s3+$0xFFFFF7F0]  }
0x80: {  	v9 =	vld [tilespmem:s1+$0x5180]  }
0x81: {  	v10 =	vld [tilespmem:s1+$0x5280]  }
0x82: {  	v11 =	vld [tilespmem:s1+$0x5380]  }
0x83: {  	v12 =	vld [tilespmem:s1+$0x5480]  }
0x84: {  	v13 =	vld [tilespmem:s1+$0x5580]  }
0x85: {  	v14 =	vld [tilespmem:s1+$0x5680]  }
0x86: {  	v15 =	vld [tilespmem:s1+$0x5780]  }
0x87: {  	v59 =	vld [tilespmem:s1+$0x5880]  }
0x88: {  	v17 =	vld [tilespmem:s1+$0x5980]  }
0x89: {  	v60 =	vld [tilespmem:s1+$0x5A80]  }
0x8a: {  	v61 =	vld [tilespmem:s1+$0x5B80]  }
0x8b: {  	v62 =	vld [tilespmem:s1+$0x5C80]  }
0x8c: {  	v63 =	vld [tilespmem:s1+$0x5D80]  }
0x8d: {  	v22 =	vld [tilespmem:s1+$0x5E80]  }
0x8e: {  	v23 =	vld [tilespmem:s1+$0x5F80]  }
0x8f: {  	v8 =	vadd.s32 v8, v9;
	v9 =	vld [tilespmem:s3+$0xFFFFF800]  }
0x90: {  	v8 =	vadd.s32 v10, v8;
	v10 =	vld [tilespmem:s3+$0xFFFFF900]  }
0x91: {  	v8 =	vadd.s32 v11, v8;
	v11 =	vld [tilespmem:s3+$0xFFFFFA00]  }
0x92: {  	v8 =	vadd.s32 v12, v8;
	v12 =	vld [tilespmem:s3+$0xFFFFFB00]  }
0x93: {  	v8 =	vadd.s32 v13, v8;
	v13 =	vld [tilespmem:s3+$0xFFFFFC00]  }
0x94: {  	v8 =	vadd.s32 v14, v8;
	v14 =	vld [tilespmem:s3+$0xFFFFFD00]  }
0x95: {  	v8 =	vadd.s32 v15, v8;
	v9 =	vadd.s32 v9, v10;
	v10 =	vld [tilespmem:s3+$0xFFFFFE00]  }
0x96: {  	v8 =	vadd.s32 v59, v8;
	v9 =	vadd.s32 v11, v9;
	v11 =	vld [tilespmem:s3+$0xFFFFFF00]  }
0x97: {  	v8 =	vadd.s32 v17, v8;
	v9 =	vadd.s32 v12, v9;
	v12 =	vld [tilespmem:s3+$0x0]  }
0x98: {  	v8 =	vadd.s32 v60, v8;
	v9 =	vadd.s32 v13, v9;
	v13 =	vld [tilespmem:s3+$0x100]  }
0x99: {  	v8 =	vadd.s32 v61, v8;
	v9 =	vadd.s32 v14, v9;
	v14 =	vld [tilespmem:s3+$0x200]  }
0x9a: {  	v15 =	vadd.s32 v62, v8;
	v9 =	vadd.s32 v10, v9;
	v8 =	vld [tilespmem:s3+$0x300]  }
0x9b: {  	v10 =	vadd.s32 v63, v15;
	v11 =	vadd.s32 v11, v9;
	v9 =	vld [tilespmem:s3+$0x400]  }
0x9c: {  	v15 =	vadd.s32 v22, v10;
	v11 =	vadd.s32 v12, v11;
	v10 =	vld [tilespmem:s3+$0x500]  }
0x9d: {  	v12 =	vadd.s32 v23, v15;
	v13 =	vadd.s32 v13, v11;
	v11 =	vld [tilespmem:s3+$0x600]  }
0x9e: {  	s6 =	simm.s32 $0x20;
	s1 =	simm.s32 $0x0;
	[tilespmem:s0+$0xFFFFFFF0] =	vst v12;
	v13 =	vadd.s32 v14, v13;
	v12 =	vld [tilespmem:s3+$0x700];
	s3 =	simm.s32 $0x58B0  }
.LBB2_7:
0x9f: {  	v14 =	vld [tilespmem:s3+$0xFFFFF7F0];
	s7 =	sand.u32 $0xE0, s6;
	s1 =	sadd.s32 $0x2, s1;
	v8 =	vadd.s32 v8, v13  }
0xa0: {  	v13 =	vld [tilespmem:s7+$0x5180];
	p1 =	slt.u32 s1, $0xE;
	v8 =	vadd.s32 v9, v8  }
0xa1: {  	v9 =	vld [tilespmem:s7+$0x5280];
	v8 =	vadd.s32 v10, v8  }
0xa2: {  	v10 =	vld [tilespmem:s7+$0x5380];
	v8 =	vadd.s32 v11, v8  }
0xa3: {  	v11 =	vld [tilespmem:s7+$0x5480];
	v8 =	vadd.s32 v12, v8  }
0xa4: {  	v12 =	vld [tilespmem:s7+$0x5580];
	[tilespmem:s0+$0x0] =	vst v8  }
0xa5: {  	v8 =	vadd.s32 v14, v13;
	v13 =	vld [tilespmem:s7+$0x5680]  }
0xa6: {  	v8 =	vadd.s32 v9, v8;
	v9 =	vld [tilespmem:s7+$0x5780]  }
0xa7: {  	v8 =	vadd.s32 v10, v8;
	v10 =	vld [tilespmem:s7+$0x5880]  }
0xa8: {  	v8 =	vadd.s32 v11, v8;
	v11 =	vld [tilespmem:s7+$0x5980]  }
0xa9: {  	v8 =	vadd.s32 v12, v8;
	v12 =	vld [tilespmem:s7+$0x5A80]  }
0xaa: {  	v8 =	vadd.s32 v13, v8;
	v13 =	vld [tilespmem:s7+$0x5B80]  }
0xab: {  	v8 =	vadd.s32 v9, v8;
	v9 =	vld [tilespmem:s7+$0x5C80]  }
0xac: {  	v8 =	vadd.s32 v10, v8;
	v10 =	vld [tilespmem:s7+$0x5D80]  }
0xad: {  	v8 =	vadd.s32 v11, v8;
	v11 =	vld [tilespmem:s7+$0x5E80]  }
0xae: {  	v8 =	vadd.s32 v12, v8;
	v12 =	vld [tilespmem:s7+$0x5F80]  }
0xaf: {  	v8 =	vadd.s32 v13, v8;
	v13 =	vld [tilespmem:s3+$0xFFFFF800]  }
0xb0: {  	v8 =	vadd.s32 v9, v8;
	v9 =	vld [tilespmem:s3+$0xFFFFF900]  }
0xb1: {  	v8 =	vadd.s32 v10, v8;
	v10 =	vld [tilespmem:s3+$0xFFFFFA00]  }
0xb2: {  	v8 =	vadd.s32 v11, v8;
	v11 =	vld [tilespmem:s3+$0xFFFFFB00]  }
0xb3: {  	s0 =	sadd.s32 $0x20, s0;
	v8 =	vadd.s32 v12, v8;
	v12 =	vld [tilespmem:s3+$0xFFFFFC00]  }
0xb4: {  	[tilespmem:s0+$0xFFFFFFF0] =	vst v8;
	v8 =	vld [tilespmem:s3+$0xFFFFFD00]  }
0xb5: {  	v9 =	vadd.s32 v13, v9;
	v13 =	vld [tilespmem:s3+$0xFFFFFE00]  }
0xb6: {  	v9 =	vadd.s32 v10, v9;
	v10 =	vld [tilespmem:s3+$0xFFFFFF00]  }
0xb7: {  	v9 =	vadd.s32 v11, v9;
	v11 =	vld [tilespmem:s3+$0x0]  }
0xb8: {  	v9 =	vadd.s32 v12, v9;
	v12 =	vld [tilespmem:s3+$0x100]  }
0xb9: {  	v8 =	vadd.s32 v8, v9;
	v14 =	vld [tilespmem:s3+$0x200]  }
.Ltmp6:
0xba: {  	v9 =	vadd.s32 v13, v8;
	v8 =	vld [tilespmem:s3+$0x300];
	(pc) =	sbr.rel @p1 .LBB2_7-.Ltmp6, $4  }
0xbb: {  	v10 =	vadd.s32 v10, v9;
	v9 =	vld [tilespmem:s3+$0x400]  }
0xbc: {  	v11 =	vadd.s32 v11, v10;
	v10 =	vld [tilespmem:s3+$0x500]  }
0xbd: {  	v12 =	vadd.s32 v12, v11;
	v11 =	vld [tilespmem:s3+$0x600]  }
0xbe: {  	s6 =	sadd.s32 $0x20, s6;
	v13 =	vadd.s32 v14, v12;
	v12 =	vld [tilespmem:s3+$0x700];
	s3 =	sadd.s32 $0x20, s3  }
0xbf: {  	v8 =	vadd.s32 v8, v13  }
0xc0: {  	s1 =	sand.u32 $0xF, s23;
	v8 =	vadd.s32 v9, v8  }
0xc1: {  	v9 =	vmov s1;
	v8 =	vadd.s32 v10, v8  }
0xc2: {  	vm0 =	veq.s32 v9, v0;
	v8 =	vadd.s32 v11, v8  }
0xc3: {  	v7 =	vnsel vm0, $0x0, v7;
	v8 =	vadd.s32 v12, v8  }
0xc4: {  	s3 =	simm.s32 $0x60A0;
	(xrf0) =	vadd.scan.msk.s32 $0xffff, v7;
	[tilespmem:s0+$0x0] =	vst v8  }
0xc5: {  	v10 =	vld [tilespmem:s3+$0x10]  }
0xc6: {  	v7 =	vld [tilespmem:s3+$0xFFFFFFE0];
	_ =	sdelay $0x2  }
0xc7: {  	v8 =	vld [tilespmem:s3+$0xFFFFFFF0]  }
0xc8: {  	v9, _, _ =	vpop (xrf0);
	(xrf0) =	vadd.scan.msk.s32 $0xffff, v10  }
0xc9: {  	(v2sf) =	vpush v9, $0xF;
	(xrf0) =	vadd.scan.msk.s32 $0xffff, v7;
	_ =	sdelay $0x2  }
0xca: {  	(xrf0) =	vadd.scan.msk.s32 $0xffff, v8  }
0xcb: {  	v9 =	vld [tilespmem:s3+$0x0]  }
0xcc: {  	v12, _, _ =	vpop (xrf0)  }
0xcd: {  	(v2sf) =	vpush v12, $0xF;
	v11, _, _ =	vpop (xrf0)  }
0xce: {  	(v2sf) =	vpush v11, $0xF;
	_ =	sdelay $0x1  }
0xcf: {  	s6 =	simm.s32 $0x60E0;
	v13, _, _ =	vpop (xrf0);
	(xrf0) =	vadd.scan.msk.s32 $0xffff, v9  }
0xd0: {  	v14 =	vld [tilespmem:s6+$0x10];
	_ =	sdelay $0x3  }
0xd1: {  	(v2sf) =	vpush v13, $0xF  }
0xd2: {  	s7 =	simm.s32 $0x0;
	(xrf0) =	vadd.scan.msk.s32 $0xffff, v14;
	v18, _, _ =	vpop (xrf0);
	s25 =	spop (v2sf)  }
0xd3: {  	v19 =	vsub.s32 s7, v7;
	(v2sf) =	vpush v18, $0xF;
	s8 =	ssub.s32 $0x1000, s25  }
0xd4: {  	v11 =	vadd.s32 v11, v19;
	v7 =	vmov s8  }
0xd5: {  	vm9 =	vle.s32 v11, v7  }
0xd6: {  	v15 =	vld [tilespmem:s6+$0xFFFFFFE0];
	v11 =	vmpcnt.ones.xlane vm9  }
0xd7: {  	v16 =	vld [tilespmem:s6+$0xFFFFFFF0]  }
0xd8: {  	v17 =	vld [tilespmem:s6+$0x0];
	v8 =	vsub.s32 v13, v8;
	v13, _, _ =	vpop (xrf0);
	s9 =	spop (v2sf);
	(v2sf) =	vpush v11, $0x0  }
0xd9: {  	s10 =	spop (v2sf);
	(v2sf) =	vpush v13, $0xF;
	_ =	sdelay $0x1  }
0xda: {  	(xrf0) =	vadd.scan.msk.s32 $0xffff, v15  }
0xdb: {  	(xrf0) =	vadd.scan.msk.s32 $0xffff, v16  }
0xdc: {  	(xrf0) =	vadd.scan.msk.s32 $0xffff, v17;
	_ =	sdelay $0x2  }
0xdd: {  	s1 =	sadd.s32 $0x0, s10;
	s3 =	spop (v2sf)  }
0xde: {  	v10 =	vsub.s32 v12, v10;
	v9 =	vsub.s32 v18, v9;
	v18, _, _ =	vpop (xrf0);
	v8 =	vadd.s32 s1, v8;
	s1 =	sadd.s32 s1, s3  }
0xdf: {  	v19, _, _ =	vpop (xrf0);
	(v2sf) =	vpush v18, $0xF;
	vm10 =	vle.s32 v8, v7;
	v8 =	vadd.s32 s1, v9;
	s6 =	spop (v2sf)  }
0xe0: {  	v20, _, _ =	vpop (xrf0);
	(v2sf) =	vpush v19, $0xF;
	v9 =	vmpcnt.ones.xlane vm10;
	vm11 =	vle.s32 v8, v7;
	s1 =	sadd.s32 s1, s6  }
0xe1: {  	s16 =	simm.s32 $0x6120;
	(v2sf) =	vpush v20, $0xF;
	v8 =	vmpcnt.ones.xlane vm11;
	s0 =	sadd.s32 s1, s9;
	v10 =	vadd.s32 s1, v10  }
0xe2: {  	v21 =	vld [tilespmem:s16+$0x10];
	(v2sf) =	vpush v9, $0x0;
	v12 =	vsub.s32 s0, v15;
	vm12 =	vle.s32 v10, v7  }
0xe3: {  	(v2sf) =	vpush v8, $0x0;
	v12 =	vadd.s32 v18, v12;
	v10 =	vmpcnt.ones.xlane vm12  }
0xe4: {  	vm13 =	vle.s32 v12, v7;
	s17 =	spop (v2sf)  }
0xe5: {  	v11 =	vld [tilespmem:s16+$0xFFFFFFE0];
	v12 =	vmpcnt.ones.xlane vm13;
	s26 =	spop (v2sf);
	(v2sf) =	vpush v10, $0x0  }
0xe6: {  	v8 =	vld [tilespmem:s16+$0xFFFFFFF0]  }
0xe7: {  	(xrf0) =	vadd.scan.msk.s32 $0xffff, v21;
	v9 =	vld [tilespmem:s16+$0x0];
	(v2sf) =	vpush v12, $0x0;
	_ =	sdelay $0x2  }
0xe8: {  	(xrf0) =	vadd.scan.msk.s32 $0xffff, v11  }
0xe9: {  	(xrf0) =	vadd.scan.msk.s32 $0xffff, v8  }
0xea: {  	(xrf0) =	vadd.scan.msk.s32 $0xffff, v9  }
0xeb: {  	v12, _, _ =	vpop (xrf0)  }
0xec: {  	v18 =	vsub.s32 v13, v14;
	v13 =	vsub.s32 v19, v16;
	s28 =	spop (v2sf);
	(v2sf) =	vpush v12, $0xF  }
0xed: {  	v14 =	vsub.s32 v20, v17;
	s0 =	sadd.s32 s0, s28;
	s29 =	spop (v2sf)  }
0xee: {  	v10 =	vsub.s32 v12, v21;
	v12, _, _ =	vpop (xrf0);
	v15 =	vadd.s32 s0, v13;
	s6 =	sadd.s32 s0, s29;
	s7 =	spop (v2sf)  }
0xef: {  	s1 =	sadd.s32 $0x0, s17;
	s0 =	simm.s32 $0x8;
	(v2sf) =	vpush v12, $0xF;
	v13, _, _ =	vpop (xrf0);
	vm14 =	vle.s32 v15, v7;
	v16 =	vadd.s32 s6, v14;
	s8 =	spop (v2sf)  }
0xf0: {  	s6 =	sadd.s32 s6, s7;
	(v2sf) =	vpush v13, $0xF;
	v14, _, _ =	vpop (xrf0);
	v15 =	vmpcnt.ones.xlane vm14;
	vm15 =	vle.s32 v16, v7;
	s30 =	sadd.s32 s8, s1;
	s31 =	spop (v2sf)  }
0xf1: {  	s3 =	sadd.s32 s6, s26;
	v17 =	vadd.s32 s6, v18;
	(v2sf) =	vpush v14, $0xF;
	v16 =	vmpcnt.ones.xlane vm15;
	s1 =	simm.s32 $0x6160;
	s6 =	sadd.s32 s31, s30  }
.LBB2_9:
0xf2: {  	v18 =	vld [tilespmem:s1+$0x10];
	s0 =	sadd.s32 $0x4, s0;
	v11 =	vsub.s32 s3, v11;
	vm0 =	vle.s32 v17, v7;
	(v2sf) =	vpush v15, $0x0;
	s7 =	spop (v2sf)  }
0xf3: {  	p1 =	slt.u32 s0, $0xC;
	v11 =	vadd.s32 v12, v11;
	v12 =	vmpcnt.ones.xlane vm0;
	(v2sf) =	vpush v16, $0x0;
	s6 =	sadd.s32 s7, s6  }
0xf4: {  	v13 =	vsub.s32 v13, v8;
	v14 =	vsub.s32 v14, v9;
	vm0 =	vle.s32 v11, v7;
	s7 =	spop (v2sf)  }
0xf5: {  	v11 =	vld [tilespmem:s1+$0xFFFFFFE0];
	v15 =	vmpcnt.ones.xlane vm0;
	(v2sf) =	vpush v12, $0x0  }
0xf6: {  	v8 =	vld [tilespmem:s1+$0xFFFFFFF0]  }
0xf7: {  	v9 =	vld [tilespmem:s1+$0x0];
	(xrf0) =	vadd.scan.msk.s32 $0xffff, v18;
	(v2sf) =	vpush v15, $0x0;
	_ =	sdelay $0x2  }
0xf8: {  	(xrf0) =	vadd.scan.msk.s32 $0xffff, v11  }
0xf9: {  	(xrf0) =	vadd.scan.msk.s32 $0xffff, v8;
	s8 =	spop (v2sf)  }
0xfa: {  	(xrf0) =	vadd.scan.msk.s32 $0xffff, v9  }
0xfb: {  	v12, _, _ =	vpop (xrf0)  }
0xfc: {  	v18 =	vsub.s32 v12, v18;
	(v2sf) =	vpush v12, $0xF;
	s9 =	spop (v2sf)  }
.Ltmp7:
0xfd: {  	s3 =	sadd.s32 s3, s9;
	s9 =	spop (v2sf);
	(pc) =	sbr.rel @p1 .LBB2_9-.Ltmp7, $4  }
0xfe: {  	v12, _, _ =	vpop (xrf0);
	v15 =	vadd.s32 s3, v13;
	s3 =	sadd.s32 s3, s9;
	s9 =	spop (v2sf)  }
0xff: {  	s6 =	sadd.s32 s6, s7;
	(v2sf) =	vpush v12, $0xF;
	v13, _, _ =	vpop (xrf0);
	vm0 =	vle.s32 v15, v7;
	v16 =	vadd.s32 s3, v14;
	s9 =	sadd.s32 s3, s9;
	s7 =	spop (v2sf)  }
0x100: {  	(v2sf) =	vpush v13, $0xF;
	v14, _, _ =	vpop (xrf0);
	v15 =	vmpcnt.ones.xlane vm0;
	vm0 =	vle.s32 v16, v7;
	s3 =	sadd.s32 s9, s8;
	s6 =	sadd.s32 s7, s6;
	s7 =	spop (v2sf)  }
0x101: {  	s1 =	sadd.s32 $0x40, s1;
	v17 =	vadd.s32 s9, v10;
	v10 =	vmovc v18;
	(v2sf) =	vpush v14, $0xF;
	v16 =	vmpcnt.ones.xlane vm0;
	s6 =	sadd.s32 s7, s6  }
0x102: {  	_ =	sdelay $0x8  }
0x103: {  	s0 =	spop (v2sf)  }
0x104: {  	s1 =	spop (v2sf)  }
0x105: {  	v11 =	vsub.s32 s3, v11;
	vm0 =	vle.s32 v17, v7;
	s7 =	spop (v2sf)  }
0x106: {  	v8 =	vsub.s32 v13, v8;
	v9 =	vsub.s32 v14, v9;
	v11 =	vadd.s32 v12, v11;
	s7 =	spop (v2sf)  }
0x107: {  	v12 =	vmpcnt.ones.xlane vm0;
	vm0 =	vle.s32 v11, v7;
	(v2sf) =	vpush v15, $0x0;
	s29 =	sadd.s32 s3, s7;
	s30 =	spop (v2sf)  }
0x108: {  	v11 =	vmpcnt.ones.xlane vm0;
	(v2sf) =	vpush v16, $0x0;
	v8 =	vadd.s32 s29, v8;
	s3 =	sadd.s32 s29, s30;
	s31 =	spop (v2sf)  }
0x109: {  	(v2sf) =	vpush v12, $0x0;
	vm0 =	vle.s32 v8, v7;
	v8 =	vadd.s32 s3, v9;
	s3 =	sadd.s32 s3, s31  }
0x10a: {  	v9 =	vmpcnt.ones.xlane vm0;
	vm0 =	vle.s32 v8, v7;
	v8 =	vadd.s32 s3, v10  }
0x10b: {  	(v2sf) =	vpush v11, $0x0;
	v10 =	vmpcnt.ones.xlane vm0;
	vm0 =	vle.s32 v8, v7  }
0x10c: {  	(v2sf) =	vpush v9, $0x0;
	v7 =	vmpcnt.ones.xlane vm0  }
0x10d: {  	(v2sf) =	vpush v10, $0x0  }
0x10e: {  	(v2sf) =	vpush v7, $0x0;
	_ =	sdelay $0x7  }
0x10f: {  	s0 =	sadd.s32 s0, s6  }
0x110: {  	s0 =	sadd.s32 s0, s1;
	s7 =	spop (v2sf)  }
0x111: {  	s0 =	sadd.s32 s7, s0;
	s8 =	spop (v2sf)  }
0x112: {  	s0 =	sadd.s32 s8, s0;
	s9 =	spop (v2sf)  }
0x113: {  	s0 =	sadd.s32 s9, s0;
	s10 =	spop (v2sf)  }
0x114: {  	s0 =	sadd.s32 s0, s10;
	s16 =	spop (v2sf)  }
0x115: {  	s0 =	sadd.s32 s16, s0;
	s17 =	spop (v2sf)  }
0x116: {  	s28 =	simm.s32 $0x60A0;
	s0 =	sadd.s32 s17, s0;
	s26 =	spop (v2sf)  }
0x117: {  	v13 =	vld [tilespmem:s28+$0xFFFFFFE0];
	s0 =	sadd.s32 s26, s0  }
0x118: {  	v12 =	vimm.s32 $0x0;
	s29 =	simm.s32 $0x30;
	v9 =	vld [tilespmem:s28+$0x10];
	s26 =	sadd.s32 $0xFFFFFFFF, s0;
	s0 =	simm.s32 $0x0  }
0x119: {  	v14 =	vor.u32 s29, v0;
	s31 =	simm.s32 $0x10;
	v10 =	vld [tilespmem:s28+$0xFFFFFFF0];
	v8 =	vmov s26;
	v11 =	vor.u32 s0, v0  }
0x11a: {  	s30 =	simm.s32 $0x20;
	v15 =	vor.u32 s31, v0;
	v7 =	vld [tilespmem:s28+$0x0];
	vm2 =	vgt.s32 v11, v8;
	vm3 =	veq.s32 v11, v8  }
0x11b: {  	v11 =	vor.u32 s30, v0;
	vm4 =	vgt.s32 v14, v8;
	vm0 =	veq.s32 v14, v8  }
0x11c: {  	vm5 =	vgt.s32 v15, v8;
	vm7 =	veq.s32 v15, v8;
	vm6 =	vgt.s32 v11, v8  }
0x11d: {  	vm1 =	veq.s32 v11, v8;
	v11 =	vsel vm4, $0x0, v9;
	v15 =	vsel vm2, $0x0, v13  }
0x11e: {  	v13 =	vnsel vm3, $0x0, v13;
	v19 =	vsel vm5, $0x0, v10;
	v22 =	vnsel vm7, $0x0, v10  }
0x11f: {  	s6 =	simm.s32 $0x0;
	s1 =	simm.s32 $0x0;
	s3 =	simm.s32 $0x60E0;
	v14 =	vsel vm6, $0x0, v7;
	v21 =	vadd.s32 v12, v15;
	v20 =	vadd.s32 v12, v13  }
.LBB2_11:
0x120: {  	v10 =	vld [tilespmem:s3+$0x10];
	v12 =	vadd.s32 v19, v21;
	v13 =	vadd.s32 v22, v20;
	v15 =	vnsel vm1, $0x0, v7  }
0x121: {  	v9 =	vnsel vm0, $0x0, v9;
	s6 =	sadd.s32 $0x40, s6;
	v7 =	vld [tilespmem:s3+$0x0];
	v12 =	vadd.s32 v14, v12;
	v13 =	vadd.s32 v15, v13  }
0x122: {  	s7 =	sadd.s32 $0x30, s6;
	v15 =	vld [tilespmem:s3+$0xFFFFFFF0];
	v12 =	vadd.s32 v11, v12;
	v13 =	vadd.s32 v9, v13  }
0x123: {  	s1 =	sadd.s32 $0x4, s1;
	v18 =	vor.u32 s6, v0;
	s8 =	sadd.s32 $0x20, s6;
	v11 =	vor.u32 s7, v0;
	v16 =	vld [tilespmem:s3+$0xFFFFFFE0]  }
0x124: {  	p1 =	slt.u32 s1, $0xC;
	vm2 =	vgt.s32 v18, v8;
	vm3 =	veq.s32 v18, v8;
	s7 =	sadd.s32 $0x10, s6;
	v14 =	vor.u32 s8, v0  }
.Ltmp8:
0x125: {  	v17 =	vor.u32 s7, v0;
	vm4 =	vgt.s32 v11, v8;
	vm0 =	veq.s32 v11, v8;
	v9 =	vmovc v10;
	(pc) =	sbr.rel @p1 .LBB2_11-.Ltmp8, $4  }
0x126: {  	vm6 =	vgt.s32 v14, v8;
	vm1 =	veq.s32 v14, v8;
	vm5 =	vgt.s32 v17, v8  }
0x127: {  	vm7 =	veq.s32 v17, v8;
	v14 =	vsel vm6, $0x0, v7;
	v11 =	vsel vm4, $0x0, v9  }
0x128: {  	v19 =	vsel vm5, $0x0, v15;
	v10 =	vsel vm2, $0x0, v16;
	v16 =	vnsel vm3, $0x0, v16  }
0x129: {  	s3 =	sadd.s32 $0x40, s3;
	v22 =	vnsel vm7, $0x0, v15;
	v21 =	vadd.s32 v12, v10;
	v20 =	vadd.s32 v13, v16  }
0x12a: {  	s1 =	simm.s32 $0x2040  }
0x12b: {  	v10 =	vld [tilespmem:s1+$0x30]  }
0x12c: {  	v12 =	vld [tilespmem:s1+$0x20]  }
0x12d: {  	v13 =	vld [tilespmem:s1+$0x10]  }
0x12e: {  	v15 =	vld [tilespmem:s1+$0x0]  }
0x12f: {  	v16 =	vld [tilespmem:s1+$0xFFFFFFF0]  }
0x130: {  	v17 =	vld [tilespmem:s1+$0xFFFFFFE0]  }
0x131: {  	v18 =	vld [tilespmem:s1+$0xFFFFFFD0]  }
0x132: {  	v19 =	vadd.s32 v19, v21;
	v30 =	vld [tilespmem:s1+$0xFFFFFFC0]  }
0x133: {  	v20 =	vadd.s32 v22, v20;
	v7 =	vnsel vm1, $0x0, v7;
	v14 =	vadd.s32 v14, v19  }
0x134: {  	v9 =	vnsel vm0, $0x0, v9;
	s31 =	simm.s32 $0x20C0;
	v20 =	vadd.s32 v7, v20;
	v7 =	vadd.s32 v11, v14  }
0x135: {  	v9 =	vadd.s32 v9, v20;
	v20 =	vld [tilespmem:s31+$0xFFFFFFF0];
	v11 =	vshrl.u32 v13, $0x18;
	v14 =	vshrl.u32 v12, $0x18  }
0x136: {  	v19 =	vshrl.u32 v10, $0x18;
	v21 =	vshrl.u32 v17, $0x18;
	v22 =	vshrl.u32 v16, $0x18  }
0x137: {  	v23 =	vshrl.u32 v15, $0x18;
	v24 =	vshrl.u32 v30, $0x18;
	v25 =	vshrl.u32 v18, $0x18  }
0x138: {  	v26 =	vxor.u32 v8, v19;
	v19 =	vxor.u32 v8, v24;
	v24 =	vxor.u32 v8, v11  }
0x139: {  	v27 =	vxor.u32 v8, v14;
	v11 =	vxor.u32 v8, v25;
	v22 =	vxor.u32 v8, v22  }
0x13a: {  	v28 =	vshrl.u32 v20, $0x18;
	vm8 =	veq.s32 v19, $0x80;
	v19 =	vxor.u32 v8, v23  }
0x13b: {  	vm0 =	veq.s32 v11, $0x80;
	v11 =	vxor.u32 v8, v21;
	v14 =	vmpcnt.ones.xlane vm8  }
0x13c: {  	vm3 =	veq.s32 v22, $0x80;
	v21 =	vmpcnt.ones.xlane vm0;
	vm2 =	veq.s32 v11, $0x80  }
0x13d: {  	vm9 =	veq.s32 v24, $0x80;
	v11 =	vld [tilespmem:s31+$0x30];
	v23 =	vmpcnt.ones.xlane vm2;
	(v2sf) =	vpush v14, $0x0  }
0x13e: {  	v22 =	vmpcnt.ones.xlane vm3;
	vm4 =	veq.s32 v19, $0x80;
	v19 =	vld [tilespmem:s31+$0x10];
	(v2sf) =	vpush v21, $0x0  }
0x13f: {  	vm10 =	veq.s32 v27, $0x80;
	v25 =	vmpcnt.ones.xlane vm4;
	v14 =	vld [tilespmem:s31+$0x20];
	(v2sf) =	vpush v23, $0x0  }
0x140: {  	vm11 =	veq.s32 v26, $0x80;
	v24 =	vmpcnt.ones.xlane vm9;
	v23 =	vld [tilespmem:s31+$0xFFFFFFC0];
	(v2sf) =	vpush v22, $0x0  }
0x141: {  	v27 =	vmpcnt.ones.xlane vm10;
	vm1 =	vmmov vm0;
	v21 =	vld [tilespmem:s31+$0x0];
	(v2sf) =	vpush v25, $0x0  }
0x142: {  	vm7 =	vmmov vm3;
	v22 =	vld [tilespmem:s31+$0xFFFFFFE0];
	v25 =	vmpcnt.ones.xlane vm11;
	(v2sf) =	vpush v24, $0x0  }
0x143: {  	vm0 =	vmmov vm11;
	vm5 =	vmmov vm2;
	v24 =	vld [tilespmem:s31+$0xFFFFFFD0];
	(v2sf) =	vpush v27, $0x0  }
0x144: {  	vm6 =	vmmov vm4;
	vm4 =	vmmov vm9;
	(v2sf) =	vpush v25, $0x0  }
0x145: {  	vm2 =	vmmov vm10;
	v26 =	vshrl.u32 v19, $0x18;
	v25 =	vshrl.u32 v23, $0x18  }
0x146: {  	v29 =	vshrl.u32 v14, $0x18;
	v27 =	vshrl.u32 v11, $0x18;
	v25 =	vxor.u32 v8, v25  }
0x147: {  	v32 =	vshrl.u32 v21, $0x18;
	v31 =	vshrl.u32 v22, $0x18;
	vm3 =	veq.s32 v25, $0x80  }
0x148: {  	v25 =	vxor.u32 v8, v27;
	v27 =	vxor.u32 v8, v26;
	v33 =	vshrl.u32 v24, $0x18  }
0x149: {  	v26 =	vxor.u32 v8, v29;
	v29 =	vxor.u32 v8, v32;
	v33 =	vxor.u32 v8, v33  }
0x14a: {  	s3 =	simm.s32 $0x2140;
	s1 =	simm.s32 $0x8;
	[tilespmem:s0+$0x6180] =	vst.msk vm8, v30;
	v31 =	vxor.u32 v8, v31;
	v30 =	vmpcnt.ones.xlane vm3;
	vm8 =	veq.s32 v33, $0x80  }
.LBB2_13:
0x14b: {  	v33 =	vmpcnt.ones.xlane vm8;
	vm10 =	veq.s32 v31, $0x80  }
0x14c: {  	v32 =	vld [tilespmem:s3+$0x30];
	v28 =	vxor.u32 v8, v28;
	s6 =	spop (v2sf);
	vm11 =	vmmov vm1;
	vm1 =	vmmov vm8  }
0x14d: {  	v31 =	vld [tilespmem:s3+$0x20];
	v34 =	vmpcnt.ones.xlane vm10;
	vm9 =	veq.s32 v28, $0x80;
	(v2sf) =	vpush v30, $0x0;
	s0 =	sadd.s32 s0, s6;
	s6 =	spop (v2sf)  }
0x14e: {  	vm8 =	veq.s32 v29, $0x80;
	v28 =	vld [tilespmem:s3+$0x10];
	v30 =	vmpcnt.ones.xlane vm9;
	(v2sf) =	vpush v33, $0x0;
	[tilespmem:s0+$0x6180] =	vst.msk vm11, v18;
	s0 =	sadd.s32 s0, s6;
	s6 =	spop (v2sf);
	v18 =	vmovc v24  }
0x14f: {  	v24 =	vmpcnt.ones.xlane vm8;
	vm11 =	veq.s32 v27, $0x80;
	v29 =	vld [tilespmem:s3+$0x0];
	(v2sf) =	vpush v34, $0x0;
	[tilespmem:s0+$0x6180] =	vst.msk vm5, v17;
	s0 =	sadd.s32 s0, s6;
	s6 =	spop (v2sf);
	v17 =	vmovc v22  }
0x150: {  	vm12 =	veq.s32 v26, $0x80;
	v27 =	vmpcnt.ones.xlane vm11;
	(v2sf) =	vpush v30, $0x0;
	[tilespmem:s0+$0x6180] =	vst.msk vm7, v16;
	s0 =	sadd.s32 s0, s6;
	s6 =	spop (v2sf);
	v16 =	vmovc v20;
	v20 =	vld [tilespmem:s3+$0xFFFFFFF0]  }
0x151: {  	vm13 =	veq.s32 v25, $0x80;
	v26 =	vmpcnt.ones.xlane vm12;
	v22 =	vld [tilespmem:s3+$0xFFFFFFE0];
	(v2sf) =	vpush v24, $0x0;
	[tilespmem:s0+$0x6180] =	vst.msk vm6, v15;
	s0 =	sadd.s32 s0, s6;
	s6 =	spop (v2sf);
	v15 =	vmovc v21  }
0x152: {  	v25 =	vmpcnt.ones.xlane vm13;
	vm5 =	vmmov vm10;
	v24 =	vld [tilespmem:s3+$0xFFFFFFD0];
	(v2sf) =	vpush v27, $0x0;
	[tilespmem:s0+$0x6180] =	vst.msk vm4, v13;
	s0 =	sadd.s32 s0, s6;
	s6 =	spop (v2sf);
	v13 =	vmovc v19  }
0x153: {  	s1 =	sadd.s32 $0x8, s1;
	vm7 =	vmmov vm9;
	v27 =	vld [tilespmem:s3+$0xFFFFFFC0];
	(v2sf) =	vpush v26, $0x0;
	[tilespmem:s0+$0x6180] =	vst.msk vm2, v12;
	s0 =	sadd.s32 s0, s6;
	s6 =	spop (v2sf);
	v12 =	vmovc v14;
	v14 =	vmovc v31;
	v19 =	vmov v28  }
0x154: {  	p1 =	slt.u32 s1, $0xF8;
	vm6 =	vmmov vm8;
	(v2sf) =	vpush v25, $0x0;
	[tilespmem:s0+$0x6180] =	vst.msk vm0, v10;
	s0 =	sadd.s32 s0, s6;
	v10 =	vmovc v11;
	v11 =	vmovc v32;
	v21 =	vmov v29  }
0x155: {  	vm4 =	vmmov vm11;
	vm2 =	vmmov vm12;
	vm0 =	vmmov vm13;
	[tilespmem:s0+$0x6180] =	vst.msk vm3, v23  }
0x156: {  	v26 =	vshrl.u32 v19, $0x18;
	v29 =	vshrl.u32 v14, $0x18;
	v34 =	vshrl.u32 v11, $0x18  }
.Ltmp9:
0x157: {  	v28 =	vshrl.u32 v20, $0x18;
	v30 =	vshrl.u32 v21, $0x18;
	v31 =	vshrl.u32 v22, $0x18;
	(pc) =	sbr.rel @p1 .LBB2_13-.Ltmp9, $4  }
0x158: {  	v25 =	vxor.u32 v8, v34;
	v33 =	vshrl.u32 v24, $0x18;
	v32 =	vshrl.u32 v27, $0x18;
	v23 =	vmovc v27  }
0x159: {  	v27 =	vxor.u32 v8, v26;
	v26 =	vxor.u32 v8, v29;
	v32 =	vxor.u32 v8, v32  }
0x15a: {  	v29 =	vxor.u32 v8, v30;
	vm3 =	veq.s32 v32, $0x80;
	v32 =	vxor.u32 v8, v33  }
0x15b: {  	s3 =	sadd.s32 $0x80, s3;
	v31 =	vxor.u32 v8, v31;
	v30 =	vmpcnt.ones.xlane vm3;
	vm8 =	veq.s32 v32, $0x80  }
0x15c: {  	v32 =	vmpcnt.ones.xlane vm8;
	vm14 =	veq.s32 v31, $0x80;
	v8 =	vxor.u32 v8, v28  }
0x15d: {  	v63 =	vmpcnt.ones.xlane vm14;
	vm13 =	veq.s32 v8, $0x80;
	(v2sf) =	vpush v30, $0x0  }
0x15e: {  	vm12 =	veq.s32 v29, $0x80;
	v8 =	vmpcnt.ones.xlane vm13;
	(v2sf) =	vpush v32, $0x0  }
0x15f: {  	vm11 =	veq.s32 v27, $0x80;
	v29 =	vmpcnt.ones.xlane vm12;
	(v2sf) =	vpush v63, $0x0  }
0x160: {  	vm10 =	veq.s32 v26, $0x80;
	v27 =	vmpcnt.ones.xlane vm11;
	(v2sf) =	vpush v8, $0x0  }
0x161: {  	vm9 =	veq.s32 v25, $0x80;
	v8 =	vmpcnt.ones.xlane vm10;
	(v2sf) =	vpush v29, $0x0  }
0x162: {  	v25 =	vmpcnt.ones.xlane vm9;
	(v2sf) =	vpush v27, $0x0  }
0x163: {  	(v2sf) =	vpush v8, $0x0  }
0x164: {  	s1 =	spop (v2sf);
	(v2sf) =	vpush v25, $0x0  }
0x165: {  	vm1 =	vmmov vm1;
	s0 =	sadd.s32 s0, s1;
	s29 =	spop (v2sf)  }
0x166: {  	[tilespmem:s0+$0x6180] =	vst.msk vm1, v18;
	s0 =	sadd.s32 s0, s29;
	s30 =	spop (v2sf)  }
0x167: {  	[tilespmem:s0+$0x6180] =	vst.msk vm5, v17;
	s0 =	sadd.s32 s0, s30;
	s31 =	spop (v2sf)  }
0x168: {  	[tilespmem:s0+$0x6180] =	vst.msk vm7, v16;
	s0 =	sadd.s32 s0, s31;
	s3 =	spop (v2sf)  }
0x169: {  	[tilespmem:s0+$0x6180] =	vst.msk vm6, v15;
	s0 =	sadd.s32 s0, s3;
	s6 =	spop (v2sf)  }
0x16a: {  	[tilespmem:s0+$0x6180] =	vst.msk vm4, v13;
	s0 =	sadd.s32 s0, s6;
	s7 =	spop (v2sf)  }
0x16b: {  	[tilespmem:s0+$0x6180] =	vst.msk vm2, v12;
	s0 =	sadd.s32 s0, s7;
	s8 =	spop (v2sf)  }
0x16c: {  	vm5 =	vmmov vm8;
	[tilespmem:s0+$0x6180] =	vst.msk vm0, v10;
	s0 =	sadd.s32 s0, s8;
	s9 =	spop (v2sf)  }
0x16d: {  	vm6 =	vmmov vm5;
	[tilespmem:s0+$0x6180] =	vst.msk vm3, v23;
	s0 =	sadd.s32 s0, s9;
	s10 =	spop (v2sf)  }
0x16e: {  	vm7 =	vmmov vm14;
	[tilespmem:s0+$0x6180] =	vst.msk vm6, v24;
	s0 =	sadd.s32 s0, s10;
	s16 =	spop (v2sf)  }
0x16f: {  	vm8 =	vmmov vm13;
	[tilespmem:s0+$0x6180] =	vst.msk vm7, v22;
	s0 =	sadd.s32 s0, s16;
	s17 =	spop (v2sf)  }
0x170: {  	vm12 =	vmmov vm12;
	[tilespmem:s0+$0x6180] =	vst.msk vm8, v20;
	s0 =	sadd.s32 s0, s17;
	s28 =	spop (v2sf)  }
0x171: {  	vm13 =	vmmov vm11;
	[tilespmem:s0+$0x6180] =	vst.msk vm12, v21;
	s0 =	sadd.s32 s0, s28;
	s29 =	spop (v2sf)  }
0x172: {  	vm14 =	vmmov vm10;
	[tilespmem:s0+$0x6180] =	vst.msk vm13, v19;
	s0 =	sadd.s32 s0, s29;
	s30 =	spop (v2sf)  }
0x173: {  	vm15 =	vmmov vm9;
	[tilespmem:s0+$0x6180] =	vst.msk vm14, v14;
	s0 =	sadd.s32 s0, s30;
	s31 =	spop (v2sf)  }
0x174: {  	[tilespmem:s0+$0x6180] =	vst.msk vm15, v11;
	s0 =	sadd.s32 s0, s31  }
0x175: {  	s3 =	simm.s32 $0x50C0;
	[tilespmem:s0+$0x6180] =	vst v4  }
0x176: {  	[tilespmem:s3+$0xFFFFFFC0] =	vst v1  }
0x177: {  	[tilespmem:s3+$0x30] =	vst v1  }
0x178: {  	[tilespmem:s3+$0x20] =	vst v1  }
0x179: {  	[tilespmem:s3+$0x10] =	vst v1  }
0x17a: {  	[tilespmem:s3+$0x0] =	vst v1  }
0x17b: {  	[tilespmem:s3+$0xFFFFFFF0] =	vst v1  }
0x17c: {  	s0 =	simm.s32 $0x0;
	[tilespmem:s3+$0xFFFFFFE0] =	vst v1  }
.LBB2_15:
0x17d: {  	s0 =	sadd.s32 $0x8, s0;
	[tilespmem:s3+$0xFFFFFFD0] =	vst v1;
	s3 =	sadd.s32 $0x80, s3  }
0x17e: {  	[tilespmem:s3+$0xFFFFFFC0] =	vst v1;
	p1 =	slt.u32 s0, $0xF8  }
0x17f: {  	[tilespmem:s3+$0x30] =	vst v1  }
.Ltmp10:
0x180: {  	[tilespmem:s3+$0x20] =	vst v1;
	(pc) =	sbr.rel @p1 .LBB2_15-.Ltmp10, $4  }
0x181: {  	[tilespmem:s3+$0x10] =	vst v1  }
0x182: {  	[tilespmem:s3+$0x0] =	vst v1  }
0x183: {  	[tilespmem:s3+$0xFFFFFFF0] =	vst v1  }
0x184: {  	[tilespmem:s3+$0xFFFFFFE0] =	vst v1  }
0x185: {  	(xrf0) =	vadd.scan.msk.s32 $0xffff, v7  }
0x186: {  	(xrf0) =	vadd.scan.msk.s32 $0xffff, v9;
	_ =	sdelay $0x4  }
0x187: {  	v7, _, _ =	vpop (xrf0)  }
0x188: {  	(v2sf) =	vpush v7, $0xF;
	v7, _, _ =	vpop (xrf0)  }
0x189: {  	(v2sf) =	vpush v7, $0xF;
	_ =	sdelay $0xd  }
0x18a: {  	s0 =	spop (v2sf)  }
0x18b: {  	s1 =	spop (v2sf)  }
0x18c: {  	s1 =	sadd.s32 $0xF, s1  }
0x18d: {  	s6 =	sand.u32 $0xF, s1  }
0x18e: {  	s31 =	sshra.s32 s1, $0x1F;
	p2 =	slt.s32 s1, $0x1;
	p1 =	sne.s32 s6, $0x0  }
0x18f: {  	s6 =	sshrl.u32 s31, $0x1C;
	p1 =	por !p2, !p1  }
0x190: {  	s1 =	sadd.s32 s6, s1;
	s6 =	simm.s32 $0x1;
	p1 =	por !p1, !p1  }
0x191: {  	s1 =	sshra.s32 s1, $0x4;
	s6 =	simm.s32 @!p1 $0x0  }
0x192: {  	s1 =	ssub.s32 s1, s6  }
0x193: {  	s6 =	sshrl.u32 s1, $0x1F  }
0x194: {  	s6 =	sadd.s32 s6, s1  }
0x195: {  	s29 =	sand.u32 $0xFFFFFFFE, s6  }
0x196: {  	p1 =	slt.s32 s29, $0x1  }
.Ltmp11:
0x197: {  	_ = 	snop;
	(pc) =	sbr.rel @p1 .LBB2_26-.Ltmp11, $2  }
0x198: {  	_ =	sdelay $0x2  }
0x199: {  	[tilespmem:s3+$0xFFFFFFD0] =	vst v1  }
0x19a: {  	p4 =	sgt.s32 s29, $0x2  }
.Ltmp12:
0x19b: {  	_ = 	snop;
	(pc) =	sbr.rel @!p4 .LBB2_18-.Ltmp12, $4  }
0x19c: {  	_ = 	snop  }
0x19d: {  	s3 =	simm.s32 $0x6190  }
0x19e: {  	v12 =	vld [tilespmem:s3+$0x0]  }
0x19f: {  	p2 =	por $0x0, $0x0;
	p3 =	por $0x0, $0x0;
	v7 =	vld [tilespmem:s3+$0xFFFFFFF0]  }
0x1a0: {  	p4 =	sgt.s32 s29, $0x4  }
.Ltmp13:
0x1a1: {  	_ = 	snop;
	(pc) =	sbr.rel @!p4 .LBB2_20-.Ltmp13, $4  }
0x1a2: {  	_ = 	snop  }
0x1a3: {  	s3 =	simm.s32 $0x61B0  }
0x1a4: {  	v11 =	vld [tilespmem:s3+$0x0];
	v8 =	vshrl.u32 v7, $0x10  }
0x1a5: {  	p2 =	por $0x1, $0x1;
	v13 =	vshrl.u32 v12, $0x10;
	v7 =	vld [tilespmem:s3+$0xFFFFFFF0];
	v10 =	vand.u32 $0xFF, v8  }
0x1a6: {  	p4 =	sgt.s32 s29, $0x6  }
.Ltmp14:
0x1a7: {  	_ = 	snop;
	(pc) =	sbr.rel @!p4 .LBB2_22-.Ltmp14, $4  }
0x1a8: {  	s3 =	simm.s32 $0x61D0;
	v9 =	vand.u32 $0xFF, v13;
	v8 =	vor.u32 v5, v10  }
0x1a9: {  	v12 =	vld [tilespmem:s3+$0x0];
	v9 =	vor.u32 v5, v9  }
0x1aa: {  	v10 =	vshrl.u32 v7, $0x10  }
0x1ab: {  	s6 =	simm.s32 $0x6;
	p3 =	por $0x1, $0x1;
	v13 =	vshrl.u32 v11, $0x10;
	v7 =	vld [tilespmem:s3+$0xFFFFFFF0];
	v10 =	vand.u32 $0xFF, v10  }
.LBB2_23:
0x1ac: {  	s6 =	sadd.s32 $0x2, s6  }
0x1ad: {  	v13 =	vand.u32 $0xFF, v13;
	[tilespmem:v8+s14+$0x0] =	vst.idx.add.s32.msk $0xffff, v3;
	p4 =	slt.s32 s6, s29  }
.Ltmp15:
0x1ae: {  	s3 =	sadd.s32 $0x20, s3;
	v8 =	vor.u32 v5, v10;
	[tilespmem:v9+s14+$0x0] =	vst.idx.add.s32.msk $0xffff, v3;
	v9 =	vor.u32 v5, v13;
	v11 =	vmov v12;
	(pc) =	sbr.rel @p4 .LBB2_23-.Ltmp15, $3  }
0x1af: {  	v12 =	vld [tilespmem:s3+$0x0];
	_ =	sdelay $0x1  }
0x1b0: {  	v10 =	vshrl.u32 v7, $0x10  }
0x1b1: {  	v13 =	vshrl.u32 v11, $0x10;
	v7 =	vld [tilespmem:s3+$0xFFFFFFF0];
	v10 =	vand.u32 $0xFF, v10  }
0x1b2: {  	_ = 	snop  }
0x1b3: {  	v11 =	vmov v12  }
.LBB2_25:
0x1b4: {  	_ = 	snop  }
0x1b5: {  	v12 =	vand.u32 @p2 $0xFF, v13;
	v10 =	vor.u32 @p2 v5, v10  }
0x1b6: {  	v11 =	vshrl.u32 v11, $0x10;
	v12 =	vor.u32 @p2 v5, v12;
	v10 =	vpsel p2, v10, v0  }
0x1b7: {  	v11 =	vand.u32 $0xFF, v11;
	v7 =	vshrl.u32 v7, $0x10;
	v12 =	vpsel p2, v12, v0  }
0x1b8: {  	[tilespmem:v8+s14+$0x0] =	vst.idx.add.s32.msk @p3 $0xffff, v3;
	v8 =	vor.u32 v5, v11;
	v7 =	vand.u32 $0xFF, v7  }
0x1b9: {  	v7 =	vor.u32 v5, v7  }
0x1ba: {  	[tilespmem:v9+s14+$0x0] =	vst.idx.add.s32.msk @p3 $0xffff, v3  }
0x1bb: {  	[tilespmem:v10+s14+$0x0] =	vst.idx.add.s32.msk @p2 $0xffff, v3  }
0x1bc: {  	[tilespmem:v12+s14+$0x0] =	vst.idx.add.s32.msk @p2 $0xffff, v3  }
0x1bd: {  	[tilespmem:v8+s14+$0x0] =	vst.idx.add.s32.msk $0xffff, v3  }
0x1be: {  	[tilespmem:v7+s14+$0x0] =	vst.idx.add.s32.msk $0xffff, v3  }
.LBB2_26:
0x1bf: {  	s31 =	ssub.s32 s1, s29  }
0x1c0: {  	p2 =	sgt.s32 s31, $0x0  }
0x1c1: {  	s3 =	sshll.u32 @p2 s29, $0x6  }
0x1c2: {  	s3 =	sshra.s32 @p2 s3, $0x2  }
0x1c3: {  	v7 =	vld @p2 [tilespmem:s3+$0x6180];
	_ =	sdelay $0x3  }
0x1c4: {  	v8 =	vlaneseq.u32 @p2  }
0x1c5: {  	v8 =	vmul.u32 @p2 $0x100, v8;
	v7 =	vshrl.u32 @p2 v7, $0x10  }
0x1c6: {  	v7 =	vand.u32 @p2 $0xFF, v7  }
0x1c7: {  	v7 =	vor.u32 @p2 v8, v7;
	_ =	sdelay $0x3  }
0x1c8: {  	s28 =	ssub.s32 $0x1000, s0;
	s0 =	sshll.u32 s1, $0x4;
	s1 =	simm.s32 @p2 $0x5080;
	v8 =	vimm.s32 @p2 $0x1  }
0x1c9: {  	s6 =	simm.s32 $0x5890;
	s17 =	simm.s32 $0x0;
	[tilespmem:v7+s1+$0x0] =	vst.idx.add.s32.msk @p2 $0xffff, v8  }
0x1ca: {  	s3 =	sand.u32 $0xE0, s17;
	v7 =	vld [tilespmem:s6+$0xFFFFF7F0]  }
0x1cb: {  	v8 =	vld [tilespmem:s3+$0x5180]  }
0x1cc: {  	v9 =	vld [tilespmem:s3+$0x5280]  }
0x1cd: {  	v10 =	vld [tilespmem:s3+$0x5380]  }
0x1ce: {  	v11 =	vld [tilespmem:s3+$0x5480]  }
0x1cf: {  	v12 =	vld [tilespmem:s3+$0x5580]  }
0x1d0: {  	v13 =	vld [tilespmem:s3+$0x5680]  }
0x1d1: {  	v14 =	vld [tilespmem:s3+$0x5780]  }
0x1d2: {  	v15 =	vld [tilespmem:s3+$0x5880]  }
0x1d3: {  	v16 =	vld [tilespmem:s3+$0x5980]  }
0x1d4: {  	v17 =	vld [tilespmem:s3+$0x5A80]  }
0x1d5: {  	v18 =	vld [tilespmem:s3+$0x5B80]  }
0x1d6: {  	v19 =	vld [tilespmem:s3+$0x5C80]  }
0x1d7: {  	v20 =	vld [tilespmem:s3+$0x5D80]  }
0x1d8: {  	v21 =	vld [tilespmem:s3+$0x5E80]  }
0x1d9: {  	v22 =	vld [tilespmem:s3+$0x5F80]  }
0x1da: {  	v7 =	vadd.s32 v7, v8;
	v8 =	vld [tilespmem:s6+$0xFFFFF800]  }
0x1db: {  	v7 =	vadd.s32 v9, v7;
	v9 =	vld [tilespmem:s6+$0xFFFFF900]  }
0x1dc: {  	v7 =	vadd.s32 v10, v7;
	v10 =	vld [tilespmem:s6+$0xFFFFFA00]  }
0x1dd: {  	v7 =	vadd.s32 v11, v7;
	v11 =	vld [tilespmem:s6+$0xFFFFFB00]  }
0x1de: {  	v7 =	vadd.s32 v12, v7;
	v12 =	vld [tilespmem:s6+$0xFFFFFC00]  }
0x1df: {  	v7 =	vadd.s32 v13, v7;
	v13 =	vld [tilespmem:s6+$0xFFFFFD00]  }
0x1e0: {  	v7 =	vadd.s32 v14, v7;
	v8 =	vadd.s32 v8, v9;
	v9 =	vld [tilespmem:s6+$0xFFFFFE00]  }
0x1e1: {  	v7 =	vadd.s32 v15, v7;
	v8 =	vadd.s32 v10, v8;
	v10 =	vld [tilespmem:s6+$0xFFFFFF00]  }
0x1e2: {  	v7 =	vadd.s32 v16, v7;
	v8 =	vadd.s32 v11, v8;
	v11 =	vld [tilespmem:s6+$0x0]  }
0x1e3: {  	v7 =	vadd.s32 v17, v7;
	v8 =	vadd.s32 v12, v8;
	v12 =	vld [tilespmem:s6+$0x100]  }
0x1e4: {  	v7 =	vadd.s32 v18, v7;
	v8 =	vadd.s32 v13, v8;
	v13 =	vld [tilespmem:s6+$0x200]  }
0x1e5: {  	v14 =	vadd.s32 v19, v7;
	v8 =	vadd.s32 v9, v8;
	v7 =	vld [tilespmem:s6+$0x300]  }
0x1e6: {  	v9 =	vadd.s32 v20, v14;
	v10 =	vadd.s32 v10, v8;
	v8 =	vld [tilespmem:s6+$0x400]  }
0x1e7: {  	v14 =	vadd.s32 v21, v9;
	v10 =	vadd.s32 v11, v10;
	v9 =	vld [tilespmem:s6+$0x500]  }
0x1e8: {  	s7 =	simm.s32 $0x20;
	s1 =	simm.s32 $0x6090;
	v11 =	vadd.s32 v22, v14;
	v12 =	vadd.s32 v12, v10;
	v10 =	vld [tilespmem:s6+$0x600]  }
0x1e9: {  	s30 =	ssub.s32 s25, s28;
	s3 =	simm.s32 $0x0;
	[tilespmem:s1+$0xFFFFFFF0] =	vst v11;
	v12 =	vadd.s32 v13, v12;
	v11 =	vld [tilespmem:s6+$0x700];
	s6 =	simm.s32 $0x58B0  }
.LBB2_27:
0x1ea: {  	v13 =	vld [tilespmem:s6+$0xFFFFF7F0];
	s8 =	sand.u32 $0xE0, s7;
	s3 =	sadd.s32 $0x2, s3;
	v7 =	vadd.s32 v7, v12  }
0x1eb: {  	v12 =	vld [tilespmem:s8+$0x5180];
	p2 =	slt.u32 s3, $0xE;
	v7 =	vadd.s32 v8, v7  }
0x1ec: {  	v8 =	vld [tilespmem:s8+$0x5280];
	v7 =	vadd.s32 v9, v7  }
0x1ed: {  	v9 =	vld [tilespmem:s8+$0x5380];
	v7 =	vadd.s32 v10, v7  }
0x1ee: {  	v10 =	vld [tilespmem:s8+$0x5480];
	v7 =	vadd.s32 v11, v7  }
0x1ef: {  	v11 =	vld [tilespmem:s8+$0x5580];
	[tilespmem:s1+$0x0] =	vst v7  }
0x1f0: {  	v7 =	vadd.s32 v13, v12;
	v12 =	vld [tilespmem:s8+$0x5680]  }
0x1f1: {  	v7 =	vadd.s32 v8, v7;
	v8 =	vld [tilespmem:s8+$0x5780]  }
0x1f2: {  	v7 =	vadd.s32 v9, v7;
	v9 =	vld [tilespmem:s8+$0x5880]  }
0x1f3: {  	v7 =	vadd.s32 v10, v7;
	v10 =	vld [tilespmem:s8+$0x5980]  }
0x1f4: {  	v7 =	vadd.s32 v11, v7;
	v11 =	vld [tilespmem:s8+$0x5A80]  }
0x1f5: {  	v7 =	vadd.s32 v12, v7;
	v12 =	vld [tilespmem:s8+$0x5B80]  }
0x1f6: {  	v7 =	vadd.s32 v8, v7;
	v8 =	vld [tilespmem:s8+$0x5C80]  }
0x1f7: {  	v7 =	vadd.s32 v9, v7;
	v9 =	vld [tilespmem:s8+$0x5D80]  }
0x1f8: {  	v7 =	vadd.s32 v10, v7;
	v10 =	vld [tilespmem:s8+$0x5E80]  }
0x1f9: {  	v7 =	vadd.s32 v11, v7;
	v11 =	vld [tilespmem:s8+$0x5F80]  }
0x1fa: {  	v7 =	vadd.s32 v12, v7;
	v12 =	vld [tilespmem:s6+$0xFFFFF800]  }
0x1fb: {  	v7 =	vadd.s32 v8, v7;
	v8 =	vld [tilespmem:s6+$0xFFFFF900]  }
0x1fc: {  	v7 =	vadd.s32 v9, v7;
	v9 =	vld [tilespmem:s6+$0xFFFFFA00]  }
0x1fd: {  	v7 =	vadd.s32 v10, v7;
	v10 =	vld [tilespmem:s6+$0xFFFFFB00]  }
0x1fe: {  	s1 =	sadd.s32 $0x20, s1;
	v7 =	vadd.s32 v11, v7;
	v11 =	vld [tilespmem:s6+$0xFFFFFC00]  }
0x1ff: {  	[tilespmem:s1+$0xFFFFFFF0] =	vst v7;
	v7 =	vld [tilespmem:s6+$0xFFFFFD00]  }
0x200: {  	v8 =	vadd.s32 v12, v8;
	v12 =	vld [tilespmem:s6+$0xFFFFFE00]  }
0x201: {  	v8 =	vadd.s32 v9, v8;
	v9 =	vld [tilespmem:s6+$0xFFFFFF00]  }
0x202: {  	v8 =	vadd.s32 v10, v8;
	v10 =	vld [tilespmem:s6+$0x0]  }
0x203: {  	v8 =	vadd.s32 v11, v8;
	v11 =	vld [tilespmem:s6+$0x100]  }
0x204: {  	v7 =	vadd.s32 v7, v8;
	v13 =	vld [tilespmem:s6+$0x200]  }
.Ltmp16:
0x205: {  	v8 =	vadd.s32 v12, v7;
	v7 =	vld [tilespmem:s6+$0x300];
	(pc) =	sbr.rel @p2 .LBB2_27-.Ltmp16, $4  }
0x206: {  	v9 =	vadd.s32 v9, v8;
	v8 =	vld [tilespmem:s6+$0x400]  }
0x207: {  	v10 =	vadd.s32 v10, v9;
	v9 =	vld [tilespmem:s6+$0x500]  }
0x208: {  	v11 =	vadd.s32 v11, v10;
	v10 =	vld [tilespmem:s6+$0x600]  }
0x209: {  	s7 =	sadd.s32 $0x20, s7;
	v12 =	vadd.s32 v13, v11;
	v11 =	vld [tilespmem:s6+$0x700];
	s6 =	sadd.s32 $0x20, s6  }
0x20a: {  	v7 =	vadd.s32 v7, v12  }
0x20b: {  	v7 =	vadd.s32 v8, v7  }
0x20c: {  	v7 =	vadd.s32 v9, v7  }
0x20d: {  	v7 =	vadd.s32 v10, v7  }
0x20e: {  	v7 =	vadd.s32 v11, v7  }
0x20f: {  	s6 =	simm.s32 $0x60A0;
	[tilespmem:s1+$0x0] =	vst v7  }
0x210: {  	v10 =	vld [tilespmem:s6+$0x10]  }
0x211: {  	v7 =	vld [tilespmem:s6+$0xFFFFFFE0]  }
0x212: {  	v8 =	vld [tilespmem:s6+$0xFFFFFFF0];
	_ =	sdelay $0x2  }
0x213: {  	(xrf0) =	vadd.scan.msk.s32 $0xffff, v10  }
0x214: {  	(xrf0) =	vadd.scan.msk.s32 $0xffff, v7  }
0x215: {  	(xrf0) =	vadd.scan.msk.s32 $0xffff, v8;
	_ =	sdelay $0x3  }
0x216: {  	v9 =	vld [tilespmem:s6+$0x0];
	v12, _, _ =	vpop (xrf0)  }
0x217: {  	(v2sf) =	vpush v12, $0xF;
	v11, _, _ =	vpop (xrf0)  }
0x218: {  	(v2sf) =	vpush v11, $0xF;
	v13, _, _ =	vpop (xrf0)  }
0x219: {  	(v2sf) =	vpush v13, $0xF;
	_ =	sdelay $0x1  }
0x21a: {  	s7 =	simm.s32 $0x60E0;
	(xrf0) =	vadd.scan.msk.s32 $0xffff, v9  }
0x21b: {  	v14 =	vld [tilespmem:s7+$0x10];
	_ =	sdelay $0x4  }
0x21c: {  	s8 =	simm.s32 $0x0;
	(xrf0) =	vadd.scan.msk.s32 $0xffff, v14;
	v18, _, _ =	vpop (xrf0)  }
0x21d: {  	s3 =	ssub.s32 s0, s30;
	v19 =	vsub.s32 s8, v7;
	(v2sf) =	vpush v18, $0xF  }
0x21e: {  	v7 =	vmov s3;
	v11 =	vadd.s32 v11, v19  }
0x21f: {  	vm0 =	vle.s32 v11, v7  }
0x220: {  	v15 =	vld [tilespmem:s7+$0xFFFFFFE0];
	v11 =	vmpcnt.ones.xlane vm0  }
0x221: {  	v16 =	vld [tilespmem:s7+$0xFFFFFFF0];
	s9 =	spop (v2sf)  }
0x222: {  	v17 =	vld [tilespmem:s7+$0x0];
	v8 =	vsub.s32 v13, v8;
	v13, _, _ =	vpop (xrf0);
	s10 =	spop (v2sf);
	(v2sf) =	vpush v11, $0x0  }
0x223: {  	s6 =	spop (v2sf);
	(v2sf) =	vpush v13, $0xF;
	_ =	sdelay $0x1  }
0x224: {  	(xrf0) =	vadd.scan.msk.s32 $0xffff, v15  }
0x225: {  	(xrf0) =	vadd.scan.msk.s32 $0xffff, v16  }
0x226: {  	(xrf0) =	vadd.scan.msk.s32 $0xffff, v17;
	_ =	sdelay $0x2  }
0x227: {  	s3 =	sadd.s32 $0x0, s10  }
0x228: {  	v10 =	vsub.s32 v12, v10;
	v9 =	vsub.s32 v18, v9;
	v18, _, _ =	vpop (xrf0);
	v8 =	vadd.s32 s3, v8;
	s3 =	sadd.s32 s3, s6  }
0x229: {  	v19, _, _ =	vpop (xrf0);
	(v2sf) =	vpush v18, $0xF;
	s7 =	spop (v2sf);
	vm10 =	vle.s32 v8, v7;
	v8 =	vadd.s32 s3, v9  }
0x22a: {  	v20, _, _ =	vpop (xrf0);
	(v2sf) =	vpush v19, $0xF;
	s3 =	sadd.s32 s3, s7;
	v9 =	vmpcnt.ones.xlane vm10;
	vm11 =	vle.s32 v8, v7  }
0x22b: {  	s16 =	simm.s32 $0x6120;
	(v2sf) =	vpush v20, $0xF;
	s1 =	sadd.s32 s3, s9;
	v10 =	vadd.s32 s3, v10;
	v8 =	vmpcnt.ones.xlane vm11  }
0x22c: {  	v21 =	vld [tilespmem:s16+$0x10];
	v12 =	vsub.s32 s1, v15;
	vm12 =	vle.s32 v10, v7;
	(v2sf) =	vpush v9, $0x0  }
0x22d: {  	v12 =	vadd.s32 v18, v12;
	v10 =	vmpcnt.ones.xlane vm12;
	(v2sf) =	vpush v8, $0x0  }
0x22e: {  	vm13 =	vle.s32 v12, v7;
	s17 =	spop (v2sf)  }
0x22f: {  	v11 =	vld [tilespmem:s16+$0xFFFFFFE0];
	v12 =	vmpcnt.ones.xlane vm13;
	s6 =	spop (v2sf);
	(v2sf) =	vpush v10, $0x0  }
0x230: {  	v8 =	vld [tilespmem:s16+$0xFFFFFFF0]  }
0x231: {  	(xrf0) =	vadd.scan.msk.s32 $0xffff, v21;
	v9 =	vld [tilespmem:s16+$0x0];
	(v2sf) =	vpush v12, $0x0;
	_ =	sdelay $0x2  }
0x232: {  	(xrf0) =	vadd.scan.msk.s32 $0xffff, v11  }
0x233: {  	(xrf0) =	vadd.scan.msk.s32 $0xffff, v8  }
0x234: {  	(xrf0) =	vadd.scan.msk.s32 $0xffff, v9  }
0x235: {  	v12, _, _ =	vpop (xrf0)  }
0x236: {  	v18 =	vsub.s32 v13, v14;
	v13 =	vsub.s32 v19, v16;
	s9 =	spop (v2sf);
	(v2sf) =	vpush v12, $0xF  }
0x237: {  	v14 =	vsub.s32 v20, v17;
	s1 =	sadd.s32 s1, s9;
	s10 =	spop (v2sf)  }
0x238: {  	v10 =	vsub.s32 v12, v21;
	v12, _, _ =	vpop (xrf0);
	v15 =	vadd.s32 s1, v13;
	s7 =	sadd.s32 s1, s10;
	s8 =	spop (v2sf)  }
0x239: {  	s3 =	sadd.s32 $0x0, s17;
	s1 =	simm.s32 $0x8;
	(v2sf) =	vpush v12, $0xF;
	v13, _, _ =	vpop (xrf0);
	vm14 =	vle.s32 v15, v7;
	v16 =	vadd.s32 s7, v14;
	s9 =	spop (v2sf)  }
0x23a: {  	s7 =	sadd.s32 s7, s8;
	(v2sf) =	vpush v13, $0xF;
	v14, _, _ =	vpop (xrf0);
	v15 =	vmpcnt.ones.xlane vm14;
	vm15 =	vle.s32 v16, v7;
	s16 =	sadd.s32 s9, s3;
	s17 =	spop (v2sf)  }
0x23b: {  	s6 =	sadd.s32 s7, s6;
	(v2sf) =	vpush v14, $0xF;
	v17 =	vadd.s32 s7, v18;
	s3 =	simm.s32 $0x6160;
	v16 =	vmpcnt.ones.xlane vm15;
	s7 =	sadd.s32 s17, s16  }
.LBB2_29:
0x23c: {  	v18 =	vld [tilespmem:s3+$0x10];
	s1 =	sadd.s32 $0x4, s1;
	v11 =	vsub.s32 s6, v11;
	vm0 =	vle.s32 v17, v7;
	(v2sf) =	vpush v15, $0x0;
	s8 =	spop (v2sf)  }
0x23d: {  	p2 =	slt.u32 s1, $0xC;
	v11 =	vadd.s32 v12, v11;
	v12 =	vmpcnt.ones.xlane vm0;
	(v2sf) =	vpush v16, $0x0;
	s7 =	sadd.s32 s8, s7  }
0x23e: {  	v13 =	vsub.s32 v13, v8;
	v14 =	vsub.s32 v14, v9;
	vm0 =	vle.s32 v11, v7;
	s8 =	spop (v2sf)  }
0x23f: {  	v11 =	vld [tilespmem:s3+$0xFFFFFFE0];
	v15 =	vmpcnt.ones.xlane vm0;
	(v2sf) =	vpush v12, $0x0  }
0x240: {  	v8 =	vld [tilespmem:s3+$0xFFFFFFF0]  }
0x241: {  	v9 =	vld [tilespmem:s3+$0x0];
	(xrf0) =	vadd.scan.msk.s32 $0xffff, v18;
	(v2sf) =	vpush v15, $0x0;
	_ =	sdelay $0x2  }
0x242: {  	(xrf0) =	vadd.scan.msk.s32 $0xffff, v11  }
0x243: {  	(xrf0) =	vadd.scan.msk.s32 $0xffff, v8;
	s9 =	spop (v2sf)  }
0x244: {  	(xrf0) =	vadd.scan.msk.s32 $0xffff, v9  }
0x245: {  	v12, _, _ =	vpop (xrf0)  }
0x246: {  	v18 =	vsub.s32 v12, v18;
	(v2sf) =	vpush v12, $0xF;
	s10 =	spop (v2sf)  }
.Ltmp17:
0x247: {  	s6 =	sadd.s32 s6, s10;
	s10 =	spop (v2sf);
	(pc) =	sbr.rel @p2 .LBB2_29-.Ltmp17, $4  }
0x248: {  	v12, _, _ =	vpop (xrf0);
	v15 =	vadd.s32 s6, v13;
	s6 =	sadd.s32 s6, s10;
	s10 =	spop (v2sf)  }
0x249: {  	s7 =	sadd.s32 s7, s8;
	(v2sf) =	vpush v12, $0xF;
	v13, _, _ =	vpop (xrf0);
	vm0 =	vle.s32 v15, v7;
	v16 =	vadd.s32 s6, v14;
	s10 =	sadd.s32 s6, s10;
	s8 =	spop (v2sf)  }
0x24a: {  	(v2sf) =	vpush v13, $0xF;
	v14, _, _ =	vpop (xrf0);
	v15 =	vmpcnt.ones.xlane vm0;
	vm0 =	vle.s32 v16, v7;
	s6 =	sadd.s32 s10, s9;
	s7 =	sadd.s32 s8, s7;
	s8 =	spop (v2sf)  }
0x24b: {  	s3 =	sadd.s32 $0x40, s3;
	v17 =	vadd.s32 s10, v10;
	v10 =	vmovc v18;
	(v2sf) =	vpush v14, $0xF;
	v16 =	vmpcnt.ones.xlane vm0;
	s7 =	sadd.s32 s8, s7  }
0x24c: {  	_ =	sdelay $0x8  }
0x24d: {  	s1 =	spop (v2sf)  }
0x24e: {  	s3 =	spop (v2sf)  }
0x24f: {  	v11 =	vsub.s32 s6, v11;
	vm0 =	vle.s32 v17, v7;
	s8 =	spop (v2sf)  }
0x250: {  	v8 =	vsub.s32 v13, v8;
	v9 =	vsub.s32 v14, v9;
	v11 =	vadd.s32 v12, v11;
	s8 =	spop (v2sf)  }
0x251: {  	v12 =	vmpcnt.ones.xlane vm0;
	vm9 =	vle.s32 v11, v7;
	(v2sf) =	vpush v15, $0x0;
	s10 =	sadd.s32 s6, s8;
	s16 =	spop (v2sf)  }
0x252: {  	v11 =	vmpcnt.ones.xlane vm9;
	(v2sf) =	vpush v16, $0x0;
	v8 =	vadd.s32 s10, v8;
	s6 =	sadd.s32 s10, s16;
	s17 =	spop (v2sf)  }
0x253: {  	(v2sf) =	vpush v12, $0x0;
	vm10 =	vle.s32 v8, v7;
	v8 =	vadd.s32 s6, v9;
	s6 =	sadd.s32 s6, s17  }
0x254: {  	v9 =	vmpcnt.ones.xlane vm10;
	vm11 =	vle.s32 v8, v7;
	v8 =	vadd.s32 s6, v10  }
0x255: {  	(v2sf) =	vpush v11, $0x0;
	v10 =	vmpcnt.ones.xlane vm11;
	vm12 =	vle.s32 v8, v7  }
0x256: {  	(v2sf) =	vpush v9, $0x0;
	v7 =	vmpcnt.ones.xlane vm12  }
0x257: {  	(v2sf) =	vpush v10, $0x0  }
0x258: {  	(v2sf) =	vpush v7, $0x0;
	_ =	sdelay $0x7  }
0x259: {  	s1 =	sadd.s32 s1, s7  }
0x25a: {  	s1 =	sadd.s32 s1, s3;
	s9 =	spop (v2sf)  }
0x25b: {  	s1 =	sadd.s32 s9, s1;
	s10 =	spop (v2sf)  }
0x25c: {  	s1 =	sadd.s32 s10, s1;
	s16 =	spop (v2sf)  }
0x25d: {  	s1 =	sadd.s32 s16, s1;
	s17 =	spop (v2sf)  }
0x25e: {  	s1 =	sadd.s32 s1, s17;
	s6 =	spop (v2sf)  }
0x25f: {  	s1 =	sadd.s32 s6, s1;
	s7 =	spop (v2sf);
	s6 =	simm.s32 $0x60A0  }
0x260: {  	s1 =	sadd.s32 s7, s1;
	s8 =	spop (v2sf);
	v8 =	vld [tilespmem:s6+$0xFFFFFFE0]  }
0x261: {  	s10 =	simm.s32 $0x10;
	v16 =	vld [tilespmem:s6+$0x10];
	s1 =	sadd.s32 s8, s1  }
0x262: {  	v13 =	vimm.s32 $0x0;
	s9 =	simm.s32 $0x0;
	v14 =	vor.u32 s10, v0;
	s10 =	simm.s32 $0x60;
	v12 =	vld [tilespmem:s6+$0xFFFFFFF0];
	s1 =	sadd.s32 $0xFFFFFFFF, s1  }
0x263: {  	v9 =	vor.u32 s9, v0;
	s16 =	simm.s32 $0x20;
	s17 =	simm.s32 $0x30;
	v11 =	vor.u32 s10, v0;
	v15 =	vld [tilespmem:s6+$0x0];
	s6 =	simm.s32 $0x60E0;
	v7 =	vmov s1  }
0x264: {  	v17 =	vor.u32 s17, v0;
	s17 =	simm.s32 $0x40;
	v19 =	vld [tilespmem:s6+$0xFFFFFFE0];
	vm13 =	vgt.s32 v9, v7;
	v9 =	vor.u32 s16, v0  }
0x265: {  	s9 =	simm.s32 $0x50;
	vm14 =	vgt.s32 v14, v7;
	vm2 =	vgt.s32 v17, v7;
	v14 =	vor.u32 s17, v0  }
0x266: {  	s16 =	simm.s32 $0x70;
	v18 =	vsel vm13, $0x0, v8;
	v8 =	vor.u32 s9, v0;
	vm1 =	vgt.s32 v9, v7;
	v9 =	vld [tilespmem:s6+$0x10]  }
0x267: {  	v10 =	vor.u32 s16, v0;
	v17 =	vsel vm14, $0x0, v12;
	v13 =	vadd.s32 v13, v18  }
0x268: {  	vm15 =	vgt.s32 v14, v7;
	v12 =	vld [tilespmem:s6+$0xFFFFFFF0];
	v15 =	vsel vm1, $0x0, v15;
	v17 =	vadd.s32 v17, v13  }
0x269: {  	s3 =	simm.s32 $0x4;
	s7 =	simm.s32 $0x6120;
	v16 =	vsel vm2, $0x0, v16;
	v14 =	vsel vm15, $0x0, v19;
	v13 =	vld [tilespmem:s6+$0x0];
	s6 =	simm.s32 $0x80;
	v15 =	vadd.s32 v15, v17  }
.LBB2_31:
0x26a: {  	s8 =	sadd.s32 $0x10, s6;
	s3 =	sadd.s32 $0x4, s3  }
0x26b: {  	v17 =	vld [tilespmem:s7+$0xFFFFFFE0];
	s9 =	sadd.s32 $0x20, s6;
	s10 =	sadd.s32 $0x30, s6;
	v15 =	vadd.s32 v16, v15;
	v16 =	vmov v9;
	p2 =	slt.u32 s3, $0xC  }
.Ltmp18:
0x26c: {  	v18 =	vor.u32 s8, v0;
	v19 =	vor.u32 s9, v0;
	v9 =	vld [tilespmem:s7+$0x10];
	v20 =	vor.u32 s10, v0;
	(pc) =	sbr.rel @p2 .LBB2_31-.Ltmp18, $4  }
0x26d: {  	vm0 =	vgt.s32 v8, v7;
	vm1 =	vgt.s32 v11, v7;
	vm2 =	vgt.s32 v10, v7;
	v8 =	vmovc v18  }
0x26e: {  	v14 =	vadd.s32 v15, v14;
	v18 =	vor.u32 s6, v0;
	v11 =	vmovc v19;
	v10 =	vmovc v20;
	v15 =	vsel vm0, $0x0, v12  }
0x26f: {  	vm0 =	vgt.s32 v18, v7;
	v12 =	vld [tilespmem:s7+$0xFFFFFFF0];
	v15 =	vadd.s32 v15, v14;
	v18 =	vsel vm1, $0x0, v13  }
0x270: {  	v16 =	vsel vm2, $0x0, v16;
	s6 =	sadd.s32 $0x40, s6;
	v14 =	vsel vm0, $0x0, v17;
	v13 =	vld [tilespmem:s7+$0x0];
	s7 =	sadd.s32 $0x40, s7;
	v15 =	vadd.s32 v18, v15  }
0x271: {  	_ =	sdelay $0x1  }
0x272: {  	v15 =	vadd.s32 v16, v15;
	vm0 =	vgt.s32 v8, v7  }
0x273: {  	vm1 =	vgt.s32 v11, v7;
	v8 =	vadd.s32 v15, v14;
	v62 =	vsel vm0, $0x0, v12  }
0x274: {  	vm15 =	vgt.s32 v10, v7;
	v8 =	vadd.s32 v62, v8;
	v63 =	vsel vm1, $0x0, v13  }
0x275: {  	v9 =	vsel vm15, $0x0, v9;
	v8 =	vadd.s32 v63, v8  }
0x276: {  	v8 =	vadd.s32 v9, v8  }
0x277: {  	(xrf0) =	vadd.scan.msk.s32 $0xffff, v8;
	_ =	sdelay $0x5  }
0x278: {  	v8, _, _ =	vpop (xrf0)  }
0x279: {  	(v2sf) =	vpush v8, $0xF;
	_ =	sdelay $0xa  }
.Ltmp19:
0x27a: {  	_ = 	snop;
	(pc) =	sbr.rel @p1 .LBB2_33-.Ltmp19, $2  }
0x27b: {  	_ =	sdelay $0x2  }
0x27c: {  	s9 =	spop (v2sf)  }
0x27d: {  	p5 =	sgt.s32 s29, $0x2  }
.Ltmp20:
0x27e: {  	_ = 	snop;
	(pc) =	sbr.rel @!p5 .LBB2_38-.Ltmp20, $4  }
0x27f: {  	_ = 	snop  }
0x280: {  	s6 =	simm.s32 $0x6190  }
0x281: {  	s3 =	simm.s32 $0x0;
	p1 =	por $0x0, $0x0;
	v11 =	vld [tilespmem:s6+$0xFFFFFFF0]  }
0x282: {  	p2 =	por $0x0, $0x0;
	p3 =	por $0x0, $0x0;
	p4 =	por $0x0, $0x0;
	v10 =	vld [tilespmem:s6+$0x0]  }
0x283: {  	_ = 	snop  }
0x284: {  	p5 =	sgt.s32 s29, $0x4  }
.Ltmp21:
0x285: {  	_ = 	snop;
	(pc) =	sbr.rel @!p5 .LBB2_40-.Ltmp21, $4  }
0x286: {  	v8 =	vshrl.u32 v11, $0x10  }
0x287: {  	s6 =	simm.s32 $0x61B0;
	v8 =	vand.u32 $0xFF, v8;
	v9 =	vshrl.u32 v10, $0x10  }
0x288: {  	v13 =	vld [tilespmem:s6+$0xFFFFFFF0];
	vm1 =	veq.s32 v8, v7;
	v8 =	vand.u32 $0xFF, v9  }
0x289: {  	p1 =	por $0x1, $0x1;
	v12 =	vld [tilespmem:s6+$0x0];
	v16 =	vmpcnt.ones.xlane vm1;
	vm0 =	veq.s32 v8, v7  }
0x28a: {  	_ = 	snop  }
0x28b: {  	v9 =	vmpcnt.ones.xlane vm0;
	p5 =	sgt.s32 s29, $0x6  }
.Ltmp22:
0x28c: {  	s6 =	simm.s32 $0x61D0;
	(v2sf) =	vpush v16, $0x0;
	(pc) =	sbr.rel @!p5 .LBB2_42-.Ltmp22, $4  }
0x28d: {  	(v2sf) =	vpush v9, $0x0;
	v9 =	vld [tilespmem:s6+$0x0];
	v8 =	vshrl.u32 v13, $0x10  }
0x28e: {  	v14 =	vand.u32 $0xFF, v8;
	v15 =	vshrl.u32 v12, $0x10;
	v8 =	vld [tilespmem:s6+$0xFFFFFFF0]  }
0x28f: {  	vm4 =	vmmov vm1;
	vm1 =	veq.s32 v14, v7;
	v14 =	vand.u32 $0xFF, v15  }
0x290: {  	vm9 =	vmmov vm0;
	p2 =	por $0x1, $0x1;
	v16 =	vmpcnt.ones.xlane vm1;
	vm0 =	veq.s32 v14, v7  }
0x291: {  	v14 =	vmpcnt.ones.xlane vm0  }
0x292: {  	(v2sf) =	vpush v16, $0x0  }
0x293: {  	(v2sf) =	vpush v14, $0x0;
	_ =	sdelay $0x2  }
0x294: {  	p5 =	sgt.s32 s29, $0x8  }
.Ltmp23:
0x295: {  	s6 =	simm.s32 $0x61F0;
	(pc) =	sbr.rel @!p5 .LBB2_44-.Ltmp23, $4  }
0x296: {  	vm3 =	vmmov vm4;
	v23 =	vld [tilespmem:s6+$0x0];
	v15 =	vshrl.u32 v8, $0x10  }
0x297: {  	vm6 =	vmmov vm1;
	v22 =	vld [tilespmem:s6+$0xFFFFFFF0];
	v14 =	vand.u32 $0xFF, v15;
	v15 =	vshrl.u32 v9, $0x10  }
0x298: {  	vm8 =	vmmov vm0;
	vm1 =	veq.s32 v14, v7;
	v14 =	vand.u32 $0xFF, v15  }
0x299: {  	vm5 =	vmmov vm9;
	p3 =	por $0x1, $0x1;
	v16 =	vmpcnt.ones.xlane vm1;
	vm0 =	veq.s32 v14, v7  }
0x29a: {  	v14 =	vmpcnt.ones.xlane vm0  }
0x29b: {  	(v2sf) =	vpush v16, $0x0  }
0x29c: {  	(v2sf) =	vpush v14, $0x0;
	_ =	sdelay $0x2  }
0x29d: {  	p5 =	sgt.s32 s29, $0xA;
	v15 =	vshrl.u32 v22, $0x10  }
.Ltmp24:
0x29e: {  	v14 =	vand.u32 $0xFF, v15;
	v15 =	vshrl.u32 v23, $0x10;
	(pc) =	sbr.rel @!p5 .LBB2_46-.Ltmp24, $4  }
0x29f: {  	vm4 =	vmmov vm1;
	vm1 =	veq.s32 v14, v7;
	v14 =	vand.u32 $0xFF, v15  }
0x2a0: {  	vm2 =	vmmov vm5;
	s8 =	simm.s32 $0x6210  }
0x2a1: {  	vm7 =	vmmov vm6;
	s10 =	simm.s32 $0xA;
	vm9 =	vmmov vm0;
	s6 =	spop (v2sf);
	vm10 =	vmmov vm8;
	v24 =	vld [tilespmem:s8+$0xFFFFFFF0]  }
0x2a2: {  	[tilespmem:s3+$0x7200] =	vst.msk vm3, v11;
	p4 =	por $0x1, $0x1;
	v17 =	vmovc v12;
	v25 =	vld [tilespmem:s8+$0x0];
	s6 =	sadd.s32 $0x0, s6;
	s7 =	spop (v2sf);
	v16 =	vmpcnt.ones.xlane vm1;
	vm0 =	veq.s32 v14, v7;
	v15 =	vmovc v13;
	v14 =	vmov v10  }
.LBB2_47:
0x2a3: {  	s10 =	sadd.s32 $0x2, s10  }
0x2a4: {  	v18 =	vmpcnt.ones.xlane vm0;
	[tilespmem:s6+$0x7200] =	vst.msk vm2, v14;
	s6 =	sadd.s32 s6, s7;
	v14 =	vmovc v17;
	v17 =	vmovc v9;
	v9 =	vmov v23;
	vm2 =	vmmov vm10;
	p5 =	slt.s32 s10, s29  }
.Ltmp25:
0x2a5: {  	(v2sf) =	vpush v16, $0x0;
	[tilespmem:s6+$0x7200] =	vst.msk vm7, v15;
	v15 =	vmovc v8;
	v8 =	vmovc v22;
	vm7 =	vmmov vm4;
	vm4 =	vmmov vm1;
	(pc) =	sbr.rel @p5 .LBB2_47-.Ltmp25, $4  }
0x2a6: {  	s8 =	sadd.s32 $0x20, s8;
	vm10 =	vmmov vm9;
	v16 =	vshrl.u32 v24, $0x10;
	(v2sf) =	vpush v18, $0x0;
	v22 =	vmovc v24  }
0x2a7: {  	vm9 =	vmmov vm0;
	v24 =	vld [tilespmem:s8+$0xFFFFFFF0];
	v16 =	vand.u32 $0xFF, v16;
	v18 =	vshrl.u32 v25, $0x10;
	v23 =	vmovc v25  }
0x2a8: {  	v25 =	vld [tilespmem:s8+$0x0];
	vm1 =	veq.s32 v16, v7;
	v18 =	vand.u32 $0xFF, v18;
	s7 =	spop (v2sf)  }
0x2a9: {  	v16 =	vmpcnt.ones.xlane vm1;
	vm0 =	veq.s32 v18, v7;
	s6 =	sadd.s32 s6, s7;
	s7 =	spop (v2sf)  }
0x2aa: {  	_ =	sdelay $0x1  }
0x2ab: {  	v20 =	vmov v9  }
0x2ac: {  	v21 =	vmovc v8;
	v18 =	vmovc v23;
	v19 =	vmov v22;
	v8 =	vmov v24;
	v9 =	vmov v25  }
.LBB2_49:
0x2ad: {  	v22 =	vmpcnt.ones.xlane @p1 vm0;
	v23 =	vshrl.u32 v8, $0x10  }
0x2ae: {  	(v2sf) =	vpush @p1 v16, $0x0;
	v61 =	vshrl.u32 v9, $0x10;
	v60 =	vand.u32 $0xFF, v23  }
0x2af: {  	v62 =	vand.u32 $0xFF, v61;
	(v2sf) =	vpush @p1 v22, $0x0;
	vm12 =	veq.s32 v60, v7  }
0x2b0: {  	vm11 =	veq.s32 v62, v7;
	v63 =	vmpcnt.ones.xlane vm12  }
0x2b1: {  	v16 =	vmpcnt.ones.xlane vm11  }
0x2b2: {  	(v2sf) =	vpush v63, $0x0  }
0x2b3: {  	(v2sf) =	vpush v16, $0x0  }
0x2b4: {  	s7 =	sadd.s32 @p4 s6, s7;
	s8 =	simm.s32 $0x0  }
0x2b5: {  	s10 =	spop @p3 (v2sf);
	s8 =	smov.u32 @p4 s7  }
0x2b6: {  	s7 =	spop @p3 (v2sf);
	s10 =	sadd.s32 @p3 s8, s10  }
0x2b7: {  	vm9 =	vmmov @p2 vm9;
	vm4 =	vmmov @p2 vm4;
	vm1 =	vmmov @p1 vm1;
	s7 =	smov.u32 @p3 s7;
	s10 =	smov.u32 @p3 s10  }
0x2b8: {  	s16 =	simm.s32 $0x0;
	vm0 =	vmmov @p1 vm0;
	v12 =	vpsel p1, v18, v12;
	s7 =	sadd.s32 @p3 s10, s7;
	v16 =	vmovc @p3 v17;
	v17 =	vmovc @p2 v20;
	v20 =	vmov @p2 v21  }
0x2b9: {  	v13 =	vpsel p1, v19, v13;
	vm5 =	vmmov @p2 vm9;
	s16 =	smov.u32 @p3 s7;
	s7 =	spop @p2 (v2sf);
	v11 =	vpsel p2, v20, v11  }
0x2ba: {  	[tilespmem:s6+$0x7200] =	vst.msk @p4 vm2, v14;
	vm9 =	vmmov @p3 vm10;
	vm3 =	vmmov @p2 vm4;
	vm6 =	vmmov @p1 vm1;
	s7 =	sadd.s32 @p2 s16, s7;
	s17 =	spop @p2 (v2sf)  }
0x2bb: {  	vm8 =	vmmov @p1 vm0;
	v12 =	vpsel p1, v12, v0;
	vm9 =	vmmov @p3 vm9;
	[tilespmem:s8+$0x7200] =	vst.msk @p3 vm7, v15;
	s6 =	smov.u32 @p2 s7;
	s7 =	smov.u32 @p2 s17  }
0x2bc: {  	vm0 =	vmmov @p2 vm5;
	vm1 =	vmmov @p1 vm6;
	s8 =	simm.s32 $0x0;
	vm4 =	vmmov @p1 vm8;
	s7 =	sadd.s32 @p2 s6, s7;
	[tilespmem:s16+$0x7200] =	vst.msk @p2 vm3, v11;
	v11 =	vmovc @p1 v13  }
0x2bd: {  	vm14 =	vmmov vm12;
	v16 =	vpsel p3, v16, v0;
	v10 =	vpsel p2, v17, v10;
	s8 =	smov.u32 @p2 s7;
	s7 =	spop @p1 (v2sf)  }
0x2be: {  	vm0 =	vmmov @p2 vm0;
	[tilespmem:s10+$0x7200] =	vst.msk @p3 vm9, v16;
	v10 =	vpsel p2, v10, v0;
	vm3 =	vmmov @p1 vm4;
	s7 =	sadd.s32 @p1 s8, s7;
	s10 =	spop @p1 (v2sf)  }
.Ltmp26:
0x2bf: {  	[tilespmem:s6+$0x7200] =	vst.msk @p2 vm0, v10;
	vm0 =	vmmov @p1 vm1;
	vm1 =	vmmov @p1 vm3;
	v10 =	vpsel p1, v11, v0;
	v11 =	vmovc @p1 v12;
	s6 =	smov.u32 @p1 s7;
	s7 =	smov.u32 @p1 s10;
	(pc) =	sbr.rel .LBB2_34-.Ltmp26, $4  }
0x2c0: {  	vm15 =	vmmov vm11;
	vm1 =	vmmov @p1 vm1;
	[tilespmem:s8+$0x7200] =	vst.msk @p1 vm0, v10;
	v10 =	vpsel p1, v11, v0;
	s7 =	sadd.s32 @p1 s6, s7  }
0x2c1: {  	vm2 =	vmmov vm14;
	vm0 =	vmmov vm15;
	[tilespmem:s6+$0x7200] =	vst.msk @p1 vm1, v10;
	s3 =	smov.u32 @p1 s7;
	s16 =	spop (v2sf)  }
0x2c2: {  	vm0 =	vmmov vm0;
	[tilespmem:s3+$0x7200] =	vst.msk vm2, v8;
	s3 =	sadd.s32 s3, s16;
	s17 =	spop (v2sf)  }
0x2c3: {  	[tilespmem:s3+$0x7200] =	vst.msk vm0, v9;
	s6 =	sadd.s32 s3, s17  }
.LBB2_33:
0x2c4: {  	s6 =	simm.s32 $0x0  }
.LBB2_34:
0x2c5: {  	p1 =	slt.s32 s31, $0x1  }
0x2c6: {  	s3 =	sshll.u32 @!p1 s29, $0x6  }
0x2c7: {  	s3 =	sshra.s32 @!p1 s3, $0x2  }
0x2c8: {  	v8 =	vld @!p1 [tilespmem:s3+$0x6180];
	_ =	sdelay $0x4  }
0x2c9: {  	v9 =	vshrl.u32 @!p1 v8, $0x10  }
0x2ca: {  	v9 =	vand.u32 @!p1 $0xFF, v9  }
0x2cb: {  	vm0 =	veq.s32 @!p1 v9, v7  }
0x2cc: {  	v7 =	vmpcnt.ones.xlane @!p1 vm0;
	_ =	sdelay $0x1  }
0x2cd: {  	(v2sf) =	vpush @!p1 v7, $0x0;
	_ =	sdelay $0xe  }
0x2ce: {  	s3 =	spop @!p1 (v2sf)  }
0x2cf: {  	s7 =	sadd.s32 @!p1 s6, s3  }
0x2d0: {  	s7 =	smov.u32 @p1 s6  }
0x2d1: {  	s0 =	ssub.s32 s0, s9;
	[tilespmem:s6+$0x7200] =	vst.msk @!p1 vm0, v8;
	s6 =	sadd.s32 $0xF, s7  }
0x2d2: {  	s3 =	ssub.s32 s30, s0;
	s8 =	sand.u32 $0xF, s6  }
0x2d3: {  	s30 =	sshra.s32 s6, $0x1F;
	p2 =	slt.s32 s6, $0x1;
	p6 =	sne.s32 s8, $0x0  }
.Ltmp27:
0x2d4: {  	s8 =	sshrl.u32 s30, $0x1C;
	p1 =	por !p2, !p6;
	(pc) =	sbr.rel .LBB2_35-.Ltmp27, $4  }
0x2d5: {  	s6 =	sadd.s32 s8, s6;
	s8 =	simm.s32 $0x1;
	p1 =	por !p1, !p1  }
0x2d6: {  	s6 =	sshra.s32 s6, $0x4;
	s8 =	simm.s32 @!p1 $0x0  }
0x2d7: {  	s31 =	sshll.u32 s26, $0x18;
	s1 =	sshll.u32 s1, $0x10;
	s6 =	ssub.s32 s6, s8  }
0x2d8: {  	[tilespmem:s7+$0x7200] =	vst v4;
	s7 =	sor.u32 s31, s1;
	s1 =	simm.s32 $0x0;
	p1 =	slt.s32 s6, $0x1  }
.LBB2_36:
0x2d9: {  	v7 =	vimm.s32 $0x0  }
.LBB2_53:
0x2da: {  	(xrf0) =	vadd.scan.msk.s32 $0xffff, v7;
	_ =	sdelay $0x5  }
0x2db: {  	v7, _, _ =	vpop (xrf0)  }
0x2dc: {  	(v2sf) =	vpush v7, $0xF;
	_ =	sdelay $0xe  }
0x2dd: {  	s9 =	spop (v2sf)  }
0x2de: {  	s1 =	sadd.s32 $0x1, s1;
	p2 =	slt.s32 s9, s3  }
0x2df: {  	s8 =	smov.u32 @p2 s7;
	p2 =	sne.s32 s1, $0x10  }
.Ltmp28:
0x2e0: {  	_ = 	snop;
	(pc) =	sbr.rel @!p2 .LBB2_54-.Ltmp28, $2  }
0x2e1: {  	_ =	sdelay $0x2  }
0x2e2: {  	s7 =	smov.u32 s8  }
.LBB2_35:
.Ltmp29:
0x2e3: {  	(pc) =	sbr.rel @p1 .LBB2_36-.Ltmp29, $3  }
0x2e4: {  	_ =	sdelay $0x1  }
0x2e5: {  	s8 =	sshrl.u32 s15, s1  }
0x2e6: {  	s8 =	sor.u32 s8, s7  }
0x2e7: {  	s9 =	simm.s32 $0x7200  }
0x2e8: {  	p2 =	sne.s32 s6, $0x1;
	v9 =	vld [tilespmem:s9+$0x0]  }
.Ltmp30:
0x2e9: {  	_ = 	snop;
	(pc) =	sbr.rel @!p2 .LBB2_52-.Ltmp30, $4  }
0x2ea: {  	_ = 	snop  }
0x2eb: {  	s31 =	sxor.u32 $0x80000000, s8  }
0x2ec: {  	v8 =	vmov s31  }
0x2ed: {  	v7 =	vimm.s32 $0x0;
	s10 =	simm.s32 $0x7210;
	s9 =	sadd.s32 $0xFFFFFFFF, s6;
	vm0 =	vge.s32 v9, v8  }
.LBB2_51:
0x2ee: {  	v9 =	vld [tilespmem:s10+$0x0];
	p2 =	sne.s32 s9, $0x1;
	s9 =	sadd.s32 $0xFFFFFFFF, s9;
	v10 =	vsel vm0, $0x1, v1  }
.Ltmp31:
0x2ef: {  	v7 =	vadd.s32 v10, v7;
	(pc) =	sbr.rel @p2 .LBB2_51-.Ltmp31, $2  }
0x2f0: {  	_ =	sdelay $0x2  }
0x2f1: {  	s10 =	sadd.s32 $0x10, s10;
	vm0 =	vge.s32 v9, v8  }
.LBB2_52:
.Ltmp32:
0x2f2: {  	(pc) =	sbr.rel .LBB2_53-.Ltmp32, $3  }
0x2f3: {  	_ =	sdelay $0x1  }
0x2f4: {  	v8 =	vsel vm0, $0x1, v1  }
0x2f5: {  	v7 =	vadd.s32 v8, v7  }
.LBB2_54:
.Ltmp33:
0x2f6: {  	(pc) =	sbr.rel @p1 .LBB2_55-.Ltmp33, $3  }
0x2f7: {  	_ =	sdelay $0x1  }
0x2f8: {  	s1 =	sxor.u32 $0x80000000, s8  }
0x2f9: {  	v7 =	vmov s1  }
0x2fa: {  	s1 =	simm.s32 $0x7200  }
0x2fb: {  	p1 =	sne.s32 s6, $0x1;
	v9 =	vld [tilespmem:s1+$0x0]  }
.Ltmp34:
0x2fc: {  	_ = 	snop;
	(pc) =	sbr.rel @!p1 .LBB2_58-.Ltmp34, $3  }
0x2fd: {  	_ =	sdelay $0x1  }
0x2fe: {  	v8 =	vimm.s32 $0x0  }
0x2ff: {  	s3 =	simm.s32 $0x7210;
	s1 =	sadd.s32 $0xFFFFFFFF, s6;
	vm0 =	vgt.s32 v9, v7;
	vm1 =	veq.s32 v9, v7;
	v9 =	vimm.s32 $0x0  }
.LBB2_57:
0x300: {  	v10 =	vld [tilespmem:s3+$0x0];
	p1 =	sne.s32 s1, $0x1;
	s1 =	sadd.s32 $0xFFFFFFFF, s1;
	v11 =	vsel vm0, $0x1, v1;
	v12 =	vsel vm1, $0x1, v1  }
.Ltmp35:
0x301: {  	v8 =	vadd.s32 v11, v8;
	v9 =	vadd.s32 v12, v9;
	(pc) =	sbr.rel @p1 .LBB2_57-.Ltmp35, $2  }
0x302: {  	_ =	sdelay $0x2  }
0x303: {  	s3 =	sadd.s32 $0x10, s3;
	vm0 =	vgt.s32 v10, v7;
	vm1 =	veq.s32 v10, v7  }
.LBB2_58:
.Ltmp36:
0x304: {  	(pc) =	sbr.rel .LBB2_59-.Ltmp36, $3  }
0x305: {  	_ =	sdelay $0x1  }
0x306: {  	v10 =	vsel vm0, $0x1, v1;
	v11 =	vsel vm1, $0x1, v1  }
0x307: {  	v8 =	vadd.s32 v10, v8;
	v9 =	vadd.s32 v11, v9  }
.LBB2_55:
0x308: {  	v8 =	vimm.s32 $0x0;
	v9 =	vimm.s32 $0x0  }
.LBB2_59:
0x309: {  	(xrf0) =	vadd.scan.msk.s32 $0xffff, v8  }
0x30a: {  	(xrf0) =	vadd.scan.msk.s32 $0xffff, v9;
	_ =	sdelay $0x4  }
0x30b: {  	v8, _, _ =	vpop (xrf0)  }
0x30c: {  	(v2sf) =	vpush v8, $0xF;
	v8, _, _ =	vpop (xrf0)  }
0x30d: {  	(v2sf) =	vpush v8, $0xF;
	_ =	sdelay $0xd  }
0x30e: {  	p1 =	seq.s32 s23, $0x0;
	s6 =	spop (v2sf)  }
0x30f: {  	s1 =	simm.s32 @!p1 $0x2;
	s3 =	spop (v2sf)  }
0x310: {  	_ =	swait.ge @!p1 [sflag:s1], $0x1000  }
0x311: {  	[sflag:s1] =	ssyncset.done @!p1 $0x0  }
0x312: {  	s8 =	simm.s32 $0x2040;
	[sflag:s1] =	ssyncadd.s32 @!p1 $0xFFFFF000  }
0x313: {  	v9 =	vld [tilespmem:s8+$0x30]  }
0x314: {  	v11 =	vld [tilespmem:s8+$0xFFFFFFD0]  }
0x315: {  	v14 =	vld [tilespmem:s8+$0xFFFFFFE0]  }
0x316: {  	v12 =	vld [tilespmem:s8+$0xFFFFFFF0]  }
0x317: {  	v10 =	vld [tilespmem:s8+$0x0]  }
0x318: {  	v8 =	vld [tilespmem:s8+$0x10];
	vm0 =	vlt.s32 v9, v7  }
0x319: {  	vm1 =	vlt.s32 v11, v7;
	v9 =	vld [tilespmem:s8+$0x20];
	v15 =	vsel vm0, $0x0, v6  }
0x31a: {  	s7 =	simm.s32 $0x0;
	s1 =	sadd.s32 $0x3000, s24;
	v11 =	vld [tilespmem:s8+$0xFFFFFFC0];
	s8 =	simm.s32 $0x20C0;
	v13 =	vsel vm1, $0x0, v6;
	vm0 =	vlt.s32 v14, v7;
	[tilespmem:s22+$0x30] =	vst v15  }
.LBB2_60:
0x31b: {  	v14 =	vld [tilespmem:s8+$0x30];
	s7 =	sadd.s32 $0x8, s7;
	[tilespmem:s22+$0xFFFFFFD0] =	vst v13;
	v13 =	vsel vm0, $0x0, v6;
	vm0 =	vlt.s32 v12, v7  }
0x31c: {  	v15 =	vld [tilespmem:s8+$0xFFFFFFD0];
	p1 =	slt.u32 s7, $0xF8;
	[tilespmem:s22+$0xFFFFFFE0] =	vst v13;
	v12 =	vsel vm0, $0x0, v6;
	vm0 =	vlt.s32 v10, v7  }
0x31d: {  	v16 =	vld [tilespmem:s8+$0xFFFFFFE0];
	[tilespmem:s22+$0xFFFFFFF0] =	vst v12;
	v10 =	vsel vm0, $0x0, v6;
	vm0 =	vlt.s32 v8, v7  }
.Ltmp37:
0x31e: {  	v12 =	vld [tilespmem:s8+$0xFFFFFFF0];
	[tilespmem:s22+$0x0] =	vst v10;
	v8 =	vsel vm0, $0x0, v6;
	vm0 =	vlt.s32 v9, v7;
	(pc) =	sbr.rel @p1 .LBB2_60-.Ltmp37, $4  }
0x31f: {  	v10 =	vld [tilespmem:s8+$0x0];
	vm1 =	vlt.s32 v11, v7;
	[tilespmem:s22+$0x10] =	vst v8;
	v9 =	vsel vm0, $0x0, v6  }
0x320: {  	v8 =	vld [tilespmem:s8+$0x10];
	vm0 =	vlt.s32 v14, v7;
	v11 =	vsel vm1, $0x0, v6;
	[tilespmem:s22+$0x20] =	vst v9  }
0x321: {  	vm1 =	vlt.s32 v15, v7;
	v9 =	vld [tilespmem:s8+$0x20];
	v14 =	vsel vm0, $0x0, v6;
	[tilespmem:s22+$0xFFFFFFC0] =	vst v11;
	s22 =	sadd.s32 $0x80, s22  }
0x322: {  	v11 =	vld [tilespmem:s8+$0xFFFFFFC0];
	v13 =	vsel vm1, $0x0, v6;
	vm0 =	vlt.s32 v16, v7;
	[tilespmem:s22+$0x30] =	vst v14;
	s8 =	sadd.s32 $0x80, s8  }
0x323: {  	s7 =	ssub.s32 s28, s25  }
0x324: {  	s0 =	sadd.s32 s0, s7  }
0x325: {  	s0 =	sadd.s32 s6, s0  }
0x326: {  	[tilespmem:s22+$0xFFFFFFD0] =	vst v13;
	v62 =	vsel vm0, $0x0, v6;
	vm12 =	vlt.s32 v12, v7;
	s0 =	sadd.s32 s3, s0  }
0x327: {  	[tilespmem:s22+$0xFFFFFFE0] =	vst v62;
	v12 =	vsel vm12, $0x0, v6;
	vm13 =	vlt.s32 v10, v7;
	p1 =	slt.s32 s0, $0x1  }
.Ltmp38:
0x328: {  	[tilespmem:s22+$0xFFFFFFF0] =	vst v12;
	v10 =	vsel vm13, $0x0, v6;
	vm14 =	vlt.s32 v8, v7;
	(pc) =	sbr.rel @p1 .LBB2_63-.Ltmp38, $4  }
0x329: {  	[tilespmem:s22+$0x0] =	vst v10;
	v8 =	vsel vm14, $0x0, v6;
	vm15 =	vlt.s32 v9, v7  }
0x32a: {  	vm1 =	vlt.s32 v11, v7;
	[tilespmem:s22+$0x10] =	vst v8;
	v8 =	vsel vm15, $0x0, v6  }
0x32b: {  	v63 =	vsel vm1, $0x0, v6;
	[tilespmem:s22+$0x20] =	vst v8  }
0x32c: {  	s3 =	simm.s32 $0x2FF0;
	[tilespmem:s22+$0xFFFFFFC0] =	vst v63  }
.LBB2_62:
0x32d: {  	v8 =	vld [tilespmem:s3+$0x0];
	_ =	sdelay $0x4  }
0x32e: {  	vm0 =	veq.s32 v8, v7  }
0x32f: {  	v8 =	vmpcnt.ones.xlane vm0;
	_ =	sdelay $0x1  }
0x330: {  	(v2sf) =	vpush v8, $0x0;
	_ =	sdelay $0x8  }
0x331: {  	v8 =	vsel vm0, $0x1, v1  }
0x332: {  	(xrf0) =	vadd.scan.msk.s32 $0xffff, v8;
	_ =	sdelay $0x4  }
0x333: {  	s6 =	spop (v2sf)  }
0x334: {  	v9, _, _ =	vpop (xrf0);
	s7 =	ssub.s32 s6, s0  }
0x335: {  	p1 =	slt.s32 s6, s0;
	vm1 =	vgt.s32 v9, s7;
	s7 =	smov.u32 s0  }
0x336: {  	s7 =	smov.u32 @p1 s6  }
0x337: {  	v8 =	vld [tilespmem:s19+$0x0];
	s0 =	ssub.s32 s0, s7  }
0x338: {  	p1 =	sgt.s32 s0, $0x0  }
.Ltmp39:
0x339: {  	_ = 	snop;
	(pc) =	sbr.rel @p1 .LBB2_62-.Ltmp39, $4  }
0x33a: {  	_ = 	snop  }
0x33b: {  	vm0 =	vmand vm0, vm1  }
0x33c: {  	v8 =	vsel vm0, $0x0, v8  }
0x33d: {  	s3 =	sadd.s32 $0xFFFFFFF0, s3;
	[tilespmem:s19+$0x0] =	vst v8;
	s19 =	sadd.s32 $0xFFFFFFF0, s19  }
.Ltmp40:
0x33e: {  	_ = 	snop;
	(pc) =	sbr.rel .LBB2_63-.Ltmp40, $1  }
0x33f: {  	_ =	sdelay $0x3  }
.LBB2_18:
.Ltmp41:
0x340: {  	(pc) =	sbr.rel .LBB2_25-.Ltmp41, $2  }
0x341: {  	_ =	sdelay $0x2  }
0x342: {  	v11 =	vmov v12  }
.LBB2_38:
.Ltmp42:
0x343: {  	_ = 	snop;
	(pc) =	sbr.rel .LBB2_49-.Ltmp42, $2  }
0x344: {  	_ =	sdelay $0x2  }
0x345: {  	v8 =	vmov v11;
	v9 =	vmov v10  }
.LBB2_20:
.Ltmp43:
0x346: {  	(pc) =	sbr.rel .LBB2_25-.Ltmp43, $2  }
0x347: {  	_ =	sdelay $0x2  }
0x348: {  	_ = 	snop  }
.LBB2_40:
.Ltmp44:
0x349: {  	_ = 	snop;
	(pc) =	sbr.rel .LBB2_49-.Ltmp44, $2  }
0x34a: {  	_ =	sdelay $0x2  }
0x34b: {  	v18 =	vmovc v10;
	v19 =	vmov v11;
	v8 =	vmov v13;
	v9 =	vmov v12  }
.LBB2_22:
.Ltmp45:
0x34c: {  	(pc) =	sbr.rel .LBB2_25-.Ltmp45, $2  }
0x34d: {  	_ =	sdelay $0x2  }
0x34e: {  	v11 =	vmov v12  }
.LBB2_42:
.Ltmp46:
0x34f: {  	(pc) =	sbr.rel .LBB2_49-.Ltmp46, $2  }
0x350: {  	_ =	sdelay $0x2  }
0x351: {  	v20 =	vmovc v10;
	v18 =	vmov v12;
	v21 =	vmov v11;
	v19 =	vmov v13  }
.LBB2_44:
.Ltmp47:
0x352: {  	(pc) =	sbr.rel .LBB2_49-.Ltmp47, $4  }
0x353: {  	_ = 	snop  }
0x354: {  	v18 =	vmov v9;
	v19 =	vmov v8  }
0x355: {  	v17 =	vmovc v10;
	v20 =	vmovc v12;
	vm10 =	vmmov vm5;
	v15 =	vmov v11;
	vm7 =	vmmov vm3  }
0x356: {  	v21 =	vmovc v13;
	vm4 =	vmmov vm6;
	vm9 =	vmmov vm8;
	v9 =	vmovc v23;
	v8 =	vmov v22  }
.LBB2_46:
.Ltmp48:
0x357: {  	_ = 	snop;
	(pc) =	sbr.rel .LBB2_49-.Ltmp48, $3  }
0x358: {  	_ =	sdelay $0x1  }
0x359: {  	v20 =	vmovc v9;
	v21 =	vmov v8;
	v14 =	vmov v10;
	v17 =	vmov v12  }
0x35a: {  	v18 =	vmovc v23;
	v15 =	vmovc v13;
	v19 =	vmov v22;
	v8 =	vmov v24;
	v9 =	vmov v25  }
.LBB2_65:
0x35b: {  	_ =	sfence.sel $0x180000  }
0x35c: {  	[bflag:$0x0] =	sbarrier.arrive $0xFFFF  }
0x35d: {  	_ =	strace $0x90000047  }
0x35e: {  	s0 =	stileid.u32;
	[bflag:$0x2] =	sbarrier.arrive $0xFFFF  }
0x35f: {  	p0 =	sne.s32 s0, $0x0;
	s0 =	rddreg [dreg:$0x2]  }
0x360: {  	s0 =	sadd.s32 @!p0 $0x100000, s0  }
0x361: {  	[sflag:s0] =	ssyncadd.tile.s32 @!p0 $0x1;
	_ =	shalt  }
.Lfunc_end2:
_tile_overlayer_lowered:
.L_overlay_start_2:
0x362: {  	(tag) =	ssettag $0x2  }
0x363: {  	s0 =	rddreg [dreg:$0x0];
	s2 =	stileid.u32  }
0x364: {  	s1 =	rddreg [dreg:$0x1];
	p0 =	sne.s32 s2, $0x0  }
0x365: {  	s3 =	rddreg [dreg:$0x2];
	[bflag:$0x3] =	sbarrier.arrive $0xFFFF;
	s2 =	simm.s32 @!p0 $0x1C03  }
0x366: {  	[timem:s3], [sflag:s2] =	dma.local @!p0 [hbm:s0], s1  }
0x367: {  	s0 =	simm.s32 @!p0 $0x3  }
0x368: {  	_ =	swait.ge @!p0 [sflag:s0], s1  }
0x369: {  	s1 =	ssub.s32 @!p0 $0x0, s1;
	[sflag:s0] =	ssyncset.done @!p0 $0x0  }
0x36a: {  	[sflag:s0] =	ssyncadd.s32 @!p0 s1  }
0x36b: {  	[bflag:$0x3] =	sbarrier.arrive $0xFFFF  }
0x36c: {  	_ =	shalt  }

</sc_bundles>
